<compile_context>
chip_gen: v7x
topology: tpu7x:2x2x1
jax: 0.10.2.dev20260603
libtpu: 0.0.44.dev20260713+nightly
codegen_flags: <defaults>
</compile_context>

<pallas_src>
import functools

import jax
import jax.numpy as jnp
from jax import lax
from jax.experimental import pallas as pl
from jax.experimental.pallas import tpu as pltpu
from jax.experimental.pallas import tpu_sc as plsc

_N = 10000
_NP = 10240
_E = 160000
_D = 256
_H1 = 512
_OUT = 128

_NC = 2
_NS = 16
_CH = 128
_NCK = 80
_EPT = _NCK * _CH
_EPAD = _EPT * _NS
_RPT = _NP // _NS


def _make_agg(F: int):
    mesh = plsc.VectorSubcoreMesh(core_axis_name="c", subcore_axis_name="s")

    @functools.partial(
        pl.kernel,
        out_type=jax.ShapeDtypeStruct((_NC * _NP, F), jnp.float32),
        mesh=mesh,
        scratch_types=[
            pltpu.VMEM((2, 2, _CH), jnp.int32),
            pltpu.VMEM((2, _CH, F), jnp.float32),
            pltpu.VMEM_SHARED((_NP, F), jnp.float32),
            pltpu.SemaphoreType.DMA,
        ],
        compiler_params=pltpu.CompilerParams(use_tc_tiling_on_sc=False),
    )
    def agg(tab_hbm, idx_hbm, init_hbm, out_hbm,
            idx_v, rows_v, acc, gsem):
        cid = lax.axis_index("c")
        sid = lax.axis_index("s")
        row0 = sid * _RPT
        for c in range(0, _RPT, _CH):
            pltpu.sync_copy(init_hbm.at[pl.ds(cid * _NP + row0 + c, _CH)],
                            rows_v.at[0])
            pltpu.sync_copy(rows_v.at[0], acc.at[pl.ds(row0 + c, _CH)])
        plsc.subcore_barrier()
        ibase = (cid * _NS + sid) * _NCK

        def _fetch(jj, b):
            pltpu.sync_copy(idx_hbm.at[pl.ds(2 * (ibase + jj), 2)],
                            idx_v.at[b])
            pltpu.async_copy(tab_hbm.at[idx_v.at[b].at[0]],
                             rows_v.at[b], gsem)

        _fetch(0, 0)

        @pl.loop(0, _NCK, step=2)
        def _pair(j):
            for b in (0, 1):
                jj = j + b
                nxt = jj + 1

                @pl.when(nxt < _NCK)
                def _():
                    _fetch(nxt, 1 - b)

                pltpu.make_async_copy(tab_hbm.at[idx_v.at[b].at[0]],
                                      rows_v.at[b], gsem).wait()
                pltpu.sync_copy(rows_v.at[b], acc.at[idx_v.at[b].at[1]],
                                add=True)

        plsc.subcore_barrier()
        for c in range(0, _RPT, _CH):
            pltpu.sync_copy(acc.at[pl.ds(row0 + c, _CH)], rows_v.at[0])
            pltpu.sync_copy(rows_v.at[0],
                            out_hbm.at[pl.ds(cid * _NP + row0 + c, _CH)])

    return agg


_agg_d = _make_agg(_D // 2)
_agg_o = _make_agg(_OUT // 2)

_MB = 512


def _mm_body(x_ref, s_ref, w1_ref, w2_ref, p_ref, q_ref):
    xb = x_ref[...]
    hcat = jnp.concatenate([xb, s_ref[0], s_ref[1]], axis=1)
    h = jnp.maximum(
        jnp.dot(hcat, w1_ref[...], preferred_element_type=jnp.float32), 0.0)
    w2 = w2_ref[...]
    q = jnp.dot(h, w2[:_H1], preferred_element_type=jnp.float32)
    p = jnp.dot(h, w2[_H1:], preferred_element_type=jnp.float32)
    ho = _OUT // 2
    p_ref[0] = p[:, :ho]
    p_ref[1] = p[:, ho:]
    q_ref[0] = q[:, :ho]
    q_ref[1] = q[:, ho:]


_mm = pl.pallas_call(
    _mm_body,
    grid=(_NP // _MB,),
    in_specs=[
        pl.BlockSpec((_MB, _D), lambda i: (i, 0)),
        pl.BlockSpec((2, _MB, _D // 2), lambda i: (0, i, 0)),
        pl.BlockSpec((2 * _D, _H1), lambda i: (0, 0)),
        pl.BlockSpec((2 * _H1, _OUT), lambda i: (0, 0)),
    ],
    out_specs=[
        pl.BlockSpec((2, _MB, _OUT // 2), lambda i: (0, i, 0)),
        pl.BlockSpec((2, _MB, _OUT // 2), lambda i: (0, i, 0)),
    ],
    out_shape=[
        jax.ShapeDtypeStruct((2, _NP, _OUT // 2), jnp.float32),
        jax.ShapeDtypeStruct((2, _NP, _OUT // 2), jnp.float32),
    ],
)


def kernel(x, edge_index, W1, W2):
    i32 = jnp.int32
    src = edge_index[0].astype(i32)
    dst = edge_index[1].astype(i32)
    epad = _EPAD - _E
    srcp = jnp.concatenate([src, jnp.zeros((epad,), i32)])
    dstp = jnp.concatenate([dst, jnp.full((epad,), _N, i32)])
    dchunks = dstp.reshape(_NS * _NCK, _CH)
    idx_all = jnp.concatenate([
        jnp.stack([srcp.reshape(_NS * _NCK, _CH), dchunks], axis=1),
        jnp.stack([(srcp + _NP).reshape(_NS * _NCK, _CH), dchunks], axis=1),
    ], axis=0).reshape(2 * _NS * _NCK * 2, _CH)
    hd = _D // 2
    zrows = jnp.zeros((_NP - _N, hd), jnp.float32)
    tab1 = jnp.concatenate([x[:, :hd], zrows, x[:, hd:], zrows], axis=0)
    init1 = jnp.zeros((2 * _NP, hd), jnp.float32)
    sup = _agg_d(tab1, idx_all, init1).reshape(2, _NP, hd)
    xp = jnp.concatenate([x, jnp.zeros((_NP - _N, _D), jnp.float32)], axis=0)
    p_slab, q_slab = _mm(xp, sup, W1, W2)
    ho = _OUT // 2
    out2 = _agg_o(p_slab.reshape(2 * _NP, ho), idx_all,
                  q_slab.reshape(2 * _NP, ho))
    o = out2.reshape(2, _NP, ho)
    return jnp.concatenate([o[0, :_N], o[1, :_N]], axis=1)

# --- scband reference (transcript-rebuilt; emitter-appended) ---
"""Pipeline reference for scband-gcn-39986145526068 (READ-ONLY COPY).

The authoritative reference and input builder live on the scoring server;
editing this copy changes nothing except your own understanding.
"""

import jax, jax.numpy as jnp
import numpy as np

N_NODES = 10000
N_EDGES = 160000
D_FEAT = 256
HIDDEN1 = 512
OUT_DIM = 128


def setup_inputs(seed: int = 0) -> dict:
    key = jax.random.key(seed)
    k1, k2, k3, k4 = jax.random.split(key, 4)
    x = jax.random.normal(k1, (N_NODES, D_FEAT), dtype=jnp.float32)
    edge_index = jax.random.randint(k2, (2, N_EDGES), 0, N_NODES, dtype=jnp.int64)
    # GraphConvolution layer 1: input_dim*2 -> hidden1 (glorot-like scale)
    W1 = jax.random.normal(k3, (2 * D_FEAT, HIDDEN1), dtype=jnp.float32) * (1.0 / np.sqrt(2 * D_FEAT))
    # GraphConvolution layer 2 (output layer): hidden1*2 -> output_dim
    W2 = jax.random.normal(k4, (2 * HIDDEN1, OUT_DIM), dtype=jnp.float32) * (1.0 / np.sqrt(2 * HIDDEN1))
    return {"x": x, "edge_index": edge_index, "W1": W1, "W2": W2}


def _graph_conv(h, W, src, dst, n_nodes, act):
    # Cluster-GCN GraphConvolution with precalc=False:
    #   support = A @ h  (sparse matmul, realized as gather + scatter-add)
    #   h = concat([h, support], axis=1)
    #   out = act(h @ W)
    gathered = jnp.take(h, src, axis=0)
    support = jax.ops.segment_sum(gathered, dst, num_segments=n_nodes)
    h_cat = jnp.concatenate([h, support], axis=1)
    return act(jnp.dot(h_cat, W))


def reference(x, edge_index, W1, W2):
    src = edge_index[0]
    dst = edge_index[1]
    # layer 1: relu activation
    h = _graph_conv(x, W1, src, dst, N_NODES, jax.nn.relu)
    # layer 2 (final): identity activation -> logits
    out = _graph_conv(h, W2, src, dst, N_NODES, lambda t: t)
    return out

if __name__ == "__main__":
    import jax
    _d = setup_inputs()
    print(jax.jit(kernel)(*tuple(_d.values())))

</pallas_src>

<mosaic_0001>
#map = affine_map<(d0, d1) -> (0, 0)>
module attributes {stable_mosaic.version = 14 : i64} {
  func.func @agg(%arg0: i32, %arg1: i32, %arg2: memref<20480x128xf32, #tpu.memory_space<hbm>>, %arg3: memref<5120x128xi32, #tpu.memory_space<hbm>>, %arg4: memref<20480x128xf32, #tpu.memory_space<hbm>>, %arg5: memref<20480x128xf32, #tpu.memory_space<hbm>>, %arg6: memref<2x2x128xi32, #tpu.memory_space<vmem>>, %arg7: memref<2x128x128xf32, #tpu.memory_space<vmem>>, %arg8: memref<10240x128xf32, #tpu.memory_space<vmem_shared>>, %arg9: memref<!tpu.dma_semaphore, #tpu.memory_space<semaphore_mem>>) attributes {dimension_semantics = [#tpu.dimension_semantics<core_parallel>, #tpu.dimension_semantics<subcore_parallel>], iteration_bounds = array<i64: 2, 16>, scalar_prefetch = 0 : i64, scratch_operands = 4 : i64, tpu.core_type = #tpu.core_type<sc_vector_subcore>, window_params = [{transform_indices = #map}, {transform_indices = #map}, {transform_indices = #map}, {transform_indices = #map}]} {
    %mul3A = arith.constant 640 : i32
    %mul3A_0 = arith.muli %arg1, %mul3A : i32
    %mul3A_1 = arith.constant 10240 : i32
    %mul3A_2 = arith.muli %arg0, %mul3A_1 : i32
    %add3A = arith.addi %mul3A_2, %mul3A_0 : i32
    %add3A_3 = arith.constant 0 : i32
    %add3A_4 = arith.addi %add3A, %add3A_3 : i32
    %run_scoped3A = arith.constant 0 : i32
    "tpu.region"() ({
      %run_scoped3A_120 = tpu.sem_alloc : memref<!tpu.dma_semaphore, #tpu.memory_space<semaphore_mem>>
      %dma_start3A_121 = arith.constant 0 : i32
      %dma_start3A_122 = arith.constant 0 : i32
      %dma_start3A_123 = tpu.memref_slice %arg7[%run_scoped3A, %dma_start3A_121, %dma_start3A_122] : memref<2x128x128xf32, #tpu.memory_space<vmem>> -> memref<1x128x128xf32, #tpu.memory_space<vmem>>
      %dma_start3A_124 = tpu.memref_squeeze %dma_start3A_123 : memref<1x128x128xf32, #tpu.memory_space<vmem>> -> memref<128x128xf32, #tpu.memory_space<vmem>>
      %dma_start3A_125 = arith.constant 0 : i32
      %dma_start3A_126 = tpu.memref_slice %arg4[%add3A_4, %dma_start3A_125] : memref<20480x128xf32, #tpu.memory_space<hbm>> -> memref<128x128xf32, #tpu.memory_space<hbm>>
      %dma_start3A_127 = arith.constant 0 : i32
      %dma_start3A_128 = arith.constant 0 : i32
      %dma_start3A_129 = tpu.memref_slice %arg7[%run_scoped3A, %dma_start3A_127, %dma_start3A_128] : memref<2x128x128xf32, #tpu.memory_space<vmem>> -> memref<1x128x128xf32, #tpu.memory_space<vmem>>
      %dma_start3A_130 = tpu.memref_squeeze %dma_start3A_129 : memref<1x128x128xf32, #tpu.memory_space<vmem>> -> memref<128x128xf32, #tpu.memory_space<vmem>>
      %dma_start3A_131 = arith.constant 0 : i32
      %dma_start3A_132 = tpu.memref_slice %arg4[%add3A_4, %dma_start3A_131] : memref<20480x128xf32, #tpu.memory_space<hbm>> -> memref<128x128xf32, #tpu.memory_space<hbm>>
      tpu.enqueue_dma source(%dma_start3A_132 : memref<128x128xf32, #tpu.memory_space<hbm>>) target(%dma_start3A_130 : memref<128x128xf32, #tpu.memory_space<vmem>>) target_semaphore(%run_scoped3A_120 : memref<!tpu.dma_semaphore, #tpu.memory_space<semaphore_mem>>)
      %dma_wait3A = arith.constant 0 : i32
      %dma_wait3A_133 = arith.constant 0 : i32
      %dma_wait3A_134 = tpu.memref_slice %arg7[%run_scoped3A, %dma_wait3A, %dma_wait3A_133] : memref<2x128x128xf32, #tpu.memory_space<vmem>> -> memref<1x128x128xf32, #tpu.memory_space<vmem>>
      %dma_wait3A_135 = tpu.memref_squeeze %dma_wait3A_134 : memref<1x128x128xf32, #tpu.memory_space<vmem>> -> memref<128x128xf32, #tpu.memory_space<vmem>>
      %dma_wait3A_136 = arith.constant 0 : i32
      %dma_wait3A_137 = tpu.memref_slice %arg4[%add3A_4, %dma_wait3A_136] : memref<20480x128xf32, #tpu.memory_space<hbm>> -> memref<128x128xf32, #tpu.memory_space<hbm>>
      %dma_wait3A_138 = arith.constant 0 : i32
      %dma_wait3A_139 = arith.constant 0 : i32
      %dma_wait3A_140 = tpu.memref_slice %arg7[%run_scoped3A, %dma_wait3A_138, %dma_wait3A_139] : memref<2x128x128xf32, #tpu.memory_space<vmem>> -> memref<1x128x128xf32, #tpu.memory_space<vmem>>
      %dma_wait3A_141 = tpu.memref_squeeze %dma_wait3A_140 : memref<1x128x128xf32, #tpu.memory_space<vmem>> -> memref<128x128xf32, #tpu.memory_space<vmem>>
      %dma_wait3A_142 = arith.constant 0 : i32
      %dma_wait3A_143 = tpu.memref_slice %arg4[%add3A_4, %dma_wait3A_142] : memref<20480x128xf32, #tpu.memory_space<hbm>> -> memref<128x128xf32, #tpu.memory_space<hbm>>
      tpu.wait_dma2 semaphore(%run_scoped3A_120 : memref<!tpu.dma_semaphore, #tpu.memory_space<semaphore_mem>>) src(%dma_wait3A_143 : memref<128x128xf32, #tpu.memory_space<hbm>>) dst(%dma_wait3A_141 : memref<128x128xf32, #tpu.memory_space<vmem>>)
      tpu.yield
    }) : () -> ()
    %add3A_5 = arith.constant 0 : i32
    %add3A_6 = arith.addi %mul3A_0, %add3A_5 : i32
    %run_scoped3A_7 = arith.constant 0 : i32
    "tpu.region"() ({
      %run_scoped3A_120 = tpu.sem_alloc : memref<!tpu.dma_semaphore, #tpu.memory_space<semaphore_mem>>
      %dma_start3A_121 = arith.constant 0 : i32
      %dma_start3A_122 = arith.constant 0 : i32
      %dma_start3A_123 = tpu.memref_slice %arg7[%run_scoped3A_7, %dma_start3A_121, %dma_start3A_122] : memref<2x128x128xf32, #tpu.memory_space<vmem>> -> memref<1x128x128xf32, #tpu.memory_space<vmem>>
      %dma_start3A_124 = tpu.memref_squeeze %dma_start3A_123 : memref<1x128x128xf32, #tpu.memory_space<vmem>> -> memref<128x128xf32, #tpu.memory_space<vmem>>
      %dma_start3A_125 = arith.constant 0 : i32
      %dma_start3A_126 = tpu.memref_slice %arg8[%add3A_6, %dma_start3A_125] : memref<10240x128xf32, #tpu.memory_space<vmem_shared>> -> memref<128x128xf32, #tpu.memory_space<vmem_shared>>
      %dma_start3A_127 = arith.constant 0 : i32
      %dma_start3A_128 = tpu.memref_slice %arg8[%add3A_6, %dma_start3A_127] : memref<10240x128xf32, #tpu.memory_space<vmem_shared>> -> memref<128x128xf32, #tpu.memory_space<vmem_shared>>
      %dma_start3A_129 = arith.constant 0 : i32
      %dma_start3A_130 = arith.constant 0 : i32
      %dma_start3A_131 = tpu.memref_slice %arg7[%run_scoped3A_7, %dma_start3A_129, %dma_start3A_130] : memref<2x128x128xf32, #tpu.memory_space<vmem>> -> memref<1x128x128xf32, #tpu.memory_space<vmem>>
      %dma_start3A_132 = tpu.memref_squeeze %dma_start3A_131 : memref<1x128x128xf32, #tpu.memory_space<vmem>> -> memref<128x128xf32, #tpu.memory_space<vmem>>
      tpu.enqueue_dma source(%dma_start3A_132 : memref<128x128xf32, #tpu.memory_space<vmem>>) target(%dma_start3A_128 : memref<128x128xf32, #tpu.memory_space<vmem_shared>>) target_semaphore(%run_scoped3A_120 : memref<!tpu.dma_semaphore, #tpu.memory_space<semaphore_mem>>)
      %dma_wait3A = arith.constant 0 : i32
      %dma_wait3A_133 = arith.constant 0 : i32
      %dma_wait3A_134 = tpu.memref_slice %arg7[%run_scoped3A_7, %dma_wait3A, %dma_wait3A_133] : memref<2x128x128xf32, #tpu.memory_space<vmem>> -> memref<1x128x128xf32, #tpu.memory_space<vmem>>
      %dma_wait3A_135 = tpu.memref_squeeze %dma_wait3A_134 : memref<1x128x128xf32, #tpu.memory_space<vmem>> -> memref<128x128xf32, #tpu.memory_space<vmem>>
      %dma_wait3A_136 = arith.constant 0 : i32
      %dma_wait3A_137 = tpu.memref_slice %arg8[%add3A_6, %dma_wait3A_136] : memref<10240x128xf32, #tpu.memory_space<vmem_shared>> -> memref<128x128xf32, #tpu.memory_space<vmem_shared>>
      %dma_wait3A_138 = arith.constant 0 : i32
      %dma_wait3A_139 = tpu.memref_slice %arg8[%add3A_6, %dma_wait3A_138] : memref<10240x128xf32, #tpu.memory_space<vmem_shared>> -> memref<128x128xf32, #tpu.memory_space<vmem_shared>>
      %dma_wait3A_140 = arith.constant 0 : i32
      %dma_wait3A_141 = arith.constant 0 : i32
      %dma_wait3A_142 = tpu.memref_slice %arg7[%run_scoped3A_7, %dma_wait3A_140, %dma_wait3A_141] : memref<2x128x128xf32, #tpu.memory_space<vmem>> -> memref<1x128x128xf32, #tpu.memory_space<vmem>>
      %dma_wait3A_143 = tpu.memref_squeeze %dma_wait3A_142 : memref<1x128x128xf32, #tpu.memory_space<vmem>> -> memref<128x128xf32, #tpu.memory_space<vmem>>
      tpu.wait_dma2 semaphore(%run_scoped3A_120 : memref<!tpu.dma_semaphore, #tpu.memory_space<semaphore_mem>>) src(%dma_wait3A_143 : memref<128x128xf32, #tpu.memory_space<vmem>>) dst(%dma_wait3A_139 : memref<128x128xf32, #tpu.memory_space<vmem_shared>>)
      tpu.yield
    }) : () -> ()
    %mul3A_8 = arith.constant 10240 : i32
    %mul3A_9 = arith.muli %arg0, %mul3A_8 : i32
    %add3A_10 = arith.addi %mul3A_9, %mul3A_0 : i32
    %add3A_11 = arith.constant 128 : i32
    %add3A_12 = arith.addi %add3A_10, %add3A_11 : i32
    %run_scoped3A_13 = arith.constant 0 : i32
    "tpu.region"() ({
      %run_scoped3A_120 = tpu.sem_alloc : memref<!tpu.dma_semaphore, #tpu.memory_space<semaphore_mem>>
      %dma_start3A_121 = arith.constant 0 : i32
      %dma_start3A_122 = arith.constant 0 : i32
      %dma_start3A_123 = tpu.memref_slice %arg7[%run_scoped3A_13, %dma_start3A_121, %dma_start3A_122] : memref<2x128x128xf32, #tpu.memory_space<vmem>> -> memref<1x128x128xf32, #tpu.memory_space<vmem>>
      %dma_start3A_124 = tpu.memref_squeeze %dma_start3A_123 : memref<1x128x128xf32, #tpu.memory_space<vmem>> -> memref<128x128xf32, #tpu.memory_space<vmem>>
      %dma_start3A_125 = arith.constant 0 : i32
      %dma_start3A_126 = tpu.memref_slice %arg4[%add3A_12, %dma_start3A_125] : memref<20480x128xf32, #tpu.memory_space<hbm>> -> memref<128x128xf32, #tpu.memory_space<hbm>>
      %dma_start3A_127 = arith.constant 0 : i32
      %dma_start3A_128 = arith.constant 0 : i32
      %dma_start3A_129 = tpu.memref_slice %arg7[%run_scoped3A_13, %dma_start3A_127, %dma_start3A_128] : memref<2x128x128xf32, #tpu.memory_space<vmem>> -> memref<1x128x128xf32, #tpu.memory_space<vmem>>
      %dma_start3A_130 = tpu.memref_squeeze %dma_start3A_129 : memref<1x128x128xf32, #tpu.memory_space<vmem>> -> memref<128x128xf32, #tpu.memory_space<vmem>>
      %dma_start3A_131 = arith.constant 0 : i32
      %dma_start3A_132 = tpu.memref_slice %arg4[%add3A_12, %dma_start3A_131] : memref<20480x128xf32, #tpu.memory_space<hbm>> -> memref<128x128xf32, #tpu.memory_space<hbm>>
      tpu.enqueue_dma source(%dma_start3A_132 : memref<128x128xf32, #tpu.memory_space<hbm>>) target(%dma_start3A_130 : memref<128x128xf32, #tpu.memory_space<vmem>>) target_semaphore(%run_scoped3A_120 : memref<!tpu.dma_semaphore, #tpu.memory_space<semaphore_mem>>)
      %dma_wait3A = arith.constant 0 : i32
      %dma_wait3A_133 = arith.constant 0 : i32
      %dma_wait3A_134 = tpu.memref_slice %arg7[%run_scoped3A_13, %dma_wait3A, %dma_wait3A_133] : memref<2x128x128xf32, #tpu.memory_space<vmem>> -> memref<1x128x128xf32, #tpu.memory_space<vmem>>
      %dma_wait3A_135 = tpu.memref_squeeze %dma_wait3A_134 : memref<1x128x128xf32, #tpu.memory_space<vmem>> -> memref<128x128xf32, #tpu.memory_space<vmem>>
      %dma_wait3A_136 = arith.constant 0 : i32
      %dma_wait3A_137 = tpu.memref_slice %arg4[%add3A_12, %dma_wait3A_136] : memref<20480x128xf32, #tpu.memory_space<hbm>> -> memref<128x128xf32, #tpu.memory_space<hbm>>
      %dma_wait3A_138 = arith.constant 0 : i32
      %dma_wait3A_139 = arith.constant 0 : i32
      %dma_wait3A_140 = tpu.memref_slice %arg7[%run_scoped3A_13, %dma_wait3A_138, %dma_wait3A_139] : memref<2x128x128xf32, #tpu.memory_space<vmem>> -> memref<1x128x128xf32, #tpu.memory_space<vmem>>
      %dma_wait3A_141 = tpu.memref_squeeze %dma_wait3A_140 : memref<1x128x128xf32, #tpu.memory_space<vmem>> -> memref<128x128xf32, #tpu.memory_space<vmem>>
      %dma_wait3A_142 = arith.constant 0 : i32
      %dma_wait3A_143 = tpu.memref_slice %arg4[%add3A_12, %dma_wait3A_142] : memref<20480x128xf32, #tpu.memory_space<hbm>> -> memref<128x128xf32, #tpu.memory_space<hbm>>
      tpu.wait_dma2 semaphore(%run_scoped3A_120 : memref<!tpu.dma_semaphore, #tpu.memory_space<semaphore_mem>>) src(%dma_wait3A_143 : memref<128x128xf32, #tpu.memory_space<hbm>>) dst(%dma_wait3A_141 : memref<128x128xf32, #tpu.memory_space<vmem>>)
      tpu.yield
    }) : () -> ()
    %add3A_14 = arith.constant 128 : i32
    %add3A_15 = arith.addi %mul3A_0, %add3A_14 : i32
    %run_scoped3A_16 = arith.constant 0 : i32
    "tpu.region"() ({
      %run_scoped3A_120 = tpu.sem_alloc : memref<!tpu.dma_semaphore, #tpu.memory_space<semaphore_mem>>
      %dma_start3A_121 = arith.constant 0 : i32
      %dma_start3A_122 = arith.constant 0 : i32
      %dma_start3A_123 = tpu.memref_slice %arg7[%run_scoped3A_16, %dma_start3A_121, %dma_start3A_122] : memref<2x128x128xf32, #tpu.memory_space<vmem>> -> memref<1x128x128xf32, #tpu.memory_space<vmem>>
      %dma_start3A_124 = tpu.memref_squeeze %dma_start3A_123 : memref<1x128x128xf32, #tpu.memory_space<vmem>> -> memref<128x128xf32, #tpu.memory_space<vmem>>
      %dma_start3A_125 = arith.constant 0 : i32
      %dma_start3A_126 = tpu.memref_slice %arg8[%add3A_15, %dma_start3A_125] : memref<10240x128xf32, #tpu.memory_space<vmem_shared>> -> memref<128x128xf32, #tpu.memory_space<vmem_shared>>
      %dma_start3A_127 = arith.constant 0 : i32
      %dma_start3A_128 = tpu.memref_slice %arg8[%add3A_15, %dma_start3A_127] : memref<10240x128xf32, #tpu.memory_space<vmem_shared>> -> memref<128x128xf32, #tpu.memory_space<vmem_shared>>
      %dma_start3A_129 = arith.constant 0 : i32
      %dma_start3A_130 = arith.constant 0 : i32
      %dma_start3A_131 = tpu.memref_slice %arg7[%run_scoped3A_16, %dma_start3A_129, %dma_start3A_130] : memref<2x128x128xf32, #tpu.memory_space<vmem>> -> memref<1x128x128xf32, #tpu.memory_space<vmem>>
      %dma_start3A_132 = tpu.memref_squeeze %dma_start3A_131 : memref<1x128x128xf32, #tpu.memory_space<vmem>> -> memref<128x128xf32, #tpu.memory_space<vmem>>
      tpu.enqueue_dma source(%dma_start3A_132 : memref<128x128xf32, #tpu.memory_space<vmem>>) target(%dma_start3A_128 : memref<128x128xf32, #tpu.memory_space<vmem_shared>>) target_semaphore(%run_scoped3A_120 : memref<!tpu.dma_semaphore, #tpu.memory_space<semaphore_mem>>)
      %dma_wait3A = arith.constant 0 : i32
      %dma_wait3A_133 = arith.constant 0 : i32
      %dma_wait3A_134 = tpu.memref_slice %arg7[%run_scoped3A_16, %dma_wait3A, %dma_wait3A_133] : memref<2x128x128xf32, #tpu.memory_space<vmem>> -> memref<1x128x128xf32, #tpu.memory_space<vmem>>
      %dma_wait3A_135 = tpu.memref_squeeze %dma_wait3A_134 : memref<1x128x128xf32, #tpu.memory_space<vmem>> -> memref<128x128xf32, #tpu.memory_space<vmem>>
      %dma_wait3A_136 = arith.constant 0 : i32
      %dma_wait3A_137 = tpu.memref_slice %arg8[%add3A_15, %dma_wait3A_136] : memref<10240x128xf32, #tpu.memory_space<vmem_shared>> -> memref<128x128xf32, #tpu.memory_space<vmem_shared>>
      %dma_wait3A_138 = arith.constant 0 : i32
      %dma_wait3A_139 = tpu.memref_slice %arg8[%add3A_15, %dma_wait3A_138] : memref<10240x128xf32, #tpu.memory_space<vmem_shared>> -> memref<128x128xf32, #tpu.memory_space<vmem_shared>>
      %dma_wait3A_140 = arith.constant 0 : i32
      %dma_wait3A_141 = arith.constant 0 : i32
      %dma_wait3A_142 = tpu.memref_slice %arg7[%run_scoped3A_16, %dma_wait3A_140, %dma_wait3A_141] : memref<2x128x128xf32, #tpu.memory_space<vmem>> -> memref<1x128x128xf32, #tpu.memory_space<vmem>>
      %dma_wait3A_143 = tpu.memref_squeeze %dma_wait3A_142 : memref<1x128x128xf32, #tpu.memory_space<vmem>> -> memref<128x128xf32, #tpu.memory_space<vmem>>
      tpu.wait_dma2 semaphore(%run_scoped3A_120 : memref<!tpu.dma_semaphore, #tpu.memory_space<semaphore_mem>>) src(%dma_wait3A_143 : memref<128x128xf32, #tpu.memory_space<vmem>>) dst(%dma_wait3A_139 : memref<128x128xf32, #tpu.memory_space<vmem_shared>>)
      tpu.yield
    }) : () -> ()
    %mul3A_17 = arith.constant 10240 : i32
    %mul3A_18 = arith.muli %arg0, %mul3A_17 : i32
    %add3A_19 = arith.addi %mul3A_18, %mul3A_0 : i32
    %add3A_20 = arith.constant 256 : i32
    %add3A_21 = arith.addi %add3A_19, %add3A_20 : i32
    %run_scoped3A_22 = arith.constant 0 : i32
    "tpu.region"() ({
      %run_scoped3A_120 = tpu.sem_alloc : memref<!tpu.dma_semaphore, #tpu.memory_space<semaphore_mem>>
      %dma_start3A_121 = arith.constant 0 : i32
      %dma_start3A_122 = arith.constant 0 : i32
      %dma_start3A_123 = tpu.memref_slice %arg7[%run_scoped3A_22, %dma_start3A_121, %dma_start3A_122] : memref<2x128x128xf32, #tpu.memory_space<vmem>> -> memref<1x128x128xf32, #tpu.memory_space<vmem>>
      %dma_start3A_124 = tpu.memref_squeeze %dma_start3A_123 : memref<1x128x128xf32, #tpu.memory_space<vmem>> -> memref<128x128xf32, #tpu.memory_space<vmem>>
      %dma_start3A_125 = arith.constant 0 : i32
      %dma_start3A_126 = tpu.memref_slice %arg4[%add3A_21, %dma_start3A_125] : memref<20480x128xf32, #tpu.memory_space<hbm>> -> memref<128x128xf32, #tpu.memory_space<hbm>>
      %dma_start3A_127 = arith.constant 0 : i32
      %dma_start3A_128 = arith.constant 0 : i32
      %dma_start3A_129 = tpu.memref_slice %arg7[%run_scoped3A_22, %dma_start3A_127, %dma_start3A_128] : memref<2x128x128xf32, #tpu.memory_space<vmem>> -> memref<1x128x128xf32, #tpu.memory_space<vmem>>
      %dma_start3A_130 = tpu.memref_squeeze %dma_start3A_129 : memref<1x128x128xf32, #tpu.memory_space<vmem>> -> memref<128x128xf32, #tpu.memory_space<vmem>>
      %dma_start3A_131 = arith.constant 0 : i32
      %dma_start3A_132 = tpu.memref_slice %arg4[%add3A_21, %dma_start3A_131] : memref<20480x128xf32, #tpu.memory_space<hbm>> -> memref<128x128xf32, #tpu.memory_space<hbm>>
      tpu.enqueue_dma source(%dma_start3A_132 : memref<128x128xf32, #tpu.memory_space<hbm>>) target(%dma_start3A_130 : memref<128x128xf32, #tpu.memory_space<vmem>>) target_semaphore(%run_scoped3A_120 : memref<!tpu.dma_semaphore, #tpu.memory_space<semaphore_mem>>)
      %dma_wait3A = arith.constant 0 : i32
      %dma_wait3A_133 = arith.constant 0 : i32
      %dma_wait3A_134 = tpu.memref_slice %arg7[%run_scoped3A_22, %dma_wait3A, %dma_wait3A_133] : memref<2x128x128xf32, #tpu.memory_space<vmem>> -> memref<1x128x128xf32, #tpu.memory_space<vmem>>
      %dma_wait3A_135 = tpu.memref_squeeze %dma_wait3A_134 : memref<1x128x128xf32, #tpu.memory_space<vmem>> -> memref<128x128xf32, #tpu.memory_space<vmem>>
      %dma_wait3A_136 = arith.constant 0 : i32
      %dma_wait3A_137 = tpu.memref_slice %arg4[%add3A_21, %dma_wait3A_136] : memref<20480x128xf32, #tpu.memory_space<hbm>> -> memref<128x128xf32, #tpu.memory_space<hbm>>
      %dma_wait3A_138 = arith.constant 0 : i32
      %dma_wait3A_139 = arith.constant 0 : i32
      %dma_wait3A_140 = tpu.memref_slice %arg7[%run_scoped3A_22, %dma_wait3A_138, %dma_wait3A_139] : memref<2x128x128xf32, #tpu.memory_space<vmem>> -> memref<1x128x128xf32, #tpu.memory_space<vmem>>
      %dma_wait3A_141 = tpu.memref_squeeze %dma_wait3A_140 : memref<1x128x128xf32, #tpu.memory_space<vmem>> -> memref<128x128xf32, #tpu.memory_space<vmem>>
      %dma_wait3A_142 = arith.constant 0 : i32
      %dma_wait3A_143 = tpu.memref_slice %arg4[%add3A_21, %dma_wait3A_142] : memref<20480x128xf32, #tpu.memory_space<hbm>> -> memref<128x128xf32, #tpu.memory_space<hbm>>
      tpu.wait_dma2 semaphore(%run_scoped3A_120 : memref<!tpu.dma_semaphore, #tpu.memory_space<semaphore_mem>>) src(%dma_wait3A_143 : memref<128x128xf32, #tpu.memory_space<hbm>>) dst(%dma_wait3A_141 : memref<128x128xf32, #tpu.memory_space<vmem>>)
      tpu.yield
    }) : () -> ()
    %add3A_23 = arith.constant 256 : i32
    %add3A_24 = arith.addi %mul3A_0, %add3A_23 : i32
    %run_scoped3A_25 = arith.constant 0 : i32
    "tpu.region"() ({
      %run_scoped3A_120 = tpu.sem_alloc : memref<!tpu.dma_semaphore, #tpu.memory_space<semaphore_mem>>
      %dma_start3A_121 = arith.constant 0 : i32
      %dma_start3A_122 = arith.constant 0 : i32
      %dma_start3A_123 = tpu.memref_slice %arg7[%run_scoped3A_25, %dma_start3A_121, %dma_start3A_122] : memref<2x128x128xf32, #tpu.memory_space<vmem>> -> memref<1x128x128xf32, #tpu.memory_space<vmem>>
      %dma_start3A_124 = tpu.memref_squeeze %dma_start3A_123 : memref<1x128x128xf32, #tpu.memory_space<vmem>> -> memref<128x128xf32, #tpu.memory_space<vmem>>
      %dma_start3A_125 = arith.constant 0 : i32
      %dma_start3A_126 = tpu.memref_slice %arg8[%add3A_24, %dma_start3A_125] : memref<10240x128xf32, #tpu.memory_space<vmem_shared>> -> memref<128x128xf32, #tpu.memory_space<vmem_shared>>
      %dma_start3A_127 = arith.constant 0 : i32
      %dma_start3A_128 = tpu.memref_slice %arg8[%add3A_24, %dma_start3A_127] : memref<10240x128xf32, #tpu.memory_space<vmem_shared>> -> memref<128x128xf32, #tpu.memory_space<vmem_shared>>
      %dma_start3A_129 = arith.constant 0 : i32
      %dma_start3A_130 = arith.constant 0 : i32
      %dma_start3A_131 = tpu.memref_slice %arg7[%run_scoped3A_25, %dma_start3A_129, %dma_start3A_130] : memref<2x128x128xf32, #tpu.memory_space<vmem>> -> memref<1x128x128xf32, #tpu.memory_space<vmem>>
      %dma_start3A_132 = tpu.memref_squeeze %dma_start3A_131 : memref<1x128x128xf32, #tpu.memory_space<vmem>> -> memref<128x128xf32, #tpu.memory_space<vmem>>
      tpu.enqueue_dma source(%dma_start3A_132 : memref<128x128xf32, #tpu.memory_space<vmem>>) target(%dma_start3A_128 : memref<128x128xf32, #tpu.memory_space<vmem_shared>>) target_semaphore(%run_scoped3A_120 : memref<!tpu.dma_semaphore, #tpu.memory_space<semaphore_mem>>)
      %dma_wait3A = arith.constant 0 : i32
      %dma_wait3A_133 = arith.constant 0 : i32
      %dma_wait3A_134 = tpu.memref_slice %arg7[%run_scoped3A_25, %dma_wait3A, %dma_wait3A_133] : memref<2x128x128xf32, #tpu.memory_space<vmem>> -> memref<1x128x128xf32, #tpu.memory_space<vmem>>
      %dma_wait3A_135 = tpu.memref_squeeze %dma_wait3A_134 : memref<1x128x128xf32, #tpu.memory_space<vmem>> -> memref<128x128xf32, #tpu.memory_space<vmem>>
      %dma_wait3A_136 = arith.constant 0 : i32
      %dma_wait3A_137 = tpu.memref_slice %arg8[%add3A_24, %dma_wait3A_136] : memref<10240x128xf32, #tpu.memory_space<vmem_shared>> -> memref<128x128xf32, #tpu.memory_space<vmem_shared>>
      %dma_wait3A_138 = arith.constant 0 : i32
      %dma_wait3A_139 = tpu.memref_slice %arg8[%add3A_24, %dma_wait3A_138] : memref<10240x128xf32, #tpu.memory_space<vmem_shared>> -> memref<128x128xf32, #tpu.memory_space<vmem_shared>>
      %dma_wait3A_140 = arith.constant 0 : i32
      %dma_wait3A_141 = arith.constant 0 : i32
      %dma_wait3A_142 = tpu.memref_slice %arg7[%run_scoped3A_25, %dma_wait3A_140, %dma_wait3A_141] : memref<2x128x128xf32, #tpu.memory_space<vmem>> -> memref<1x128x128xf32, #tpu.memory_space<vmem>>
      %dma_wait3A_143 = tpu.memref_squeeze %dma_wait3A_142 : memref<1x128x128xf32, #tpu.memory_space<vmem>> -> memref<128x128xf32, #tpu.memory_space<vmem>>
      tpu.wait_dma2 semaphore(%run_scoped3A_120 : memref<!tpu.dma_semaphore, #tpu.memory_space<semaphore_mem>>) src(%dma_wait3A_143 : memref<128x128xf32, #tpu.memory_space<vmem>>) dst(%dma_wait3A_139 : memref<128x128xf32, #tpu.memory_space<vmem_shared>>)
      tpu.yield
    }) : () -> ()
    %mul3A_26 = arith.constant 10240 : i32
    %mul3A_27 = arith.muli %arg0, %mul3A_26 : i32
    %add3A_28 = arith.addi %mul3A_27, %mul3A_0 : i32
    %add3A_29 = arith.constant 384 : i32
    %add3A_30 = arith.addi %add3A_28, %add3A_29 : i32
    %run_scoped3A_31 = arith.constant 0 : i32
    "tpu.region"() ({
      %run_scoped3A_120 = tpu.sem_alloc : memref<!tpu.dma_semaphore, #tpu.memory_space<semaphore_mem>>
      %dma_start3A_121 = arith.constant 0 : i32
      %dma_start3A_122 = arith.constant 0 : i32
      %dma_start3A_123 = tpu.memref_slice %arg7[%run_scoped3A_31, %dma_start3A_121, %dma_start3A_122] : memref<2x128x128xf32, #tpu.memory_space<vmem>> -> memref<1x128x128xf32, #tpu.memory_space<vmem>>
      %dma_start3A_124 = tpu.memref_squeeze %dma_start3A_123 : memref<1x128x128xf32, #tpu.memory_space<vmem>> -> memref<128x128xf32, #tpu.memory_space<vmem>>
      %dma_start3A_125 = arith.constant 0 : i32
      %dma_start3A_126 = tpu.memref_slice %arg4[%add3A_30, %dma_start3A_125] : memref<20480x128xf32, #tpu.memory_space<hbm>> -> memref<128x128xf32, #tpu.memory_space<hbm>>
      %dma_start3A_127 = arith.constant 0 : i32
      %dma_start3A_128 = arith.constant 0 : i32
      %dma_start3A_129 = tpu.memref_slice %arg7[%run_scoped3A_31, %dma_start3A_127, %dma_start3A_128] : memref<2x128x128xf32, #tpu.memory_space<vmem>> -> memref<1x128x128xf32, #tpu.memory_space<vmem>>
      %dma_start3A_130 = tpu.memref_squeeze %dma_start3A_129 : memref<1x128x128xf32, #tpu.memory_space<vmem>> -> memref<128x128xf32, #tpu.memory_space<vmem>>
      %dma_start3A_131 = arith.constant 0 : i32
      %dma_start3A_132 = tpu.memref_slice %arg4[%add3A_30, %dma_start3A_131] : memref<20480x128xf32, #tpu.memory_space<hbm>> -> memref<128x128xf32, #tpu.memory_space<hbm>>
      tpu.enqueue_dma source(%dma_start3A_132 : memref<128x128xf32, #tpu.memory_space<hbm>>) target(%dma_start3A_130 : memref<128x128xf32, #tpu.memory_space<vmem>>) target_semaphore(%run_scoped3A_120 : memref<!tpu.dma_semaphore, #tpu.memory_space<semaphore_mem>>)
      %dma_wait3A = arith.constant 0 : i32
      %dma_wait3A_133 = arith.constant 0 : i32
      %dma_wait3A_134 = tpu.memref_slice %arg7[%run_scoped3A_31, %dma_wait3A, %dma_wait3A_133] : memref<2x128x128xf32, #tpu.memory_space<vmem>> -> memref<1x128x128xf32, #tpu.memory_space<vmem>>
      %dma_wait3A_135 = tpu.memref_squeeze %dma_wait3A_134 : memref<1x128x128xf32, #tpu.memory_space<vmem>> -> memref<128x128xf32, #tpu.memory_space<vmem>>
      %dma_wait3A_136 = arith.constant 0 : i32
      %dma_wait3A_137 = tpu.memref_slice %arg4[%add3A_30, %dma_wait3A_136] : memref<20480x128xf32, #tpu.memory_space<hbm>> -> memref<128x128xf32, #tpu.memory_space<hbm>>
      %dma_wait3A_138 = arith.constant 0 : i32
      %dma_wait3A_139 = arith.constant 0 : i32
      %dma_wait3A_140 = tpu.memref_slice %arg7[%run_scoped3A_31, %dma_wait3A_138, %dma_wait3A_139] : memref<2x128x128xf32, #tpu.memory_space<vmem>> -> memref<1x128x128xf32, #tpu.memory_space<vmem>>
      %dma_wait3A_141 = tpu.memref_squeeze %dma_wait3A_140 : memref<1x128x128xf32, #tpu.memory_space<vmem>> -> memref<128x128xf32, #tpu.memory_space<vmem>>
      %dma_wait3A_142 = arith.constant 0 : i32
      %dma_wait3A_143 = tpu.memref_slice %arg4[%add3A_30, %dma_wait3A_142] : memref<20480x128xf32, #tpu.memory_space<hbm>> -> memref<128x128xf32, #tpu.memory_space<hbm>>
      tpu.wait_dma2 semaphore(%run_scoped3A_120 : memref<!tpu.dma_semaphore, #tpu.memory_space<semaphore_mem>>) src(%dma_wait3A_143 : memref<128x128xf32, #tpu.memory_space<hbm>>) dst(%dma_wait3A_141 : memref<128x128xf32, #tpu.memory_space<vmem>>)
      tpu.yield
    }) : () -> ()
    %add3A_32 = arith.constant 384 : i32
    %add3A_33 = arith.addi %mul3A_0, %add3A_32 : i32
    %run_scoped3A_34 = arith.constant 0 : i32
    "tpu.region"() ({
      %run_scoped3A_120 = tpu.sem_alloc : memref<!tpu.dma_semaphore, #tpu.memory_space<semaphore_mem>>
      %dma_start3A_121 = arith.constant 0 : i32
      %dma_start3A_122 = arith.constant 0 : i32
      %dma_start3A_123 = tpu.memref_slice %arg7[%run_scoped3A_34, %dma_start3A_121, %dma_start3A_122] : memref<2x128x128xf32, #tpu.memory_space<vmem>> -> memref<1x128x128xf32, #tpu.memory_space<vmem>>
      %dma_start3A_124 = tpu.memref_squeeze %dma_start3A_123 : memref<1x128x128xf32, #tpu.memory_space<vmem>> -> memref<128x128xf32, #tpu.memory_space<vmem>>
      %dma_start3A_125 = arith.constant 0 : i32
      %dma_start3A_126 = tpu.memref_slice %arg8[%add3A_33, %dma_start3A_125] : memref<10240x128xf32, #tpu.memory_space<vmem_shared>> -> memref<128x128xf32, #tpu.memory_space<vmem_shared>>
      %dma_start3A_127 = arith.constant 0 : i32
      %dma_start3A_128 = tpu.memref_slice %arg8[%add3A_33, %dma_start3A_127] : memref<10240x128xf32, #tpu.memory_space<vmem_shared>> -> memref<128x128xf32, #tpu.memory_space<vmem_shared>>
      %dma_start3A_129 = arith.constant 0 : i32
      %dma_start3A_130 = arith.constant 0 : i32
      %dma_start3A_131 = tpu.memref_slice %arg7[%run_scoped3A_34, %dma_start3A_129, %dma_start3A_130] : memref<2x128x128xf32, #tpu.memory_space<vmem>> -> memref<1x128x128xf32, #tpu.memory_space<vmem>>
      %dma_start3A_132 = tpu.memref_squeeze %dma_start3A_131 : memref<1x128x128xf32, #tpu.memory_space<vmem>> -> memref<128x128xf32, #tpu.memory_space<vmem>>
      tpu.enqueue_dma source(%dma_start3A_132 : memref<128x128xf32, #tpu.memory_space<vmem>>) target(%dma_start3A_128 : memref<128x128xf32, #tpu.memory_space<vmem_shared>>) target_semaphore(%run_scoped3A_120 : memref<!tpu.dma_semaphore, #tpu.memory_space<semaphore_mem>>)
      %dma_wait3A = arith.constant 0 : i32
      %dma_wait3A_133 = arith.constant 0 : i32
      %dma_wait3A_134 = tpu.memref_slice %arg7[%run_scoped3A_34, %dma_wait3A, %dma_wait3A_133] : memref<2x128x128xf32, #tpu.memory_space<vmem>> -> memref<1x128x128xf32, #tpu.memory_space<vmem>>
      %dma_wait3A_135 = tpu.memref_squeeze %dma_wait3A_134 : memref<1x128x128xf32, #tpu.memory_space<vmem>> -> memref<128x128xf32, #tpu.memory_space<vmem>>
      %dma_wait3A_136 = arith.constant 0 : i32
      %dma_wait3A_137 = tpu.memref_slice %arg8[%add3A_33, %dma_wait3A_136] : memref<10240x128xf32, #tpu.memory_space<vmem_shared>> -> memref<128x128xf32, #tpu.memory_space<vmem_shared>>
      %dma_wait3A_138 = arith.constant 0 : i32
      %dma_wait3A_139 = tpu.memref_slice %arg8[%add3A_33, %dma_wait3A_138] : memref<10240x128xf32, #tpu.memory_space<vmem_shared>> -> memref<128x128xf32, #tpu.memory_space<vmem_shared>>
      %dma_wait3A_140 = arith.constant 0 : i32
      %dma_wait3A_141 = arith.constant 0 : i32
      %dma_wait3A_142 = tpu.memref_slice %arg7[%run_scoped3A_34, %dma_wait3A_140, %dma_wait3A_141] : memref<2x128x128xf32, #tpu.memory_space<vmem>> -> memref<1x128x128xf32, #tpu.memory_space<vmem>>
      %dma_wait3A_143 = tpu.memref_squeeze %dma_wait3A_142 : memref<1x128x128xf32, #tpu.memory_space<vmem>> -> memref<128x128xf32, #tpu.memory_space<vmem>>
      tpu.wait_dma2 semaphore(%run_scoped3A_120 : memref<!tpu.dma_semaphore, #tpu.memory_space<semaphore_mem>>) src(%dma_wait3A_143 : memref<128x128xf32, #tpu.memory_space<vmem>>) dst(%dma_wait3A_139 : memref<128x128xf32, #tpu.memory_space<vmem_shared>>)
      tpu.yield
    }) : () -> ()
    %mul3A_35 = arith.constant 10240 : i32
    %mul3A_36 = arith.muli %arg0, %mul3A_35 : i32
    %add3A_37 = arith.addi %mul3A_36, %mul3A_0 : i32
    %add3A_38 = arith.constant 512 : i32
    %add3A_39 = arith.addi %add3A_37, %add3A_38 : i32
    %run_scoped3A_40 = arith.constant 0 : i32
    "tpu.region"() ({
      %run_scoped3A_120 = tpu.sem_alloc : memref<!tpu.dma_semaphore, #tpu.memory_space<semaphore_mem>>
      %dma_start3A_121 = arith.constant 0 : i32
      %dma_start3A_122 = arith.constant 0 : i32
      %dma_start3A_123 = tpu.memref_slice %arg7[%run_scoped3A_40, %dma_start3A_121, %dma_start3A_122] : memref<2x128x128xf32, #tpu.memory_space<vmem>> -> memref<1x128x128xf32, #tpu.memory_space<vmem>>
      %dma_start3A_124 = tpu.memref_squeeze %dma_start3A_123 : memref<1x128x128xf32, #tpu.memory_space<vmem>> -> memref<128x128xf32, #tpu.memory_space<vmem>>
      %dma_start3A_125 = arith.constant 0 : i32
      %dma_start3A_126 = tpu.memref_slice %arg4[%add3A_39, %dma_start3A_125] : memref<20480x128xf32, #tpu.memory_space<hbm>> -> memref<128x128xf32, #tpu.memory_space<hbm>>
      %dma_start3A_127 = arith.constant 0 : i32
      %dma_start3A_128 = arith.constant 0 : i32
      %dma_start3A_129 = tpu.memref_slice %arg7[%run_scoped3A_40, %dma_start3A_127, %dma_start3A_128] : memref<2x128x128xf32, #tpu.memory_space<vmem>> -> memref<1x128x128xf32, #tpu.memory_space<vmem>>
      %dma_start3A_130 = tpu.memref_squeeze %dma_start3A_129 : memref<1x128x128xf32, #tpu.memory_space<vmem>> -> memref<128x128xf32, #tpu.memory_space<vmem>>
      %dma_start3A_131 = arith.constant 0 : i32
      %dma_start3A_132 = tpu.memref_slice %arg4[%add3A_39, %dma_start3A_131] : memref<20480x128xf32, #tpu.memory_space<hbm>> -> memref<128x128xf32, #tpu.memory_space<hbm>>
      tpu.enqueue_dma source(%dma_start3A_132 : memref<128x128xf32, #tpu.memory_space<hbm>>) target(%dma_start3A_130 : memref<128x128xf32, #tpu.memory_space<vmem>>) target_semaphore(%run_scoped3A_120 : memref<!tpu.dma_semaphore, #tpu.memory_space<semaphore_mem>>)
      %dma_wait3A = arith.constant 0 : i32
      %dma_wait3A_133 = arith.constant 0 : i32
      %dma_wait3A_134 = tpu.memref_slice %arg7[%run_scoped3A_40, %dma_wait3A, %dma_wait3A_133] : memref<2x128x128xf32, #tpu.memory_space<vmem>> -> memref<1x128x128xf32, #tpu.memory_space<vmem>>
      %dma_wait3A_135 = tpu.memref_squeeze %dma_wait3A_134 : memref<1x128x128xf32, #tpu.memory_space<vmem>> -> memref<128x128xf32, #tpu.memory_space<vmem>>
      %dma_wait3A_136 = arith.constant 0 : i32
      %dma_wait3A_137 = tpu.memref_slice %arg4[%add3A_39, %dma_wait3A_136] : memref<20480x128xf32, #tpu.memory_space<hbm>> -> memref<128x128xf32, #tpu.memory_space<hbm>>
      %dma_wait3A_138 = arith.constant 0 : i32
      %dma_wait3A_139 = arith.constant 0 : i32
      %dma_wait3A_140 = tpu.memref_slice %arg7[%run_scoped3A_40, %dma_wait3A_138, %dma_wait3A_139] : memref<2x128x128xf32, #tpu.memory_space<vmem>> -> memref<1x128x128xf32, #tpu.memory_space<vmem>>
      %dma_wait3A_141 = tpu.memref_squeeze %dma_wait3A_140 : memref<1x128x128xf32, #tpu.memory_space<vmem>> -> memref<128x128xf32, #tpu.memory_space<vmem>>
      %dma_wait3A_142 = arith.constant 0 : i32
      %dma_wait3A_143 = tpu.memref_slice %arg4[%add3A_39, %dma_wait3A_142] : memref<20480x128xf32, #tpu.memory_space<hbm>> -> memref<128x128xf32, #tpu.memory_space<hbm>>
      tpu.wait_dma2 semaphore(%run_scoped3A_120 : memref<!tpu.dma_semaphore, #tpu.memory_space<semaphore_mem>>) src(%dma_wait3A_143 : memref<128x128xf32, #tpu.memory_space<hbm>>) dst(%dma_wait3A_141 : memref<128x128xf32, #tpu.memory_space<vmem>>)
      tpu.yield
    }) : () -> ()
    %add3A_41 = arith.constant 512 : i32
    %add3A_42 = arith.addi %mul3A_0, %add3A_41 : i32
    %run_scoped3A_43 = arith.constant 0 : i32
    "tpu.region"() ({
      %run_scoped3A_120 = tpu.sem_alloc : memref<!tpu.dma_semaphore, #tpu.memory_space<semaphore_mem>>
      %dma_start3A_121 = arith.constant 0 : i32
      %dma_start3A_122 = arith.constant 0 : i32
      %dma_start3A_123 = tpu.memref_slice %arg7[%run_scoped3A_43, %dma_start3A_121, %dma_start3A_122] : memref<2x128x128xf32, #tpu.memory_space<vmem>> -> memref<1x128x128xf32, #tpu.memory_space<vmem>>
      %dma_start3A_124 = tpu.memref_squeeze %dma_start3A_123 : memref<1x128x128xf32, #tpu.memory_space<vmem>> -> memref<128x128xf32, #tpu.memory_space<vmem>>
      %dma_start3A_125 = arith.constant 0 : i32
      %dma_start3A_126 = tpu.memref_slice %arg8[%add3A_42, %dma_start3A_125] : memref<10240x128xf32, #tpu.memory_space<vmem_shared>> -> memref<128x128xf32, #tpu.memory_space<vmem_shared>>
      %dma_start3A_127 = arith.constant 0 : i32
      %dma_start3A_128 = tpu.memref_slice %arg8[%add3A_42, %dma_start3A_127] : memref<10240x128xf32, #tpu.memory_space<vmem_shared>> -> memref<128x128xf32, #tpu.memory_space<vmem_shared>>
      %dma_start3A_129 = arith.constant 0 : i32
      %dma_start3A_130 = arith.constant 0 : i32
      %dma_start3A_131 = tpu.memref_slice %arg7[%run_scoped3A_43, %dma_start3A_129, %dma_start3A_130] : memref<2x128x128xf32, #tpu.memory_space<vmem>> -> memref<1x128x128xf32, #tpu.memory_space<vmem>>
      %dma_start3A_132 = tpu.memref_squeeze %dma_start3A_131 : memref<1x128x128xf32, #tpu.memory_space<vmem>> -> memref<128x128xf32, #tpu.memory_space<vmem>>
      tpu.enqueue_dma source(%dma_start3A_132 : memref<128x128xf32, #tpu.memory_space<vmem>>) target(%dma_start3A_128 : memref<128x128xf32, #tpu.memory_space<vmem_shared>>) target_semaphore(%run_scoped3A_120 : memref<!tpu.dma_semaphore, #tpu.memory_space<semaphore_mem>>)
      %dma_wait3A = arith.constant 0 : i32
      %dma_wait3A_133 = arith.constant 0 : i32
      %dma_wait3A_134 = tpu.memref_slice %arg7[%run_scoped3A_43, %dma_wait3A, %dma_wait3A_133] : memref<2x128x128xf32, #tpu.memory_space<vmem>> -> memref<1x128x128xf32, #tpu.memory_space<vmem>>
      %dma_wait3A_135 = tpu.memref_squeeze %dma_wait3A_134 : memref<1x128x128xf32, #tpu.memory_space<vmem>> -> memref<128x128xf32, #tpu.memory_space<vmem>>
      %dma_wait3A_136 = arith.constant 0 : i32
      %dma_wait3A_137 = tpu.memref_slice %arg8[%add3A_42, %dma_wait3A_136] : memref<10240x128xf32, #tpu.memory_space<vmem_shared>> -> memref<128x128xf32, #tpu.memory_space<vmem_shared>>
      %dma_wait3A_138 = arith.constant 0 : i32
      %dma_wait3A_139 = tpu.memref_slice %arg8[%add3A_42, %dma_wait3A_138] : memref<10240x128xf32, #tpu.memory_space<vmem_shared>> -> memref<128x128xf32, #tpu.memory_space<vmem_shared>>
      %dma_wait3A_140 = arith.constant 0 : i32
      %dma_wait3A_141 = arith.constant 0 : i32
      %dma_wait3A_142 = tpu.memref_slice %arg7[%run_scoped3A_43, %dma_wait3A_140, %dma_wait3A_141] : memref<2x128x128xf32, #tpu.memory_space<vmem>> -> memref<1x128x128xf32, #tpu.memory_space<vmem>>
      %dma_wait3A_143 = tpu.memref_squeeze %dma_wait3A_142 : memref<1x128x128xf32, #tpu.memory_space<vmem>> -> memref<128x128xf32, #tpu.memory_space<vmem>>
      tpu.wait_dma2 semaphore(%run_scoped3A_120 : memref<!tpu.dma_semaphore, #tpu.memory_space<semaphore_mem>>) src(%dma_wait3A_143 : memref<128x128xf32, #tpu.memory_space<vmem>>) dst(%dma_wait3A_139 : memref<128x128xf32, #tpu.memory_space<vmem_shared>>)
      tpu.yield
    }) : () -> ()
    %barrier3A = arith.constant 0 : index
    tpu.barrier barrier_id(%barrier3A)
    %mul3A_44 = arith.constant 16 : i32
    %mul3A_45 = arith.muli %arg0, %mul3A_44 : i32
    %add3A_46 = arith.addi %mul3A_45, %arg1 : i32
    %mul3A_47 = arith.constant 80 : i32
    %mul3A_48 = arith.muli %add3A_46, %mul3A_47 : i32
    %add3A_49 = arith.constant 0 : i32
    %add3A_50 = arith.addi %mul3A_48, %add3A_49 : i32
    %mul3A_51 = arith.constant 2 : i32
    %mul3A_52 = arith.muli %mul3A_51, %add3A_50 : i32
    %run_scoped3A_53 = arith.constant 0 : i32
    "tpu.region"() ({
      %run_scoped3A_120 = tpu.sem_alloc : memref<!tpu.dma_semaphore, #tpu.memory_space<semaphore_mem>>
      %dma_start3A_121 = arith.constant 0 : i32
      %dma_start3A_122 = arith.constant 0 : i32
      %dma_start3A_123 = tpu.memref_slice %arg6[%run_scoped3A_53, %dma_start3A_121, %dma_start3A_122] : memref<2x2x128xi32, #tpu.memory_space<vmem>> -> memref<1x2x128xi32, #tpu.memory_space<vmem>>
      %dma_start3A_124 = tpu.memref_squeeze %dma_start3A_123 : memref<1x2x128xi32, #tpu.memory_space<vmem>> -> memref<2x128xi32, #tpu.memory_space<vmem>>
      %dma_start3A_125 = arith.constant 0 : i32
      %dma_start3A_126 = tpu.memref_slice %arg3[%mul3A_52, %dma_start3A_125] : memref<5120x128xi32, #tpu.memory_space<hbm>> -> memref<2x128xi32, #tpu.memory_space<hbm>>
      %dma_start3A_127 = arith.constant 0 : i32
      %dma_start3A_128 = arith.constant 0 : i32
      %dma_start3A_129 = tpu.memref_slice %arg6[%run_scoped3A_53, %dma_start3A_127, %dma_start3A_128] : memref<2x2x128xi32, #tpu.memory_space<vmem>> -> memref<1x2x128xi32, #tpu.memory_space<vmem>>
      %dma_start3A_130 = tpu.memref_squeeze %dma_start3A_129 : memref<1x2x128xi32, #tpu.memory_space<vmem>> -> memref<2x128xi32, #tpu.memory_space<vmem>>
      %dma_start3A_131 = arith.constant 0 : i32
      %dma_start3A_132 = tpu.memref_slice %arg3[%mul3A_52, %dma_start3A_131] : memref<5120x128xi32, #tpu.memory_space<hbm>> -> memref<2x128xi32, #tpu.memory_space<hbm>>
      tpu.enqueue_dma source(%dma_start3A_132 : memref<2x128xi32, #tpu.memory_space<hbm>>) target(%dma_start3A_130 : memref<2x128xi32, #tpu.memory_space<vmem>>) target_semaphore(%run_scoped3A_120 : memref<!tpu.dma_semaphore, #tpu.memory_space<semaphore_mem>>)
      %dma_wait3A = arith.constant 0 : i32
      %dma_wait3A_133 = arith.constant 0 : i32
      %dma_wait3A_134 = tpu.memref_slice %arg6[%run_scoped3A_53, %dma_wait3A, %dma_wait3A_133] : memref<2x2x128xi32, #tpu.memory_space<vmem>> -> memref<1x2x128xi32, #tpu.memory_space<vmem>>
      %dma_wait3A_135 = tpu.memref_squeeze %dma_wait3A_134 : memref<1x2x128xi32, #tpu.memory_space<vmem>> -> memref<2x128xi32, #tpu.memory_space<vmem>>
      %dma_wait3A_136 = arith.constant 0 : i32
      %dma_wait3A_137 = tpu.memref_slice %arg3[%mul3A_52, %dma_wait3A_136] : memref<5120x128xi32, #tpu.memory_space<hbm>> -> memref<2x128xi32, #tpu.memory_space<hbm>>
      %dma_wait3A_138 = arith.constant 0 : i32
      %dma_wait3A_139 = arith.constant 0 : i32
      %dma_wait3A_140 = tpu.memref_slice %arg6[%run_scoped3A_53, %dma_wait3A_138, %dma_wait3A_139] : memref<2x2x128xi32, #tpu.memory_space<vmem>> -> memref<1x2x128xi32, #tpu.memory_space<vmem>>
      %dma_wait3A_141 = tpu.memref_squeeze %dma_wait3A_140 : memref<1x2x128xi32, #tpu.memory_space<vmem>> -> memref<2x128xi32, #tpu.memory_space<vmem>>
      %dma_wait3A_142 = arith.constant 0 : i32
      %dma_wait3A_143 = tpu.memref_slice %arg3[%mul3A_52, %dma_wait3A_142] : memref<5120x128xi32, #tpu.memory_space<hbm>> -> memref<2x128xi32, #tpu.memory_space<hbm>>
      tpu.wait_dma2 semaphore(%run_scoped3A_120 : memref<!tpu.dma_semaphore, #tpu.memory_space<semaphore_mem>>) src(%dma_wait3A_143 : memref<2x128xi32, #tpu.memory_space<hbm>>) dst(%dma_wait3A_141 : memref<2x128xi32, #tpu.memory_space<vmem>>)
      tpu.yield
    }) : () -> ()
    %dma_start3A = arith.constant 0 : i32
    %dma_start3A_54 = arith.constant 0 : i32
    %dma_start3A_55 = arith.constant 0 : i32
    %dma_start3A_56 = arith.constant 0 : i32
    %dma_start3A_57 = arith.constant 0 : i32
    %dma_start3A_58 = tpu.memref_slice %arg7[%dma_start3A_55, %dma_start3A_56, %dma_start3A_57] : memref<2x128x128xf32, #tpu.memory_space<vmem>> -> memref<1x128x128xf32, #tpu.memory_space<vmem>>
    %dma_start3A_59 = tpu.memref_squeeze %dma_start3A_58 : memref<1x128x128xf32, #tpu.memory_space<vmem>> -> memref<128x128xf32, #tpu.memory_space<vmem>>
    %dma_start3A_60 = arith.constant 0 : i32
    %dma_start3A_61 = arith.constant 0 : i32
    %dma_start3A_62 = tpu.memref_slice %arg6[%dma_start3A, %dma_start3A_60, %dma_start3A_61] : memref<2x2x128xi32, #tpu.memory_space<vmem>> -> memref<1x2x128xi32, #tpu.memory_space<vmem>>
    %dma_start3A_63 = tpu.memref_squeeze %dma_start3A_62 : memref<1x2x128xi32, #tpu.memory_space<vmem>> -> memref<2x128xi32, #tpu.memory_space<vmem>>
    %dma_start3A_64 = arith.constant 0 : i32
    %dma_start3A_65 = tpu.memref_slice %dma_start3A_63[%dma_start3A_54, %dma_start3A_64] : memref<2x128xi32, #tpu.memory_space<vmem>> -> memref<1x128xi32, #tpu.memory_space<vmem>>
    %dma_start3A_66 = tpu.memref_squeeze %dma_start3A_65 : memref<1x128xi32, #tpu.memory_space<vmem>> -> memref<128xi32, #tpu.memory_space<vmem>>
    %dma_start3A_67 = arith.constant 0 : i32
    %dma_start3A_68 = arith.constant 0 : i32
    %dma_start3A_69 = tpu.memref_slice %arg2[%dma_start3A_67, %dma_start3A_68] : memref<20480x128xf32, #tpu.memory_space<hbm>> -> memref<20480x128xf32, #tpu.memory_space<hbm>>
    tpu.enqueue_indirect_dma source(%dma_start3A_69 : memref<20480x128xf32, #tpu.memory_space<hbm>>) target(%dma_start3A_59 : memref<128x128xf32, #tpu.memory_space<vmem>>) offsets(%dma_start3A_66 : memref<128xi32, #tpu.memory_space<vmem>>) semaphore(%arg9 : memref<!tpu.dma_semaphore, #tpu.memory_space<semaphore_mem>>)
    %scan3A = arith.constant 0 : i32
    %scan3A_70 = arith.constant 40 : i32
    %scan3A_71 = arith.addi %scan3A, %scan3A_70 : i32
    %scan3A_72 = arith.constant 1 : i32
    scf.for %scan3A_120 = %scan3A to %scan3A_71 step %scan3A_72  : i32 {
      %mul3A_121 = arith.constant 2 : i32
      %mul3A_122 = arith.muli %scan3A_120, %mul3A_121 : i32
      %add3A_123 = arith.constant 0 : i32
      %add3A_124 = arith.addi %add3A_123, %mul3A_122 : i32
      %add3A_125 = arith.constant 0 : i32
      %add3A_126 = arith.addi %add3A_124, %add3A_125 : i32
      %add3A_127 = arith.constant 1 : i32
      %add3A_128 = arith.addi %add3A_126, %add3A_127 : i32
      %lt3A = arith.constant 80 : i32
      %lt3A_129 = arith.cmpi slt, %add3A_128, %lt3A : i32
      %convert_element_type3A = arith.extui %lt3A_129 : i1 to i32
      %cond3A = arith.constant 0 : i32
      %cond3A_130 = arith.cmpi ne, %convert_element_type3A, %cond3A : i32
      scf.if %cond3A_130 {
        %add3A_179 = arith.addi %mul3A_48, %add3A_128 : i32
        %mul3A_180 = arith.constant 2 : i32
        %mul3A_181 = arith.muli %mul3A_180, %add3A_179 : i32
        %run_scoped3A_182 = arith.constant 1 : i32
        "tpu.region"() ({
          %run_scoped3A_200 = tpu.sem_alloc : memref<!tpu.dma_semaphore, #tpu.memory_space<semaphore_mem>>
          %dma_start3A_201 = arith.constant 0 : i32
          %dma_start3A_202 = arith.constant 0 : i32
          %dma_start3A_203 = tpu.memref_slice %arg6[%run_scoped3A_182, %dma_start3A_201, %dma_start3A_202] : memref<2x2x128xi32, #tpu.memory_space<vmem>> -> memref<1x2x128xi32, #tpu.memory_space<vmem>>
          %dma_start3A_204 = tpu.memref_squeeze %dma_start3A_203 : memref<1x2x128xi32, #tpu.memory_space<vmem>> -> memref<2x128xi32, #tpu.memory_space<vmem>>
          %dma_start3A_205 = arith.constant 0 : i32
          %dma_start3A_206 = tpu.memref_slice %arg3[%mul3A_181, %dma_start3A_205] : memref<5120x128xi32, #tpu.memory_space<hbm>> -> memref<2x128xi32, #tpu.memory_space<hbm>>
          %dma_start3A_207 = arith.constant 0 : i32
          %dma_start3A_208 = arith.constant 0 : i32
          %dma_start3A_209 = tpu.memref_slice %arg6[%run_scoped3A_182, %dma_start3A_207, %dma_start3A_208] : memref<2x2x128xi32, #tpu.memory_space<vmem>> -> memref<1x2x128xi32, #tpu.memory_space<vmem>>
          %dma_start3A_210 = tpu.memref_squeeze %dma_start3A_209 : memref<1x2x128xi32, #tpu.memory_space<vmem>> -> memref<2x128xi32, #tpu.memory_space<vmem>>
          %dma_start3A_211 = arith.constant 0 : i32
          %dma_start3A_212 = tpu.memref_slice %arg3[%mul3A_181, %dma_start3A_211] : memref<5120x128xi32, #tpu.memory_space<hbm>> -> memref<2x128xi32, #tpu.memory_space<hbm>>
          tpu.enqueue_dma source(%dma_start3A_212 : memref<2x128xi32, #tpu.memory_space<hbm>>) target(%dma_start3A_210 : memref<2x128xi32, #tpu.memory_space<vmem>>) target_semaphore(%run_scoped3A_200 : memref<!tpu.dma_semaphore, #tpu.memory_space<semaphore_mem>>)
          %dma_wait3A_213 = arith.constant 0 : i32
          %dma_wait3A_214 = arith.constant 0 : i32
          %dma_wait3A_215 = tpu.memref_slice %arg6[%run_scoped3A_182, %dma_wait3A_213, %dma_wait3A_214] : memref<2x2x128xi32, #tpu.memory_space<vmem>> -> memref<1x2x128xi32, #tpu.memory_space<vmem>>
          %dma_wait3A_216 = tpu.memref_squeeze %dma_wait3A_215 : memref<1x2x128xi32, #tpu.memory_space<vmem>> -> memref<2x128xi32, #tpu.memory_space<vmem>>
          %dma_wait3A_217 = arith.constant 0 : i32
          %dma_wait3A_218 = tpu.memref_slice %arg3[%mul3A_181, %dma_wait3A_217] : memref<5120x128xi32, #tpu.memory_space<hbm>> -> memref<2x128xi32, #tpu.memory_space<hbm>>
          %dma_wait3A_219 = arith.constant 0 : i32
          %dma_wait3A_220 = arith.constant 0 : i32
          %dma_wait3A_221 = tpu.memref_slice %arg6[%run_scoped3A_182, %dma_wait3A_219, %dma_wait3A_220] : memref<2x2x128xi32, #tpu.memory_space<vmem>> -> memref<1x2x128xi32, #tpu.memory_space<vmem>>
          %dma_wait3A_222 = tpu.memref_squeeze %dma_wait3A_221 : memref<1x2x128xi32, #tpu.memory_space<vmem>> -> memref<2x128xi32, #tpu.memory_space<vmem>>
          %dma_wait3A_223 = arith.constant 0 : i32
          %dma_wait3A_224 = tpu.memref_slice %arg3[%mul3A_181, %dma_wait3A_223] : memref<5120x128xi32, #tpu.memory_space<hbm>> -> memref<2x128xi32, #tpu.memory_space<hbm>>
          tpu.wait_dma2 semaphore(%run_scoped3A_200 : memref<!tpu.dma_semaphore, #tpu.memory_space<semaphore_mem>>) src(%dma_wait3A_224 : memref<2x128xi32, #tpu.memory_space<hbm>>) dst(%dma_wait3A_222 : memref<2x128xi32, #tpu.memory_space<vmem>>)
          tpu.yield
        }) : () -> ()
        %dma_start3A_183 = arith.constant 1 : i32
        %dma_start3A_184 = arith.constant 0 : i32
        %dma_start3A_185 = arith.constant 1 : i32
        %dma_start3A_186 = arith.constant 0 : i32
        %dma_start3A_187 = arith.constant 0 : i32
        %dma_start3A_188 = tpu.memref_slice %arg7[%dma_start3A_185, %dma_start3A_186, %dma_start3A_187] : memref<2x128x128xf32, #tpu.memory_space<vmem>> -> memref<1x128x128xf32, #tpu.memory_space<vmem>>
        %dma_start3A_189 = tpu.memref_squeeze %dma_start3A_188 : memref<1x128x128xf32, #tpu.memory_space<vmem>> -> memref<128x128xf32, #tpu.memory_space<vmem>>
        %dma_start3A_190 = arith.constant 0 : i32
        %dma_start3A_191 = arith.constant 0 : i32
        %dma_start3A_192 = tpu.memref_slice %arg6[%dma_start3A_183, %dma_start3A_190, %dma_start3A_191] : memref<2x2x128xi32, #tpu.memory_space<vmem>> -> memref<1x2x128xi32, #tpu.memory_space<vmem>>
        %dma_start3A_193 = tpu.memref_squeeze %dma_start3A_192 : memref<1x2x128xi32, #tpu.memory_space<vmem>> -> memref<2x128xi32, #tpu.memory_space<vmem>>
        %dma_start3A_194 = arith.constant 0 : i32
        %dma_start3A_195 = tpu.memref_slice %dma_start3A_193[%dma_start3A_184, %dma_start3A_194] : memref<2x128xi32, #tpu.memory_space<vmem>> -> memref<1x128xi32, #tpu.memory_space<vmem>>
        %dma_start3A_196 = tpu.memref_squeeze %dma_start3A_195 : memref<1x128xi32, #tpu.memory_space<vmem>> -> memref<128xi32, #tpu.memory_space<vmem>>
        %dma_start3A_197 = arith.constant 0 : i32
        %dma_start3A_198 = arith.constant 0 : i32
        %dma_start3A_199 = tpu.memref_slice %arg2[%dma_start3A_197, %dma_start3A_198] : memref<20480x128xf32, #tpu.memory_space<hbm>> -> memref<20480x128xf32, #tpu.memory_space<hbm>>
        tpu.enqueue_indirect_dma source(%dma_start3A_199 : memref<20480x128xf32, #tpu.memory_space<hbm>>) target(%dma_start3A_189 : memref<128x128xf32, #tpu.memory_space<vmem>>) offsets(%dma_start3A_196 : memref<128xi32, #tpu.memory_space<vmem>>) semaphore(%arg9 : memref<!tpu.dma_semaphore, #tpu.memory_space<semaphore_mem>>)
      } else {
      }
      %dma_wait3A = arith.constant 0 : i32
      %dma_wait3A_131 = arith.constant 0 : i32
      %dma_wait3A_132 = arith.constant 0 : i32
      %dma_wait3A_133 = arith.constant 0 : i32
      %dma_wait3A_134 = arith.constant 0 : i32
      %dma_wait3A_135 = tpu.memref_slice %arg7[%dma_wait3A_132, %dma_wait3A_133, %dma_wait3A_134] : memref<2x128x128xf32, #tpu.memory_space<vmem>> -> memref<1x128x128xf32, #tpu.memory_space<vmem>>
      %dma_wait3A_136 = tpu.memref_squeeze %dma_wait3A_135 : memref<1x128x128xf32, #tpu.memory_space<vmem>> -> memref<128x128xf32, #tpu.memory_space<vmem>>
      %dma_wait3A_137 = arith.constant 0 : i32
      %dma_wait3A_138 = arith.constant 0 : i32
      %dma_wait3A_139 = tpu.memref_slice %arg6[%dma_wait3A, %dma_wait3A_137, %dma_wait3A_138] : memref<2x2x128xi32, #tpu.memory_space<vmem>> -> memref<1x2x128xi32, #tpu.memory_space<vmem>>
      %dma_wait3A_140 = tpu.memref_squeeze %dma_wait3A_139 : memref<1x2x128xi32, #tpu.memory_space<vmem>> -> memref<2x128xi32, #tpu.memory_space<vmem>>
      %dma_wait3A_141 = arith.constant 0 : i32
      %dma_wait3A_142 = tpu.memref_slice %dma_wait3A_140[%dma_wait3A_131, %dma_wait3A_141] : memref<2x128xi32, #tpu.memory_space<vmem>> -> memref<1x128xi32, #tpu.memory_space<vmem>>
      %dma_wait3A_143 = tpu.memref_squeeze %dma_wait3A_142 : memref<1x128xi32, #tpu.memory_space<vmem>> -> memref<128xi32, #tpu.memory_space<vmem>>
      %dma_wait3A_144 = arith.constant 0 : i32
      %dma_wait3A_145 = arith.constant 0 : i32
      %dma_wait3A_146 = tpu.memref_slice %arg2[%dma_wait3A_144, %dma_wait3A_145] : memref<20480x128xf32, #tpu.memory_space<hbm>> -> memref<20480x128xf32, #tpu.memory_space<hbm>>
      tpu.wait_indirect_dma semaphore(%arg9 : memref<!tpu.dma_semaphore, #tpu.memory_space<semaphore_mem>>) src(%dma_wait3A_146 : memref<20480x128xf32, #tpu.memory_space<hbm>>) dst(%dma_wait3A_136 : memref<128x128xf32, #tpu.memory_space<vmem>>)
      %run_scoped3A_147 = arith.constant 0 : i32
      %run_scoped3A_148 = arith.constant 0 : i32
      %run_scoped3A_149 = arith.constant 1 : i32
      "tpu.region"() ({
        %run_scoped3A_179 = tpu.sem_alloc : memref<!tpu.dma_semaphore, #tpu.memory_space<semaphore_mem>>
        %dma_start3A_180 = arith.constant 0 : i32
        %dma_start3A_181 = arith.constant 0 : i32
        %dma_start3A_182 = tpu.memref_slice %arg7[%run_scoped3A_147, %dma_start3A_180, %dma_start3A_181] : memref<2x128x128xf32, #tpu.memory_space<vmem>> -> memref<1x128x128xf32, #tpu.memory_space<vmem>>
        %dma_start3A_183 = tpu.memref_squeeze %dma_start3A_182 : memref<1x128x128xf32, #tpu.memory_space<vmem>> -> memref<128x128xf32, #tpu.memory_space<vmem>>
        %dma_start3A_184 = arith.constant 0 : i32
        %dma_start3A_185 = arith.constant 0 : i32
        %dma_start3A_186 = tpu.memref_slice %arg6[%run_scoped3A_148, %dma_start3A_184, %dma_start3A_185] : memref<2x2x128xi32, #tpu.memory_space<vmem>> -> memref<1x2x128xi32, #tpu.memory_space<vmem>>
        %dma_start3A_187 = tpu.memref_squeeze %dma_start3A_186 : memref<1x2x128xi32, #tpu.memory_space<vmem>> -> memref<2x128xi32, #tpu.memory_space<vmem>>
        %dma_start3A_188 = arith.constant 0 : i32
        %dma_start3A_189 = tpu.memref_slice %dma_start3A_187[%run_scoped3A_149, %dma_start3A_188] : memref<2x128xi32, #tpu.memory_space<vmem>> -> memref<1x128xi32, #tpu.memory_space<vmem>>
        %dma_start3A_190 = tpu.memref_squeeze %dma_start3A_189 : memref<1x128xi32, #tpu.memory_space<vmem>> -> memref<128xi32, #tpu.memory_space<vmem>>
        %dma_start3A_191 = arith.constant 0 : i32
        %dma_start3A_192 = arith.constant 0 : i32
        %dma_start3A_193 = tpu.memref_slice %arg8[%dma_start3A_191, %dma_start3A_192] : memref<10240x128xf32, #tpu.memory_space<vmem_shared>> -> memref<10240x128xf32, #tpu.memory_space<vmem_shared>>
        tpu.enqueue_indirect_dma source(%dma_start3A_183 : memref<128x128xf32, #tpu.memory_space<vmem>>) target(%dma_start3A_193 : memref<10240x128xf32, #tpu.memory_space<vmem_shared>>) offsets(%dma_start3A_190 : memref<128xi32, #tpu.memory_space<vmem>>) semaphore(%run_scoped3A_179 : memref<!tpu.dma_semaphore, #tpu.memory_space<semaphore_mem>>) {add = true}
        %dma_wait3A_194 = arith.constant 0 : i32
        %dma_wait3A_195 = arith.constant 0 : i32
        %dma_wait3A_196 = tpu.memref_slice %arg7[%run_scoped3A_147, %dma_wait3A_194, %dma_wait3A_195] : memref<2x128x128xf32, #tpu.memory_space<vmem>> -> memref<1x128x128xf32, #tpu.memory_space<vmem>>
        %dma_wait3A_197 = tpu.memref_squeeze %dma_wait3A_196 : memref<1x128x128xf32, #tpu.memory_space<vmem>> -> memref<128x128xf32, #tpu.memory_space<vmem>>
        %dma_wait3A_198 = arith.constant 0 : i32
        %dma_wait3A_199 = arith.constant 0 : i32
        %dma_wait3A_200 = tpu.memref_slice %arg6[%run_scoped3A_148, %dma_wait3A_198, %dma_wait3A_199] : memref<2x2x128xi32, #tpu.memory_space<vmem>> -> memref<1x2x128xi32, #tpu.memory_space<vmem>>
        %dma_wait3A_201 = tpu.memref_squeeze %dma_wait3A_200 : memref<1x2x128xi32, #tpu.memory_space<vmem>> -> memref<2x128xi32, #tpu.memory_space<vmem>>
        %dma_wait3A_202 = arith.constant 0 : i32
        %dma_wait3A_203 = tpu.memref_slice %dma_wait3A_201[%run_scoped3A_149, %dma_wait3A_202] : memref<2x128xi32, #tpu.memory_space<vmem>> -> memref<1x128xi32, #tpu.memory_space<vmem>>
        %dma_wait3A_204 = tpu.memref_squeeze %dma_wait3A_203 : memref<1x128xi32, #tpu.memory_space<vmem>> -> memref<128xi32, #tpu.memory_space<vmem>>
        %dma_wait3A_205 = arith.constant 0 : i32
        %dma_wait3A_206 = arith.constant 0 : i32
        %dma_wait3A_207 = tpu.memref_slice %arg8[%dma_wait3A_205, %dma_wait3A_206] : memref<10240x128xf32, #tpu.memory_space<vmem_shared>> -> memref<10240x128xf32, #tpu.memory_space<vmem_shared>>
        tpu.wait_indirect_dma semaphore(%run_scoped3A_179 : memref<!tpu.dma_semaphore, #tpu.memory_space<semaphore_mem>>) src(%dma_wait3A_197 : memref<128x128xf32, #tpu.memory_space<vmem>>) dst(%dma_wait3A_207 : memref<10240x128xf32, #tpu.memory_space<vmem_shared>>)
        tpu.yield
      }) : () -> ()
      %add3A_150 = arith.constant 1 : i32
      %add3A_151 = arith.addi %add3A_124, %add3A_150 : i32
      %add3A_152 = arith.constant 1 : i32
      %add3A_153 = arith.addi %add3A_151, %add3A_152 : i32
      %lt3A_154 = arith.constant 80 : i32
      %lt3A_155 = arith.cmpi slt, %add3A_153, %lt3A_154 : i32
      %convert_element_type3A_156 = arith.extui %lt3A_155 : i1 to i32
      %cond3A_157 = arith.constant 0 : i32
      %cond3A_158 = arith.cmpi ne, %convert_element_type3A_156, %cond3A_157 : i32
      scf.if %cond3A_158 {
        %add3A_179 = arith.addi %mul3A_48, %add3A_153 : i32
        %mul3A_180 = arith.constant 2 : i32
        %mul3A_181 = arith.muli %mul3A_180, %add3A_179 : i32
        %run_scoped3A_182 = arith.constant 0 : i32
        "tpu.region"() ({
          %run_scoped3A_200 = tpu.sem_alloc : memref<!tpu.dma_semaphore, #tpu.memory_space<semaphore_mem>>
          %dma_start3A_201 = arith.constant 0 : i32
          %dma_start3A_202 = arith.constant 0 : i32
          %dma_start3A_203 = tpu.memref_slice %arg6[%run_scoped3A_182, %dma_start3A_201, %dma_start3A_202] : memref<2x2x128xi32, #tpu.memory_space<vmem>> -> memref<1x2x128xi32, #tpu.memory_space<vmem>>
          %dma_start3A_204 = tpu.memref_squeeze %dma_start3A_203 : memref<1x2x128xi32, #tpu.memory_space<vmem>> -> memref<2x128xi32, #tpu.memory_space<vmem>>
          %dma_start3A_205 = arith.constant 0 : i32
          %dma_start3A_206 = tpu.memref_slice %arg3[%mul3A_181, %dma_start3A_205] : memref<5120x128xi32, #tpu.memory_space<hbm>> -> memref<2x128xi32, #tpu.memory_space<hbm>>
          %dma_start3A_207 = arith.constant 0 : i32
          %dma_start3A_208 = arith.constant 0 : i32
          %dma_start3A_209 = tpu.memref_slice %arg6[%run_scoped3A_182, %dma_start3A_207, %dma_start3A_208] : memref<2x2x128xi32, #tpu.memory_space<vmem>> -> memref<1x2x128xi32, #tpu.memory_space<vmem>>
          %dma_start3A_210 = tpu.memref_squeeze %dma_start3A_209 : memref<1x2x128xi32, #tpu.memory_space<vmem>> -> memref<2x128xi32, #tpu.memory_space<vmem>>
          %dma_start3A_211 = arith.constant 0 : i32
          %dma_start3A_212 = tpu.memref_slice %arg3[%mul3A_181, %dma_start3A_211] : memref<5120x128xi32, #tpu.memory_space<hbm>> -> memref<2x128xi32, #tpu.memory_space<hbm>>
          tpu.enqueue_dma source(%dma_start3A_212 : memref<2x128xi32, #tpu.memory_space<hbm>>) target(%dma_start3A_210 : memref<2x128xi32, #tpu.memory_space<vmem>>) target_semaphore(%run_scoped3A_200 : memref<!tpu.dma_semaphore, #tpu.memory_space<semaphore_mem>>)
          %dma_wait3A_213 = arith.constant 0 : i32
          %dma_wait3A_214 = arith.constant 0 : i32
          %dma_wait3A_215 = tpu.memref_slice %arg6[%run_scoped3A_182, %dma_wait3A_213, %dma_wait3A_214] : memref<2x2x128xi32, #tpu.memory_space<vmem>> -> memref<1x2x128xi32, #tpu.memory_space<vmem>>
          %dma_wait3A_216 = tpu.memref_squeeze %dma_wait3A_215 : memref<1x2x128xi32, #tpu.memory_space<vmem>> -> memref<2x128xi32, #tpu.memory_space<vmem>>
          %dma_wait3A_217 = arith.constant 0 : i32
          %dma_wait3A_218 = tpu.memref_slice %arg3[%mul3A_181, %dma_wait3A_217] : memref<5120x128xi32, #tpu.memory_space<hbm>> -> memref<2x128xi32, #tpu.memory_space<hbm>>
          %dma_wait3A_219 = arith.constant 0 : i32
          %dma_wait3A_220 = arith.constant 0 : i32
          %dma_wait3A_221 = tpu.memref_slice %arg6[%run_scoped3A_182, %dma_wait3A_219, %dma_wait3A_220] : memref<2x2x128xi32, #tpu.memory_space<vmem>> -> memref<1x2x128xi32, #tpu.memory_space<vmem>>
          %dma_wait3A_222 = tpu.memref_squeeze %dma_wait3A_221 : memref<1x2x128xi32, #tpu.memory_space<vmem>> -> memref<2x128xi32, #tpu.memory_space<vmem>>
          %dma_wait3A_223 = arith.constant 0 : i32
          %dma_wait3A_224 = tpu.memref_slice %arg3[%mul3A_181, %dma_wait3A_223] : memref<5120x128xi32, #tpu.memory_space<hbm>> -> memref<2x128xi32, #tpu.memory_space<hbm>>
          tpu.wait_dma2 semaphore(%run_scoped3A_200 : memref<!tpu.dma_semaphore, #tpu.memory_space<semaphore_mem>>) src(%dma_wait3A_224 : memref<2x128xi32, #tpu.memory_space<hbm>>) dst(%dma_wait3A_222 : memref<2x128xi32, #tpu.memory_space<vmem>>)
          tpu.yield
        }) : () -> ()
        %dma_start3A_183 = arith.constant 0 : i32
        %dma_start3A_184 = arith.constant 0 : i32
        %dma_start3A_185 = arith.constant 0 : i32
        %dma_start3A_186 = arith.constant 0 : i32
        %dma_start3A_187 = arith.constant 0 : i32
        %dma_start3A_188 = tpu.memref_slice %arg7[%dma_start3A_185, %dma_start3A_186, %dma_start3A_187] : memref<2x128x128xf32, #tpu.memory_space<vmem>> -> memref<1x128x128xf32, #tpu.memory_space<vmem>>
        %dma_start3A_189 = tpu.memref_squeeze %dma_start3A_188 : memref<1x128x128xf32, #tpu.memory_space<vmem>> -> memref<128x128xf32, #tpu.memory_space<vmem>>
        %dma_start3A_190 = arith.constant 0 : i32
        %dma_start3A_191 = arith.constant 0 : i32
        %dma_start3A_192 = tpu.memref_slice %arg6[%dma_start3A_183, %dma_start3A_190, %dma_start3A_191] : memref<2x2x128xi32, #tpu.memory_space<vmem>> -> memref<1x2x128xi32, #tpu.memory_space<vmem>>
        %dma_start3A_193 = tpu.memref_squeeze %dma_start3A_192 : memref<1x2x128xi32, #tpu.memory_space<vmem>> -> memref<2x128xi32, #tpu.memory_space<vmem>>
        %dma_start3A_194 = arith.constant 0 : i32
        %dma_start3A_195 = tpu.memref_slice %dma_start3A_193[%dma_start3A_184, %dma_start3A_194] : memref<2x128xi32, #tpu.memory_space<vmem>> -> memref<1x128xi32, #tpu.memory_space<vmem>>
        %dma_start3A_196 = tpu.memref_squeeze %dma_start3A_195 : memref<1x128xi32, #tpu.memory_space<vmem>> -> memref<128xi32, #tpu.memory_space<vmem>>
        %dma_start3A_197 = arith.constant 0 : i32
        %dma_start3A_198 = arith.constant 0 : i32
        %dma_start3A_199 = tpu.memref_slice %arg2[%dma_start3A_197, %dma_start3A_198] : memref<20480x128xf32, #tpu.memory_space<hbm>> -> memref<20480x128xf32, #tpu.memory_space<hbm>>
        tpu.enqueue_indirect_dma source(%dma_start3A_199 : memref<20480x128xf32, #tpu.memory_space<hbm>>) target(%dma_start3A_189 : memref<128x128xf32, #tpu.memory_space<vmem>>) offsets(%dma_start3A_196 : memref<128xi32, #tpu.memory_space<vmem>>) semaphore(%arg9 : memref<!tpu.dma_semaphore, #tpu.memory_space<semaphore_mem>>)
      } else {
      }
      %dma_wait3A_159 = arith.constant 1 : i32
      %dma_wait3A_160 = arith.constant 0 : i32
      %dma_wait3A_161 = arith.constant 1 : i32
      %dma_wait3A_162 = arith.constant 0 : i32
      %dma_wait3A_163 = arith.constant 0 : i32
      %dma_wait3A_164 = tpu.memref_slice %arg7[%dma_wait3A_161, %dma_wait3A_162, %dma_wait3A_163] : memref<2x128x128xf32, #tpu.memory_space<vmem>> -> memref<1x128x128xf32, #tpu.memory_space<vmem>>
      %dma_wait3A_165 = tpu.memref_squeeze %dma_wait3A_164 : memref<1x128x128xf32, #tpu.memory_space<vmem>> -> memref<128x128xf32, #tpu.memory_space<vmem>>
      %dma_wait3A_166 = arith.constant 0 : i32
      %dma_wait3A_167 = arith.constant 0 : i32
      %dma_wait3A_168 = tpu.memref_slice %arg6[%dma_wait3A_159, %dma_wait3A_166, %dma_wait3A_167] : memref<2x2x128xi32, #tpu.memory_space<vmem>> -> memref<1x2x128xi32, #tpu.memory_space<vmem>>
      %dma_wait3A_169 = tpu.memref_squeeze %dma_wait3A_168 : memref<1x2x128xi32, #tpu.memory_space<vmem>> -> memref<2x128xi32, #tpu.memory_space<vmem>>
      %dma_wait3A_170 = arith.constant 0 : i32
      %dma_wait3A_171 = tpu.memref_slice %dma_wait3A_169[%dma_wait3A_160, %dma_wait3A_170] : memref<2x128xi32, #tpu.memory_space<vmem>> -> memref<1x128xi32, #tpu.memory_space<vmem>>
      %dma_wait3A_172 = tpu.memref_squeeze %dma_wait3A_171 : memref<1x128xi32, #tpu.memory_space<vmem>> -> memref<128xi32, #tpu.memory_space<vmem>>
      %dma_wait3A_173 = arith.constant 0 : i32
      %dma_wait3A_174 = arith.constant 0 : i32
      %dma_wait3A_175 = tpu.memref_slice %arg2[%dma_wait3A_173, %dma_wait3A_174] : memref<20480x128xf32, #tpu.memory_space<hbm>> -> memref<20480x128xf32, #tpu.memory_space<hbm>>
      tpu.wait_indirect_dma semaphore(%arg9 : memref<!tpu.dma_semaphore, #tpu.memory_space<semaphore_mem>>) src(%dma_wait3A_175 : memref<20480x128xf32, #tpu.memory_space<hbm>>) dst(%dma_wait3A_165 : memref<128x128xf32, #tpu.memory_space<vmem>>)
      %run_scoped3A_176 = arith.constant 1 : i32
      %run_scoped3A_177 = arith.constant 1 : i32
      %run_scoped3A_178 = arith.constant 1 : i32
      "tpu.region"() ({
        %run_scoped3A_179 = tpu.sem_alloc : memref<!tpu.dma_semaphore, #tpu.memory_space<semaphore_mem>>
        %dma_start3A_180 = arith.constant 0 : i32
        %dma_start3A_181 = arith.constant 0 : i32
        %dma_start3A_182 = tpu.memref_slice %arg7[%run_scoped3A_176, %dma_start3A_180, %dma_start3A_181] : memref<2x128x128xf32, #tpu.memory_space<vmem>> -> memref<1x128x128xf32, #tpu.memory_space<vmem>>
        %dma_start3A_183 = tpu.memref_squeeze %dma_start3A_182 : memref<1x128x128xf32, #tpu.memory_space<vmem>> -> memref<128x128xf32, #tpu.memory_space<vmem>>
        %dma_start3A_184 = arith.constant 0 : i32
        %dma_start3A_185 = arith.constant 0 : i32
        %dma_start3A_186 = tpu.memref_slice %arg6[%run_scoped3A_177, %dma_start3A_184, %dma_start3A_185] : memref<2x2x128xi32, #tpu.memory_space<vmem>> -> memref<1x2x128xi32, #tpu.memory_space<vmem>>
        %dma_start3A_187 = tpu.memref_squeeze %dma_start3A_186 : memref<1x2x128xi32, #tpu.memory_space<vmem>> -> memref<2x128xi32, #tpu.memory_space<vmem>>
        %dma_start3A_188 = arith.constant 0 : i32
        %dma_start3A_189 = tpu.memref_slice %dma_start3A_187[%run_scoped3A_178, %dma_start3A_188] : memref<2x128xi32, #tpu.memory_space<vmem>> -> memref<1x128xi32, #tpu.memory_space<vmem>>
        %dma_start3A_190 = tpu.memref_squeeze %dma_start3A_189 : memref<1x128xi32, #tpu.memory_space<vmem>> -> memref<128xi32, #tpu.memory_space<vmem>>
        %dma_start3A_191 = arith.constant 0 : i32
        %dma_start3A_192 = arith.constant 0 : i32
        %dma_start3A_193 = tpu.memref_slice %arg8[%dma_start3A_191, %dma_start3A_192] : memref<10240x128xf32, #tpu.memory_space<vmem_shared>> -> memref<10240x128xf32, #tpu.memory_space<vmem_shared>>
        tpu.enqueue_indirect_dma source(%dma_start3A_183 : memref<128x128xf32, #tpu.memory_space<vmem>>) target(%dma_start3A_193 : memref<10240x128xf32, #tpu.memory_space<vmem_shared>>) offsets(%dma_start3A_190 : memref<128xi32, #tpu.memory_space<vmem>>) semaphore(%run_scoped3A_179 : memref<!tpu.dma_semaphore, #tpu.memory_space<semaphore_mem>>) {add = true}
        %dma_wait3A_194 = arith.constant 0 : i32
        %dma_wait3A_195 = arith.constant 0 : i32
        %dma_wait3A_196 = tpu.memref_slice %arg7[%run_scoped3A_176, %dma_wait3A_194, %dma_wait3A_195] : memref<2x128x128xf32, #tpu.memory_space<vmem>> -> memref<1x128x128xf32, #tpu.memory_space<vmem>>
        %dma_wait3A_197 = tpu.memref_squeeze %dma_wait3A_196 : memref<1x128x128xf32, #tpu.memory_space<vmem>> -> memref<128x128xf32, #tpu.memory_space<vmem>>
        %dma_wait3A_198 = arith.constant 0 : i32
        %dma_wait3A_199 = arith.constant 0 : i32
        %dma_wait3A_200 = tpu.memref_slice %arg6[%run_scoped3A_177, %dma_wait3A_198, %dma_wait3A_199] : memref<2x2x128xi32, #tpu.memory_space<vmem>> -> memref<1x2x128xi32, #tpu.memory_space<vmem>>
        %dma_wait3A_201 = tpu.memref_squeeze %dma_wait3A_200 : memref<1x2x128xi32, #tpu.memory_space<vmem>> -> memref<2x128xi32, #tpu.memory_space<vmem>>
        %dma_wait3A_202 = arith.constant 0 : i32
        %dma_wait3A_203 = tpu.memref_slice %dma_wait3A_201[%run_scoped3A_178, %dma_wait3A_202] : memref<2x128xi32, #tpu.memory_space<vmem>> -> memref<1x128xi32, #tpu.memory_space<vmem>>
        %dma_wait3A_204 = tpu.memref_squeeze %dma_wait3A_203 : memref<1x128xi32, #tpu.memory_space<vmem>> -> memref<128xi32, #tpu.memory_space<vmem>>
        %dma_wait3A_205 = arith.constant 0 : i32
        %dma_wait3A_206 = arith.constant 0 : i32
        %dma_wait3A_207 = tpu.memref_slice %arg8[%dma_wait3A_205, %dma_wait3A_206] : memref<10240x128xf32, #tpu.memory_space<vmem_shared>> -> memref<10240x128xf32, #tpu.memory_space<vmem_shared>>
        tpu.wait_indirect_dma semaphore(%run_scoped3A_179 : memref<!tpu.dma_semaphore, #tpu.memory_space<semaphore_mem>>) src(%dma_wait3A_197 : memref<128x128xf32, #tpu.memory_space<vmem>>) dst(%dma_wait3A_207 : memref<10240x128xf32, #tpu.memory_space<vmem_shared>>)
        tpu.yield
      }) : () -> ()
    }
    %scan3A_73 = arith.constant 40 : i32
    %barrier3A_74 = arith.constant 0 : index
    tpu.barrier barrier_id(%barrier3A_74)
    %add3A_75 = arith.constant 0 : i32
    %add3A_76 = arith.addi %mul3A_0, %add3A_75 : i32
    %run_scoped3A_77 = arith.constant 0 : i32
    "tpu.region"() ({
      %run_scoped3A_120 = tpu.sem_alloc : memref<!tpu.dma_semaphore, #tpu.memory_space<semaphore_mem>>
      %dma_start3A_121 = arith.constant 0 : i32
      %dma_start3A_122 = arith.constant 0 : i32
      %dma_start3A_123 = tpu.memref_slice %arg7[%run_scoped3A_77, %dma_start3A_121, %dma_start3A_122] : memref<2x128x128xf32, #tpu.memory_space<vmem>> -> memref<1x128x128xf32, #tpu.memory_space<vmem>>
      %dma_start3A_124 = tpu.memref_squeeze %dma_start3A_123 : memref<1x128x128xf32, #tpu.memory_space<vmem>> -> memref<128x128xf32, #tpu.memory_space<vmem>>
      %dma_start3A_125 = arith.constant 0 : i32
      %dma_start3A_126 = tpu.memref_slice %arg8[%add3A_76, %dma_start3A_125] : memref<10240x128xf32, #tpu.memory_space<vmem_shared>> -> memref<128x128xf32, #tpu.memory_space<vmem_shared>>
      %dma_start3A_127 = arith.constant 0 : i32
      %dma_start3A_128 = arith.constant 0 : i32
      %dma_start3A_129 = tpu.memref_slice %arg7[%run_scoped3A_77, %dma_start3A_127, %dma_start3A_128] : memref<2x128x128xf32, #tpu.memory_space<vmem>> -> memref<1x128x128xf32, #tpu.memory_space<vmem>>
      %dma_start3A_130 = tpu.memref_squeeze %dma_start3A_129 : memref<1x128x128xf32, #tpu.memory_space<vmem>> -> memref<128x128xf32, #tpu.memory_space<vmem>>
      %dma_start3A_131 = arith.constant 0 : i32
      %dma_start3A_132 = tpu.memref_slice %arg8[%add3A_76, %dma_start3A_131] : memref<10240x128xf32, #tpu.memory_space<vmem_shared>> -> memref<128x128xf32, #tpu.memory_space<vmem_shared>>
      tpu.enqueue_dma source(%dma_start3A_132 : memref<128x128xf32, #tpu.memory_space<vmem_shared>>) target(%dma_start3A_130 : memref<128x128xf32, #tpu.memory_space<vmem>>) target_semaphore(%run_scoped3A_120 : memref<!tpu.dma_semaphore, #tpu.memory_space<semaphore_mem>>)
      %dma_wait3A = arith.constant 0 : i32
      %dma_wait3A_133 = arith.constant 0 : i32
      %dma_wait3A_134 = tpu.memref_slice %arg7[%run_scoped3A_77, %dma_wait3A, %dma_wait3A_133] : memref<2x128x128xf32, #tpu.memory_space<vmem>> -> memref<1x128x128xf32, #tpu.memory_space<vmem>>
      %dma_wait3A_135 = tpu.memref_squeeze %dma_wait3A_134 : memref<1x128x128xf32, #tpu.memory_space<vmem>> -> memref<128x128xf32, #tpu.memory_space<vmem>>
      %dma_wait3A_136 = arith.constant 0 : i32
      %dma_wait3A_137 = tpu.memref_slice %arg8[%add3A_76, %dma_wait3A_136] : memref<10240x128xf32, #tpu.memory_space<vmem_shared>> -> memref<128x128xf32, #tpu.memory_space<vmem_shared>>
      %dma_wait3A_138 = arith.constant 0 : i32
      %dma_wait3A_139 = arith.constant 0 : i32
      %dma_wait3A_140 = tpu.memref_slice %arg7[%run_scoped3A_77, %dma_wait3A_138, %dma_wait3A_139] : memref<2x128x128xf32, #tpu.memory_space<vmem>> -> memref<1x128x128xf32, #tpu.memory_space<vmem>>
      %dma_wait3A_141 = tpu.memref_squeeze %dma_wait3A_140 : memref<1x128x128xf32, #tpu.memory_space<vmem>> -> memref<128x128xf32, #tpu.memory_space<vmem>>
      %dma_wait3A_142 = arith.constant 0 : i32
      %dma_wait3A_143 = tpu.memref_slice %arg8[%add3A_76, %dma_wait3A_142] : memref<10240x128xf32, #tpu.memory_space<vmem_shared>> -> memref<128x128xf32, #tpu.memory_space<vmem_shared>>
      tpu.wait_dma2 semaphore(%run_scoped3A_120 : memref<!tpu.dma_semaphore, #tpu.memory_space<semaphore_mem>>) src(%dma_wait3A_143 : memref<128x128xf32, #tpu.memory_space<vmem_shared>>) dst(%dma_wait3A_141 : memref<128x128xf32, #tpu.memory_space<vmem>>)
      tpu.yield
    }) : () -> ()
    %mul3A_78 = arith.constant 10240 : i32
    %mul3A_79 = arith.muli %arg0, %mul3A_78 : i32
    %add3A_80 = arith.addi %mul3A_79, %mul3A_0 : i32
    %add3A_81 = arith.constant 0 : i32
    %add3A_82 = arith.addi %add3A_80, %add3A_81 : i32
    %run_scoped3A_83 = arith.constant 0 : i32
    "tpu.region"() ({
      %run_scoped3A_120 = tpu.sem_alloc : memref<!tpu.dma_semaphore, #tpu.memory_space<semaphore_mem>>
      %dma_start3A_121 = arith.constant 0 : i32
      %dma_start3A_122 = arith.constant 0 : i32
      %dma_start3A_123 = tpu.memref_slice %arg7[%run_scoped3A_83, %dma_start3A_121, %dma_start3A_122] : memref<2x128x128xf32, #tpu.memory_space<vmem>> -> memref<1x128x128xf32, #tpu.memory_space<vmem>>
      %dma_start3A_124 = tpu.memref_squeeze %dma_start3A_123 : memref<1x128x128xf32, #tpu.memory_space<vmem>> -> memref<128x128xf32, #tpu.memory_space<vmem>>
      %dma_start3A_125 = arith.constant 0 : i32
      %dma_start3A_126 = tpu.memref_slice %arg5[%add3A_82, %dma_start3A_125] : memref<20480x128xf32, #tpu.memory_space<hbm>> -> memref<128x128xf32, #tpu.memory_space<hbm>>
      %dma_start3A_127 = arith.constant 0 : i32
      %dma_start3A_128 = tpu.memref_slice %arg5[%add3A_82, %dma_start3A_127] : memref<20480x128xf32, #tpu.memory_space<hbm>> -> memref<128x128xf32, #tpu.memory_space<hbm>>
      %dma_start3A_129 = arith.constant 0 : i32
      %dma_start3A_130 = arith.constant 0 : i32
      %dma_start3A_131 = tpu.memref_slice %arg7[%run_scoped3A_83, %dma_start3A_129, %dma_start3A_130] : memref<2x128x128xf32, #tpu.memory_space<vmem>> -> memref<1x128x128xf32, #tpu.memory_space<vmem>>
      %dma_start3A_132 = tpu.memref_squeeze %dma_start3A_131 : memref<1x128x128xf32, #tpu.memory_space<vmem>> -> memref<128x128xf32, #tpu.memory_space<vmem>>
      tpu.enqueue_dma source(%dma_start3A_132 : memref<128x128xf32, #tpu.memory_space<vmem>>) target(%dma_start3A_128 : memref<128x128xf32, #tpu.memory_space<hbm>>) target_semaphore(%run_scoped3A_120 : memref<!tpu.dma_semaphore, #tpu.memory_space<semaphore_mem>>)
      %dma_wait3A = arith.constant 0 : i32
      %dma_wait3A_133 = arith.constant 0 : i32
      %dma_wait3A_134 = tpu.memref_slice %arg7[%run_scoped3A_83, %dma_wait3A, %dma_wait3A_133] : memref<2x128x128xf32, #tpu.memory_space<vmem>> -> memref<1x128x128xf32, #tpu.memory_space<vmem>>
      %dma_wait3A_135 = tpu.memref_squeeze %dma_wait3A_134 : memref<1x128x128xf32, #tpu.memory_space<vmem>> -> memref<128x128xf32, #tpu.memory_space<vmem>>
      %dma_wait3A_136 = arith.constant 0 : i32
      %dma_wait3A_137 = tpu.memref_slice %arg5[%add3A_82, %dma_wait3A_136] : memref<20480x128xf32, #tpu.memory_space<hbm>> -> memref<128x128xf32, #tpu.memory_space<hbm>>
      %dma_wait3A_138 = arith.constant 0 : i32
      %dma_wait3A_139 = tpu.memref_slice %arg5[%add3A_82, %dma_wait3A_138] : memref<20480x128xf32, #tpu.memory_space<hbm>> -> memref<128x128xf32, #tpu.memory_space<hbm>>
      %dma_wait3A_140 = arith.constant 0 : i32
      %dma_wait3A_141 = arith.constant 0 : i32
      %dma_wait3A_142 = tpu.memref_slice %arg7[%run_scoped3A_83, %dma_wait3A_140, %dma_wait3A_141] : memref<2x128x128xf32, #tpu.memory_space<vmem>> -> memref<1x128x128xf32, #tpu.memory_space<vmem>>
      %dma_wait3A_143 = tpu.memref_squeeze %dma_wait3A_142 : memref<1x128x128xf32, #tpu.memory_space<vmem>> -> memref<128x128xf32, #tpu.memory_space<vmem>>
      tpu.wait_dma2 semaphore(%run_scoped3A_120 : memref<!tpu.dma_semaphore, #tpu.memory_space<semaphore_mem>>) src(%dma_wait3A_143 : memref<128x128xf32, #tpu.memory_space<vmem>>) dst(%dma_wait3A_139 : memref<128x128xf32, #tpu.memory_space<hbm>>)
      tpu.yield
    }) : () -> ()
    %add3A_84 = arith.constant 128 : i32
    %add3A_85 = arith.addi %mul3A_0, %add3A_84 : i32
    %run_scoped3A_86 = arith.constant 0 : i32
    "tpu.region"() ({
      %run_scoped3A_120 = tpu.sem_alloc : memref<!tpu.dma_semaphore, #tpu.memory_space<semaphore_mem>>
      %dma_start3A_121 = arith.constant 0 : i32
      %dma_start3A_122 = arith.constant 0 : i32
      %dma_start3A_123 = tpu.memref_slice %arg7[%run_scoped3A_86, %dma_start3A_121, %dma_start3A_122] : memref<2x128x128xf32, #tpu.memory_space<vmem>> -> memref<1x128x128xf32, #tpu.memory_space<vmem>>
      %dma_start3A_124 = tpu.memref_squeeze %dma_start3A_123 : memref<1x128x128xf32, #tpu.memory_space<vmem>> -> memref<128x128xf32, #tpu.memory_space<vmem>>
      %dma_start3A_125 = arith.constant 0 : i32
      %dma_start3A_126 = tpu.memref_slice %arg8[%add3A_85, %dma_start3A_125] : memref<10240x128xf32, #tpu.memory_space<vmem_shared>> -> memref<128x128xf32, #tpu.memory_space<vmem_shared>>
      %dma_start3A_127 = arith.constant 0 : i32
      %dma_start3A_128 = arith.constant 0 : i32
      %dma_start3A_129 = tpu.memref_slice %arg7[%run_scoped3A_86, %dma_start3A_127, %dma_start3A_128] : memref<2x128x128xf32, #tpu.memory_space<vmem>> -> memref<1x128x128xf32, #tpu.memory_space<vmem>>
      %dma_start3A_130 = tpu.memref_squeeze %dma_start3A_129 : memref<1x128x128xf32, #tpu.memory_space<vmem>> -> memref<128x128xf32, #tpu.memory_space<vmem>>
      %dma_start3A_131 = arith.constant 0 : i32
      %dma_start3A_132 = tpu.memref_slice %arg8[%add3A_85, %dma_start3A_131] : memref<10240x128xf32, #tpu.memory_space<vmem_shared>> -> memref<128x128xf32, #tpu.memory_space<vmem_shared>>
      tpu.enqueue_dma source(%dma_start3A_132 : memref<128x128xf32, #tpu.memory_space<vmem_shared>>) target(%dma_start3A_130 : memref<128x128xf32, #tpu.memory_space<vmem>>) target_semaphore(%run_scoped3A_120 : memref<!tpu.dma_semaphore, #tpu.memory_space<semaphore_mem>>)
      %dma_wait3A = arith.constant 0 : i32
      %dma_wait3A_133 = arith.constant 0 : i32
      %dma_wait3A_134 = tpu.memref_slice %arg7[%run_scoped3A_86, %dma_wait3A, %dma_wait3A_133] : memref<2x128x128xf32, #tpu.memory_space<vmem>> -> memref<1x128x128xf32, #tpu.memory_space<vmem>>
      %dma_wait3A_135 = tpu.memref_squeeze %dma_wait3A_134 : memref<1x128x128xf32, #tpu.memory_space<vmem>> -> memref<128x128xf32, #tpu.memory_space<vmem>>
      %dma_wait3A_136 = arith.constant 0 : i32
      %dma_wait3A_137 = tpu.memref_slice %arg8[%add3A_85, %dma_wait3A_136] : memref<10240x128xf32, #tpu.memory_space<vmem_shared>> -> memref<128x128xf32, #tpu.memory_space<vmem_shared>>
      %dma_wait3A_138 = arith.constant 0 : i32
      %dma_wait3A_139 = arith.constant 0 : i32
      %dma_wait3A_140 = tpu.memref_slice %arg7[%run_scoped3A_86, %dma_wait3A_138, %dma_wait3A_139] : memref<2x128x128xf32, #tpu.memory_space<vmem>> -> memref<1x128x128xf32, #tpu.memory_space<vmem>>
      %dma_wait3A_141 = tpu.memref_squeeze %dma_wait3A_140 : memref<1x128x128xf32, #tpu.memory_space<vmem>> -> memref<128x128xf32, #tpu.memory_space<vmem>>
      %dma_wait3A_142 = arith.constant 0 : i32
      %dma_wait3A_143 = tpu.memref_slice %arg8[%add3A_85, %dma_wait3A_142] : memref<10240x128xf32, #tpu.memory_space<vmem_shared>> -> memref<128x128xf32, #tpu.memory_space<vmem_shared>>
      tpu.wait_dma2 semaphore(%run_scoped3A_120 : memref<!tpu.dma_semaphore, #tpu.memory_space<semaphore_mem>>) src(%dma_wait3A_143 : memref<128x128xf32, #tpu.memory_space<vmem_shared>>) dst(%dma_wait3A_141 : memref<128x128xf32, #tpu.memory_space<vmem>>)
      tpu.yield
    }) : () -> ()
    %mul3A_87 = arith.constant 10240 : i32
    %mul3A_88 = arith.muli %arg0, %mul3A_87 : i32
    %add3A_89 = arith.addi %mul3A_88, %mul3A_0 : i32
    %add3A_90 = arith.constant 128 : i32
    %add3A_91 = arith.addi %add3A_89, %add3A_90 : i32
    %run_scoped3A_92 = arith.constant 0 : i32
    "tpu.region"() ({
      %run_scoped3A_120 = tpu.sem_alloc : memref<!tpu.dma_semaphore, #tpu.memory_space<semaphore_mem>>
      %dma_start3A_121 = arith.constant 0 : i32
      %dma_start3A_122 = arith.constant 0 : i32
      %dma_start3A_123 = tpu.memref_slice %arg7[%run_scoped3A_92, %dma_start3A_121, %dma_start3A_122] : memref<2x128x128xf32, #tpu.memory_space<vmem>> -> memref<1x128x128xf32, #tpu.memory_space<vmem>>
      %dma_start3A_124 = tpu.memref_squeeze %dma_start3A_123 : memref<1x128x128xf32, #tpu.memory_space<vmem>> -> memref<128x128xf32, #tpu.memory_space<vmem>>
      %dma_start3A_125 = arith.constant 0 : i32
      %dma_start3A_126 = tpu.memref_slice %arg5[%add3A_91, %dma_start3A_125] : memref<20480x128xf32, #tpu.memory_space<hbm>> -> memref<128x128xf32, #tpu.memory_space<hbm>>
      %dma_start3A_127 = arith.constant 0 : i32
      %dma_start3A_128 = tpu.memref_slice %arg5[%add3A_91, %dma_start3A_127] : memref<20480x128xf32, #tpu.memory_space<hbm>> -> memref<128x128xf32, #tpu.memory_space<hbm>>
      %dma_start3A_129 = arith.constant 0 : i32
      %dma_start3A_130 = arith.constant 0 : i32
      %dma_start3A_131 = tpu.memref_slice %arg7[%run_scoped3A_92, %dma_start3A_129, %dma_start3A_130] : memref<2x128x128xf32, #tpu.memory_space<vmem>> -> memref<1x128x128xf32, #tpu.memory_space<vmem>>
      %dma_start3A_132 = tpu.memref_squeeze %dma_start3A_131 : memref<1x128x128xf32, #tpu.memory_space<vmem>> -> memref<128x128xf32, #tpu.memory_space<vmem>>
      tpu.enqueue_dma source(%dma_start3A_132 : memref<128x128xf32, #tpu.memory_space<vmem>>) target(%dma_start3A_128 : memref<128x128xf32, #tpu.memory_space<hbm>>) target_semaphore(%run_scoped3A_120 : memref<!tpu.dma_semaphore, #tpu.memory_space<semaphore_mem>>)
      %dma_wait3A = arith.constant 0 : i32
      %dma_wait3A_133 = arith.constant 0 : i32
      %dma_wait3A_134 = tpu.memref_slice %arg7[%run_scoped3A_92, %dma_wait3A, %dma_wait3A_133] : memref<2x128x128xf32, #tpu.memory_space<vmem>> -> memref<1x128x128xf32, #tpu.memory_space<vmem>>
      %dma_wait3A_135 = tpu.memref_squeeze %dma_wait3A_134 : memref<1x128x128xf32, #tpu.memory_space<vmem>> -> memref<128x128xf32, #tpu.memory_space<vmem>>
      %dma_wait3A_136 = arith.constant 0 : i32
      %dma_wait3A_137 = tpu.memref_slice %arg5[%add3A_91, %dma_wait3A_136] : memref<20480x128xf32, #tpu.memory_space<hbm>> -> memref<128x128xf32, #tpu.memory_space<hbm>>
      %dma_wait3A_138 = arith.constant 0 : i32
      %dma_wait3A_139 = tpu.memref_slice %arg5[%add3A_91, %dma_wait3A_138] : memref<20480x128xf32, #tpu.memory_space<hbm>> -> memref<128x128xf32, #tpu.memory_space<hbm>>
      %dma_wait3A_140 = arith.constant 0 : i32
      %dma_wait3A_141 = arith.constant 0 : i32
      %dma_wait3A_142 = tpu.memref_slice %arg7[%run_scoped3A_92, %dma_wait3A_140, %dma_wait3A_141] : memref<2x128x128xf32, #tpu.memory_space<vmem>> -> memref<1x128x128xf32, #tpu.memory_space<vmem>>
      %dma_wait3A_143 = tpu.memref_squeeze %dma_wait3A_142 : memref<1x128x128xf32, #tpu.memory_space<vmem>> -> memref<128x128xf32, #tpu.memory_space<vmem>>
      tpu.wait_dma2 semaphore(%run_scoped3A_120 : memref<!tpu.dma_semaphore, #tpu.memory_space<semaphore_mem>>) src(%dma_wait3A_143 : memref<128x128xf32, #tpu.memory_space<vmem>>) dst(%dma_wait3A_139 : memref<128x128xf32, #tpu.memory_space<hbm>>)
      tpu.yield
    }) : () -> ()
    %add3A_93 = arith.constant 256 : i32
    %add3A_94 = arith.addi %mul3A_0, %add3A_93 : i32
    %run_scoped3A_95 = arith.constant 0 : i32
    "tpu.region"() ({
      %run_scoped3A_120 = tpu.sem_alloc : memref<!tpu.dma_semaphore, #tpu.memory_space<semaphore_mem>>
      %dma_start3A_121 = arith.constant 0 : i32
      %dma_start3A_122 = arith.constant 0 : i32
      %dma_start3A_123 = tpu.memref_slice %arg7[%run_scoped3A_95, %dma_start3A_121, %dma_start3A_122] : memref<2x128x128xf32, #tpu.memory_space<vmem>> -> memref<1x128x128xf32, #tpu.memory_space<vmem>>
      %dma_start3A_124 = tpu.memref_squeeze %dma_start3A_123 : memref<1x128x128xf32, #tpu.memory_space<vmem>> -> memref<128x128xf32, #tpu.memory_space<vmem>>
      %dma_start3A_125 = arith.constant 0 : i32
      %dma_start3A_126 = tpu.memref_slice %arg8[%add3A_94, %dma_start3A_125] : memref<10240x128xf32, #tpu.memory_space<vmem_shared>> -> memref<128x128xf32, #tpu.memory_space<vmem_shared>>
      %dma_start3A_127 = arith.constant 0 : i32
      %dma_start3A_128 = arith.constant 0 : i32
      %dma_start3A_129 = tpu.memref_slice %arg7[%run_scoped3A_95, %dma_start3A_127, %dma_start3A_128] : memref<2x128x128xf32, #tpu.memory_space<vmem>> -> memref<1x128x128xf32, #tpu.memory_space<vmem>>
      %dma_start3A_130 = tpu.memref_squeeze %dma_start3A_129 : memref<1x128x128xf32, #tpu.memory_space<vmem>> -> memref<128x128xf32, #tpu.memory_space<vmem>>
      %dma_start3A_131 = arith.constant 0 : i32
      %dma_start3A_132 = tpu.memref_slice %arg8[%add3A_94, %dma_start3A_131] : memref<10240x128xf32, #tpu.memory_space<vmem_shared>> -> memref<128x128xf32, #tpu.memory_space<vmem_shared>>
      tpu.enqueue_dma source(%dma_start3A_132 : memref<128x128xf32, #tpu.memory_space<vmem_shared>>) target(%dma_start3A_130 : memref<128x128xf32, #tpu.memory_space<vmem>>) target_semaphore(%run_scoped3A_120 : memref<!tpu.dma_semaphore, #tpu.memory_space<semaphore_mem>>)
      %dma_wait3A = arith.constant 0 : i32
      %dma_wait3A_133 = arith.constant 0 : i32
      %dma_wait3A_134 = tpu.memref_slice %arg7[%run_scoped3A_95, %dma_wait3A, %dma_wait3A_133] : memref<2x128x128xf32, #tpu.memory_space<vmem>> -> memref<1x128x128xf32, #tpu.memory_space<vmem>>
      %dma_wait3A_135 = tpu.memref_squeeze %dma_wait3A_134 : memref<1x128x128xf32, #tpu.memory_space<vmem>> -> memref<128x128xf32, #tpu.memory_space<vmem>>
      %dma_wait3A_136 = arith.constant 0 : i32
      %dma_wait3A_137 = tpu.memref_slice %arg8[%add3A_94, %dma_wait3A_136] : memref<10240x128xf32, #tpu.memory_space<vmem_shared>> -> memref<128x128xf32, #tpu.memory_space<vmem_shared>>
      %dma_wait3A_138 = arith.constant 0 : i32
      %dma_wait3A_139 = arith.constant 0 : i32
      %dma_wait3A_140 = tpu.memref_slice %arg7[%run_scoped3A_95, %dma_wait3A_138, %dma_wait3A_139] : memref<2x128x128xf32, #tpu.memory_space<vmem>> -> memref<1x128x128xf32, #tpu.memory_space<vmem>>
      %dma_wait3A_141 = tpu.memref_squeeze %dma_wait3A_140 : memref<1x128x128xf32, #tpu.memory_space<vmem>> -> memref<128x128xf32, #tpu.memory_space<vmem>>
      %dma_wait3A_142 = arith.constant 0 : i32
      %dma_wait3A_143 = tpu.memref_slice %arg8[%add3A_94, %dma_wait3A_142] : memref<10240x128xf32, #tpu.memory_space<vmem_shared>> -> memref<128x128xf32, #tpu.memory_space<vmem_shared>>
      tpu.wait_dma2 semaphore(%run_scoped3A_120 : memref<!tpu.dma_semaphore, #tpu.memory_space<semaphore_mem>>) src(%dma_wait3A_143 : memref<128x128xf32, #tpu.memory_space<vmem_shared>>) dst(%dma_wait3A_141 : memref<128x128xf32, #tpu.memory_space<vmem>>)
      tpu.yield
    }) : () -> ()
    %mul3A_96 = arith.constant 10240 : i32
    %mul3A_97 = arith.muli %arg0, %mul3A_96 : i32
    %add3A_98 = arith.addi %mul3A_97, %mul3A_0 : i32
    %add3A_99 = arith.constant 256 : i32
    %add3A_100 = arith.addi %add3A_98, %add3A_99 : i32
    %run_scoped3A_101 = arith.constant 0 : i32
    "tpu.region"() ({
      %run_scoped3A_120 = tpu.sem_alloc : memref<!tpu.dma_semaphore, #tpu.memory_space<semaphore_mem>>
      %dma_start3A_121 = arith.constant 0 : i32
      %dma_start3A_122 = arith.constant 0 : i32
      %dma_start3A_123 = tpu.memref_slice %arg7[%run_scoped3A_101, %dma_start3A_121, %dma_start3A_122] : memref<2x128x128xf32, #tpu.memory_space<vmem>> -> memref<1x128x128xf32, #tpu.memory_space<vmem>>
      %dma_start3A_124 = tpu.memref_squeeze %dma_start3A_123 : memref<1x128x128xf32, #tpu.memory_space<vmem>> -> memref<128x128xf32, #tpu.memory_space<vmem>>
      %dma_start3A_125 = arith.constant 0 : i32
      %dma_start3A_126 = tpu.memref_slice %arg5[%add3A_100, %dma_start3A_125] : memref<20480x128xf32, #tpu.memory_space<hbm>> -> memref<128x128xf32, #tpu.memory_space<hbm>>
      %dma_start3A_127 = arith.constant 0 : i32
      %dma_start3A_128 = tpu.memref_slice %arg5[%add3A_100, %dma_start3A_127] : memref<20480x128xf32, #tpu.memory_space<hbm>> -> memref<128x128xf32, #tpu.memory_space<hbm>>
      %dma_start3A_129 = arith.constant 0 : i32
      %dma_start3A_130 = arith.constant 0 : i32
      %dma_start3A_131 = tpu.memref_slice %arg7[%run_scoped3A_101, %dma_start3A_129, %dma_start3A_130] : memref<2x128x128xf32, #tpu.memory_space<vmem>> -> memref<1x128x128xf32, #tpu.memory_space<vmem>>
      %dma_start3A_132 = tpu.memref_squeeze %dma_start3A_131 : memref<1x128x128xf32, #tpu.memory_space<vmem>> -> memref<128x128xf32, #tpu.memory_space<vmem>>
      tpu.enqueue_dma source(%dma_start3A_132 : memref<128x128xf32, #tpu.memory_space<vmem>>) target(%dma_start3A_128 : memref<128x128xf32, #tpu.memory_space<hbm>>) target_semaphore(%run_scoped3A_120 : memref<!tpu.dma_semaphore, #tpu.memory_space<semaphore_mem>>)
      %dma_wait3A = arith.constant 0 : i32
      %dma_wait3A_133 = arith.constant 0 : i32
      %dma_wait3A_134 = tpu.memref_slice %arg7[%run_scoped3A_101, %dma_wait3A, %dma_wait3A_133] : memref<2x128x128xf32, #tpu.memory_space<vmem>> -> memref<1x128x128xf32, #tpu.memory_space<vmem>>
      %dma_wait3A_135 = tpu.memref_squeeze %dma_wait3A_134 : memref<1x128x128xf32, #tpu.memory_space<vmem>> -> memref<128x128xf32, #tpu.memory_space<vmem>>
      %dma_wait3A_136 = arith.constant 0 : i32
      %dma_wait3A_137 = tpu.memref_slice %arg5[%add3A_100, %dma_wait3A_136] : memref<20480x128xf32, #tpu.memory_space<hbm>> -> memref<128x128xf32, #tpu.memory_space<hbm>>
      %dma_wait3A_138 = arith.constant 0 : i32
      %dma_wait3A_139 = tpu.memref_slice %arg5[%add3A_100, %dma_wait3A_138] : memref<20480x128xf32, #tpu.memory_space<hbm>> -> memref<128x128xf32, #tpu.memory_space<hbm>>
      %dma_wait3A_140 = arith.constant 0 : i32
      %dma_wait3A_141 = arith.constant 0 : i32
      %dma_wait3A_142 = tpu.memref_slice %arg7[%run_scoped3A_101, %dma_wait3A_140, %dma_wait3A_141] : memref<2x128x128xf32, #tpu.memory_space<vmem>> -> memref<1x128x128xf32, #tpu.memory_space<vmem>>
      %dma_wait3A_143 = tpu.memref_squeeze %dma_wait3A_142 : memref<1x128x128xf32, #tpu.memory_space<vmem>> -> memref<128x128xf32, #tpu.memory_space<vmem>>
      tpu.wait_dma2 semaphore(%run_scoped3A_120 : memref<!tpu.dma_semaphore, #tpu.memory_space<semaphore_mem>>) src(%dma_wait3A_143 : memref<128x128xf32, #tpu.memory_space<vmem>>) dst(%dma_wait3A_139 : memref<128x128xf32, #tpu.memory_space<hbm>>)
      tpu.yield
    }) : () -> ()
    %add3A_102 = arith.constant 384 : i32
    %add3A_103 = arith.addi %mul3A_0, %add3A_102 : i32
    %run_scoped3A_104 = arith.constant 0 : i32
    "tpu.region"() ({
      %run_scoped3A_120 = tpu.sem_alloc : memref<!tpu.dma_semaphore, #tpu.memory_space<semaphore_mem>>
      %dma_start3A_121 = arith.constant 0 : i32
      %dma_start3A_122 = arith.constant 0 : i32
      %dma_start3A_123 = tpu.memref_slice %arg7[%run_scoped3A_104, %dma_start3A_121, %dma_start3A_122] : memref<2x128x128xf32, #tpu.memory_space<vmem>> -> memref<1x128x128xf32, #tpu.memory_space<vmem>>
      %dma_start3A_124 = tpu.memref_squeeze %dma_start3A_123 : memref<1x128x128xf32, #tpu.memory_space<vmem>> -> memref<128x128xf32, #tpu.memory_space<vmem>>
      %dma_start3A_125 = arith.constant 0 : i32
      %dma_start3A_126 = tpu.memref_slice %arg8[%add3A_103, %dma_start3A_125] : memref<10240x128xf32, #tpu.memory_space<vmem_shared>> -> memref<128x128xf32, #tpu.memory_space<vmem_shared>>
      %dma_start3A_127 = arith.constant 0 : i32
      %dma_start3A_128 = arith.constant 0 : i32
      %dma_start3A_129 = tpu.memref_slice %arg7[%run_scoped3A_104, %dma_start3A_127, %dma_start3A_128] : memref<2x128x128xf32, #tpu.memory_space<vmem>> -> memref<1x128x128xf32, #tpu.memory_space<vmem>>
      %dma_start3A_130 = tpu.memref_squeeze %dma_start3A_129 : memref<1x128x128xf32, #tpu.memory_space<vmem>> -> memref<128x128xf32, #tpu.memory_space<vmem>>
      %dma_start3A_131 = arith.constant 0 : i32
      %dma_start3A_132 = tpu.memref_slice %arg8[%add3A_103, %dma_start3A_131] : memref<10240x128xf32, #tpu.memory_space<vmem_shared>> -> memref<128x128xf32, #tpu.memory_space<vmem_shared>>
      tpu.enqueue_dma source(%dma_start3A_132 : memref<128x128xf32, #tpu.memory_space<vmem_shared>>) target(%dma_start3A_130 : memref<128x128xf32, #tpu.memory_space<vmem>>) target_semaphore(%run_scoped3A_120 : memref<!tpu.dma_semaphore, #tpu.memory_space<semaphore_mem>>)
      %dma_wait3A = arith.constant 0 : i32
      %dma_wait3A_133 = arith.constant 0 : i32
      %dma_wait3A_134 = tpu.memref_slice %arg7[%run_scoped3A_104, %dma_wait3A, %dma_wait3A_133] : memref<2x128x128xf32, #tpu.memory_space<vmem>> -> memref<1x128x128xf32, #tpu.memory_space<vmem>>
      %dma_wait3A_135 = tpu.memref_squeeze %dma_wait3A_134 : memref<1x128x128xf32, #tpu.memory_space<vmem>> -> memref<128x128xf32, #tpu.memory_space<vmem>>
      %dma_wait3A_136 = arith.constant 0 : i32
      %dma_wait3A_137 = tpu.memref_slice %arg8[%add3A_103, %dma_wait3A_136] : memref<10240x128xf32, #tpu.memory_space<vmem_shared>> -> memref<128x128xf32, #tpu.memory_space<vmem_shared>>
      %dma_wait3A_138 = arith.constant 0 : i32
      %dma_wait3A_139 = arith.constant 0 : i32
      %dma_wait3A_140 = tpu.memref_slice %arg7[%run_scoped3A_104, %dma_wait3A_138, %dma_wait3A_139] : memref<2x128x128xf32, #tpu.memory_space<vmem>> -> memref<1x128x128xf32, #tpu.memory_space<vmem>>
      %dma_wait3A_141 = tpu.memref_squeeze %dma_wait3A_140 : memref<1x128x128xf32, #tpu.memory_space<vmem>> -> memref<128x128xf32, #tpu.memory_space<vmem>>
      %dma_wait3A_142 = arith.constant 0 : i32
      %dma_wait3A_143 = tpu.memref_slice %arg8[%add3A_103, %dma_wait3A_142] : memref<10240x128xf32, #tpu.memory_space<vmem_shared>> -> memref<128x128xf32, #tpu.memory_space<vmem_shared>>
      tpu.wait_dma2 semaphore(%run_scoped3A_120 : memref<!tpu.dma_semaphore, #tpu.memory_space<semaphore_mem>>) src(%dma_wait3A_143 : memref<128x128xf32, #tpu.memory_space<vmem_shared>>) dst(%dma_wait3A_141 : memref<128x128xf32, #tpu.memory_space<vmem>>)
      tpu.yield
    }) : () -> ()
    %mul3A_105 = arith.constant 10240 : i32
    %mul3A_106 = arith.muli %arg0, %mul3A_105 : i32
    %add3A_107 = arith.addi %mul3A_106, %mul3A_0 : i32
    %add3A_108 = arith.constant 384 : i32
    %add3A_109 = arith.addi %add3A_107, %add3A_108 : i32
    %run_scoped3A_110 = arith.constant 0 : i32
    "tpu.region"() ({
      %run_scoped3A_120 = tpu.sem_alloc : memref<!tpu.dma_semaphore, #tpu.memory_space<semaphore_mem>>
      %dma_start3A_121 = arith.constant 0 : i32
      %dma_start3A_122 = arith.constant 0 : i32
      %dma_start3A_123 = tpu.memref_slice %arg7[%run_scoped3A_110, %dma_start3A_121, %dma_start3A_122] : memref<2x128x128xf32, #tpu.memory_space<vmem>> -> memref<1x128x128xf32, #tpu.memory_space<vmem>>
      %dma_start3A_124 = tpu.memref_squeeze %dma_start3A_123 : memref<1x128x128xf32, #tpu.memory_space<vmem>> -> memref<128x128xf32, #tpu.memory_space<vmem>>
      %dma_start3A_125 = arith.constant 0 : i32
      %dma_start3A_126 = tpu.memref_slice %arg5[%add3A_109, %dma_start3A_125] : memref<20480x128xf32, #tpu.memory_space<hbm>> -> memref<128x128xf32, #tpu.memory_space<hbm>>
      %dma_start3A_127 = arith.constant 0 : i32
      %dma_start3A_128 = tpu.memref_slice %arg5[%add3A_109, %dma_start3A_127] : memref<20480x128xf32, #tpu.memory_space<hbm>> -> memref<128x128xf32, #tpu.memory_space<hbm>>
      %dma_start3A_129 = arith.constant 0 : i32
      %dma_start3A_130 = arith.constant 0 : i32
      %dma_start3A_131 = tpu.memref_slice %arg7[%run_scoped3A_110, %dma_start3A_129, %dma_start3A_130] : memref<2x128x128xf32, #tpu.memory_space<vmem>> -> memref<1x128x128xf32, #tpu.memory_space<vmem>>
      %dma_start3A_132 = tpu.memref_squeeze %dma_start3A_131 : memref<1x128x128xf32, #tpu.memory_space<vmem>> -> memref<128x128xf32, #tpu.memory_space<vmem>>
      tpu.enqueue_dma source(%dma_start3A_132 : memref<128x128xf32, #tpu.memory_space<vmem>>) target(%dma_start3A_128 : memref<128x128xf32, #tpu.memory_space<hbm>>) target_semaphore(%run_scoped3A_120 : memref<!tpu.dma_semaphore, #tpu.memory_space<semaphore_mem>>)
      %dma_wait3A = arith.constant 0 : i32
      %dma_wait3A_133 = arith.constant 0 : i32
      %dma_wait3A_134 = tpu.memref_slice %arg7[%run_scoped3A_110, %dma_wait3A, %dma_wait3A_133] : memref<2x128x128xf32, #tpu.memory_space<vmem>> -> memref<1x128x128xf32, #tpu.memory_space<vmem>>
      %dma_wait3A_135 = tpu.memref_squeeze %dma_wait3A_134 : memref<1x128x128xf32, #tpu.memory_space<vmem>> -> memref<128x128xf32, #tpu.memory_space<vmem>>
      %dma_wait3A_136 = arith.constant 0 : i32
      %dma_wait3A_137 = tpu.memref_slice %arg5[%add3A_109, %dma_wait3A_136] : memref<20480x128xf32, #tpu.memory_space<hbm>> -> memref<128x128xf32, #tpu.memory_space<hbm>>
      %dma_wait3A_138 = arith.constant 0 : i32
      %dma_wait3A_139 = tpu.memref_slice %arg5[%add3A_109, %dma_wait3A_138] : memref<20480x128xf32, #tpu.memory_space<hbm>> -> memref<128x128xf32, #tpu.memory_space<hbm>>
      %dma_wait3A_140 = arith.constant 0 : i32
      %dma_wait3A_141 = arith.constant 0 : i32
      %dma_wait3A_142 = tpu.memref_slice %arg7[%run_scoped3A_110, %dma_wait3A_140, %dma_wait3A_141] : memref<2x128x128xf32, #tpu.memory_space<vmem>> -> memref<1x128x128xf32, #tpu.memory_space<vmem>>
      %dma_wait3A_143 = tpu.memref_squeeze %dma_wait3A_142 : memref<1x128x128xf32, #tpu.memory_space<vmem>> -> memref<128x128xf32, #tpu.memory_space<vmem>>
      tpu.wait_dma2 semaphore(%run_scoped3A_120 : memref<!tpu.dma_semaphore, #tpu.memory_space<semaphore_mem>>) src(%dma_wait3A_143 : memref<128x128xf32, #tpu.memory_space<vmem>>) dst(%dma_wait3A_139 : memref<128x128xf32, #tpu.memory_space<hbm>>)
      tpu.yield
    }) : () -> ()
    %add3A_111 = arith.constant 512 : i32
    %add3A_112 = arith.addi %mul3A_0, %add3A_111 : i32
    %run_scoped3A_113 = arith.constant 0 : i32
    "tpu.region"() ({
      %run_scoped3A_120 = tpu.sem_alloc : memref<!tpu.dma_semaphore, #tpu.memory_space<semaphore_mem>>
      %dma_start3A_121 = arith.constant 0 : i32
      %dma_start3A_122 = arith.constant 0 : i32
      %dma_start3A_123 = tpu.memref_slice %arg7[%run_scoped3A_113, %dma_start3A_121, %dma_start3A_122] : memref<2x128x128xf32, #tpu.memory_space<vmem>> -> memref<1x128x128xf32, #tpu.memory_space<vmem>>
      %dma_start3A_124 = tpu.memref_squeeze %dma_start3A_123 : memref<1x128x128xf32, #tpu.memory_space<vmem>> -> memref<128x128xf32, #tpu.memory_space<vmem>>
      %dma_start3A_125 = arith.constant 0 : i32
      %dma_start3A_126 = tpu.memref_slice %arg8[%add3A_112, %dma_start3A_125] : memref<10240x128xf32, #tpu.memory_space<vmem_shared>> -> memref<128x128xf32, #tpu.memory_space<vmem_shared>>
      %dma_start3A_127 = arith.constant 0 : i32
      %dma_start3A_128 = arith.constant 0 : i32
      %dma_start3A_129 = tpu.memref_slice %arg7[%run_scoped3A_113, %dma_start3A_127, %dma_start3A_128] : memref<2x128x128xf32, #tpu.memory_space<vmem>> -> memref<1x128x128xf32, #tpu.memory_space<vmem>>
      %dma_start3A_130 = tpu.memref_squeeze %dma_start3A_129 : memref<1x128x128xf32, #tpu.memory_space<vmem>> -> memref<128x128xf32, #tpu.memory_space<vmem>>
      %dma_start3A_131 = arith.constant 0 : i32
      %dma_start3A_132 = tpu.memref_slice %arg8[%add3A_112, %dma_start3A_131] : memref<10240x128xf32, #tpu.memory_space<vmem_shared>> -> memref<128x128xf32, #tpu.memory_space<vmem_shared>>
      tpu.enqueue_dma source(%dma_start3A_132 : memref<128x128xf32, #tpu.memory_space<vmem_shared>>) target(%dma_start3A_130 : memref<128x128xf32, #tpu.memory_space<vmem>>) target_semaphore(%run_scoped3A_120 : memref<!tpu.dma_semaphore, #tpu.memory_space<semaphore_mem>>)
      %dma_wait3A = arith.constant 0 : i32
      %dma_wait3A_133 = arith.constant 0 : i32
      %dma_wait3A_134 = tpu.memref_slice %arg7[%run_scoped3A_113, %dma_wait3A, %dma_wait3A_133] : memref<2x128x128xf32, #tpu.memory_space<vmem>> -> memref<1x128x128xf32, #tpu.memory_space<vmem>>
      %dma_wait3A_135 = tpu.memref_squeeze %dma_wait3A_134 : memref<1x128x128xf32, #tpu.memory_space<vmem>> -> memref<128x128xf32, #tpu.memory_space<vmem>>
      %dma_wait3A_136 = arith.constant 0 : i32
      %dma_wait3A_137 = tpu.memref_slice %arg8[%add3A_112, %dma_wait3A_136] : memref<10240x128xf32, #tpu.memory_space<vmem_shared>> -> memref<128x128xf32, #tpu.memory_space<vmem_shared>>
      %dma_wait3A_138 = arith.constant 0 : i32
      %dma_wait3A_139 = arith.constant 0 : i32
      %dma_wait3A_140 = tpu.memref_slice %arg7[%run_scoped3A_113, %dma_wait3A_138, %dma_wait3A_139] : memref<2x128x128xf32, #tpu.memory_space<vmem>> -> memref<1x128x128xf32, #tpu.memory_space<vmem>>
      %dma_wait3A_141 = tpu.memref_squeeze %dma_wait3A_140 : memref<1x128x128xf32, #tpu.memory_space<vmem>> -> memref<128x128xf32, #tpu.memory_space<vmem>>
      %dma_wait3A_142 = arith.constant 0 : i32
      %dma_wait3A_143 = tpu.memref_slice %arg8[%add3A_112, %dma_wait3A_142] : memref<10240x128xf32, #tpu.memory_space<vmem_shared>> -> memref<128x128xf32, #tpu.memory_space<vmem_shared>>
      tpu.wait_dma2 semaphore(%run_scoped3A_120 : memref<!tpu.dma_semaphore, #tpu.memory_space<semaphore_mem>>) src(%dma_wait3A_143 : memref<128x128xf32, #tpu.memory_space<vmem_shared>>) dst(%dma_wait3A_141 : memref<128x128xf32, #tpu.memory_space<vmem>>)
      tpu.yield
    }) : () -> ()
    %mul3A_114 = arith.constant 10240 : i32
    %mul3A_115 = arith.muli %arg0, %mul3A_114 : i32
    %add3A_116 = arith.addi %mul3A_115, %mul3A_0 : i32
    %add3A_117 = arith.constant 512 : i32
    %add3A_118 = arith.addi %add3A_116, %add3A_117 : i32
    %run_scoped3A_119 = arith.constant 0 : i32
    "tpu.region"() ({
      %run_scoped3A_120 = tpu.sem_alloc : memref<!tpu.dma_semaphore, #tpu.memory_space<semaphore_mem>>
      %dma_start3A_121 = arith.constant 0 : i32
      %dma_start3A_122 = arith.constant 0 : i32
      %dma_start3A_123 = tpu.memref_slice %arg7[%run_scoped3A_119, %dma_start3A_121, %dma_start3A_122] : memref<2x128x128xf32, #tpu.memory_space<vmem>> -> memref<1x128x128xf32, #tpu.memory_space<vmem>>
      %dma_start3A_124 = tpu.memref_squeeze %dma_start3A_123 : memref<1x128x128xf32, #tpu.memory_space<vmem>> -> memref<128x128xf32, #tpu.memory_space<vmem>>
      %dma_start3A_125 = arith.constant 0 : i32
      %dma_start3A_126 = tpu.memref_slice %arg5[%add3A_118, %dma_start3A_125] : memref<20480x128xf32, #tpu.memory_space<hbm>> -> memref<128x128xf32, #tpu.memory_space<hbm>>
      %dma_start3A_127 = arith.constant 0 : i32
      %dma_start3A_128 = tpu.memref_slice %arg5[%add3A_118, %dma_start3A_127] : memref<20480x128xf32, #tpu.memory_space<hbm>> -> memref<128x128xf32, #tpu.memory_space<hbm>>
      %dma_start3A_129 = arith.constant 0 : i32
      %dma_start3A_130 = arith.constant 0 : i32
      %dma_start3A_131 = tpu.memref_slice %arg7[%run_scoped3A_119, %dma_start3A_129, %dma_start3A_130] : memref<2x128x128xf32, #tpu.memory_space<vmem>> -> memref<1x128x128xf32, #tpu.memory_space<vmem>>
      %dma_start3A_132 = tpu.memref_squeeze %dma_start3A_131 : memref<1x128x128xf32, #tpu.memory_space<vmem>> -> memref<128x128xf32, #tpu.memory_space<vmem>>
      tpu.enqueue_dma source(%dma_start3A_132 : memref<128x128xf32, #tpu.memory_space<vmem>>) target(%dma_start3A_128 : memref<128x128xf32, #tpu.memory_space<hbm>>) target_semaphore(%run_scoped3A_120 : memref<!tpu.dma_semaphore, #tpu.memory_space<semaphore_mem>>)
      %dma_wait3A = arith.constant 0 : i32
      %dma_wait3A_133 = arith.constant 0 : i32
      %dma_wait3A_134 = tpu.memref_slice %arg7[%run_scoped3A_119, %dma_wait3A, %dma_wait3A_133] : memref<2x128x128xf32, #tpu.memory_space<vmem>> -> memref<1x128x128xf32, #tpu.memory_space<vmem>>
      %dma_wait3A_135 = tpu.memref_squeeze %dma_wait3A_134 : memref<1x128x128xf32, #tpu.memory_space<vmem>> -> memref<128x128xf32, #tpu.memory_space<vmem>>
      %dma_wait3A_136 = arith.constant 0 : i32
      %dma_wait3A_137 = tpu.memref_slice %arg5[%add3A_118, %dma_wait3A_136] : memref<20480x128xf32, #tpu.memory_space<hbm>> -> memref<128x128xf32, #tpu.memory_space<hbm>>
      %dma_wait3A_138 = arith.constant 0 : i32
      %dma_wait3A_139 = tpu.memref_slice %arg5[%add3A_118, %dma_wait3A_138] : memref<20480x128xf32, #tpu.memory_space<hbm>> -> memref<128x128xf32, #tpu.memory_space<hbm>>
      %dma_wait3A_140 = arith.constant 0 : i32
      %dma_wait3A_141 = arith.constant 0 : i32
      %dma_wait3A_142 = tpu.memref_slice %arg7[%run_scoped3A_119, %dma_wait3A_140, %dma_wait3A_141] : memref<2x128x128xf32, #tpu.memory_space<vmem>> -> memref<1x128x128xf32, #tpu.memory_space<vmem>>
      %dma_wait3A_143 = tpu.memref_squeeze %dma_wait3A_142 : memref<1x128x128xf32, #tpu.memory_space<vmem>> -> memref<128x128xf32, #tpu.memory_space<vmem>>
      tpu.wait_dma2 semaphore(%run_scoped3A_120 : memref<!tpu.dma_semaphore, #tpu.memory_space<semaphore_mem>>) src(%dma_wait3A_143 : memref<128x128xf32, #tpu.memory_space<vmem>>) dst(%dma_wait3A_139 : memref<128x128xf32, #tpu.memory_space<hbm>>)
      tpu.yield
    }) : () -> ()
    return
  }
}

#map = affine_map<(d0, d1) -> (0, 0)>
module attributes {stable_mosaic.version = 14 : i64} {
  func.func @agg(%arg0: i32, %arg1: i32, %arg2: memref<20480x64xf32, #tpu.memory_space<hbm>>, %arg3: memref<5120x128xi32, #tpu.memory_space<hbm>>, %arg4: memref<20480x64xf32, #tpu.memory_space<hbm>>, %arg5: memref<20480x64xf32, #tpu.memory_space<hbm>>, %arg6: memref<2x2x128xi32, #tpu.memory_space<vmem>>, %arg7: memref<2x128x64xf32, #tpu.memory_space<vmem>>, %arg8: memref<10240x64xf32, #tpu.memory_space<vmem_shared>>, %arg9: memref<!tpu.dma_semaphore, #tpu.memory_space<semaphore_mem>>) attributes {dimension_semantics = [#tpu.dimension_semantics<core_parallel>, #tpu.dimension_semantics<subcore_parallel>], iteration_bounds = array<i64: 2, 16>, scalar_prefetch = 0 : i64, scratch_operands = 4 : i64, tpu.core_type = #tpu.core_type<sc_vector_subcore>, window_params = [{transform_indices = #map}, {transform_indices = #map}, {transform_indices = #map}, {transform_indices = #map}]} {
    %mul3A = arith.constant 640 : i32
    %mul3A_0 = arith.muli %arg1, %mul3A : i32
    %mul3A_1 = arith.constant 10240 : i32
    %mul3A_2 = arith.muli %arg0, %mul3A_1 : i32
    %add3A = arith.addi %mul3A_2, %mul3A_0 : i32
    %add3A_3 = arith.constant 0 : i32
    %add3A_4 = arith.addi %add3A, %add3A_3 : i32
    %run_scoped3A = arith.constant 0 : i32
    "tpu.region"() ({
      %run_scoped3A_120 = tpu.sem_alloc : memref<!tpu.dma_semaphore, #tpu.memory_space<semaphore_mem>>
      %dma_start3A_121 = arith.constant 0 : i32
      %dma_start3A_122 = arith.constant 0 : i32
      %dma_start3A_123 = tpu.memref_slice %arg7[%run_scoped3A, %dma_start3A_121, %dma_start3A_122] : memref<2x128x64xf32, #tpu.memory_space<vmem>> -> memref<1x128x64xf32, #tpu.memory_space<vmem>>
      %dma_start3A_124 = tpu.memref_squeeze %dma_start3A_123 : memref<1x128x64xf32, #tpu.memory_space<vmem>> -> memref<128x64xf32, #tpu.memory_space<vmem>>
      %dma_start3A_125 = arith.constant 0 : i32
      %dma_start3A_126 = tpu.memref_slice %arg4[%add3A_4, %dma_start3A_125] : memref<20480x64xf32, #tpu.memory_space<hbm>> -> memref<128x64xf32, #tpu.memory_space<hbm>>
      %dma_start3A_127 = arith.constant 0 : i32
      %dma_start3A_128 = arith.constant 0 : i32
      %dma_start3A_129 = tpu.memref_slice %arg7[%run_scoped3A, %dma_start3A_127, %dma_start3A_128] : memref<2x128x64xf32, #tpu.memory_space<vmem>> -> memref<1x128x64xf32, #tpu.memory_space<vmem>>
      %dma_start3A_130 = tpu.memref_squeeze %dma_start3A_129 : memref<1x128x64xf32, #tpu.memory_space<vmem>> -> memref<128x64xf32, #tpu.memory_space<vmem>>
      %dma_start3A_131 = arith.constant 0 : i32
      %dma_start3A_132 = tpu.memref_slice %arg4[%add3A_4, %dma_start3A_131] : memref<20480x64xf32, #tpu.memory_space<hbm>> -> memref<128x64xf32, #tpu.memory_space<hbm>>
      tpu.enqueue_dma source(%dma_start3A_132 : memref<128x64xf32, #tpu.memory_space<hbm>>) target(%dma_start3A_130 : memref<128x64xf32, #tpu.memory_space<vmem>>) target_semaphore(%run_scoped3A_120 : memref<!tpu.dma_semaphore, #tpu.memory_space<semaphore_mem>>)
      %dma_wait3A = arith.constant 0 : i32
      %dma_wait3A_133 = arith.constant 0 : i32
      %dma_wait3A_134 = tpu.memref_slice %arg7[%run_scoped3A, %dma_wait3A, %dma_wait3A_133] : memref<2x128x64xf32, #tpu.memory_space<vmem>> -> memref<1x128x64xf32, #tpu.memory_space<vmem>>
      %dma_wait3A_135 = tpu.memref_squeeze %dma_wait3A_134 : memref<1x128x64xf32, #tpu.memory_space<vmem>> -> memref<128x64xf32, #tpu.memory_space<vmem>>
      %dma_wait3A_136 = arith.constant 0 : i32
      %dma_wait3A_137 = tpu.memref_slice %arg4[%add3A_4, %dma_wait3A_136] : memref<20480x64xf32, #tpu.memory_space<hbm>> -> memref<128x64xf32, #tpu.memory_space<hbm>>
      %dma_wait3A_138 = arith.constant 0 : i32
      %dma_wait3A_139 = arith.constant 0 : i32
      %dma_wait3A_140 = tpu.memref_slice %arg7[%run_scoped3A, %dma_wait3A_138, %dma_wait3A_139] : memref<2x128x64xf32, #tpu.memory_space<vmem>> -> memref<1x128x64xf32, #tpu.memory_space<vmem>>
      %dma_wait3A_141 = tpu.memref_squeeze %dma_wait3A_140 : memref<1x128x64xf32, #tpu.memory_space<vmem>> -> memref<128x64xf32, #tpu.memory_space<vmem>>
      %dma_wait3A_142 = arith.constant 0 : i32
      %dma_wait3A_143 = tpu.memref_slice %arg4[%add3A_4, %dma_wait3A_142] : memref<20480x64xf32, #tpu.memory_space<hbm>> -> memref<128x64xf32, #tpu.memory_space<hbm>>
      tpu.wait_dma2 semaphore(%run_scoped3A_120 : memref<!tpu.dma_semaphore, #tpu.memory_space<semaphore_mem>>) src(%dma_wait3A_143 : memref<128x64xf32, #tpu.memory_space<hbm>>) dst(%dma_wait3A_141 : memref<128x64xf32, #tpu.memory_space<vmem>>)
      tpu.yield
    }) : () -> ()
    %add3A_5 = arith.constant 0 : i32
    %add3A_6 = arith.addi %mul3A_0, %add3A_5 : i32
    %run_scoped3A_7 = arith.constant 0 : i32
    "tpu.region"() ({
      %run_scoped3A_120 = tpu.sem_alloc : memref<!tpu.dma_semaphore, #tpu.memory_space<semaphore_mem>>
      %dma_start3A_121 = arith.constant 0 : i32
      %dma_start3A_122 = arith.constant 0 : i32
      %dma_start3A_123 = tpu.memref_slice %arg7[%run_scoped3A_7, %dma_start3A_121, %dma_start3A_122] : memref<2x128x64xf32, #tpu.memory_space<vmem>> -> memref<1x128x64xf32, #tpu.memory_space<vmem>>
      %dma_start3A_124 = tpu.memref_squeeze %dma_start3A_123 : memref<1x128x64xf32, #tpu.memory_space<vmem>> -> memref<128x64xf32, #tpu.memory_space<vmem>>
      %dma_start3A_125 = arith.constant 0 : i32
      %dma_start3A_126 = tpu.memref_slice %arg8[%add3A_6, %dma_start3A_125] : memref<10240x64xf32, #tpu.memory_space<vmem_shared>> -> memref<128x64xf32, #tpu.memory_space<vmem_shared>>
      %dma_start3A_127 = arith.constant 0 : i32
      %dma_start3A_128 = tpu.memref_slice %arg8[%add3A_6, %dma_start3A_127] : memref<10240x64xf32, #tpu.memory_space<vmem_shared>> -> memref<128x64xf32, #tpu.memory_space<vmem_shared>>
      %dma_start3A_129 = arith.constant 0 : i32
      %dma_start3A_130 = arith.constant 0 : i32
      %dma_start3A_131 = tpu.memref_slice %arg7[%run_scoped3A_7, %dma_start3A_129, %dma_start3A_130] : memref<2x128x64xf32, #tpu.memory_space<vmem>> -> memref<1x128x64xf32, #tpu.memory_space<vmem>>
      %dma_start3A_132 = tpu.memref_squeeze %dma_start3A_131 : memref<1x128x64xf32, #tpu.memory_space<vmem>> -> memref<128x64xf32, #tpu.memory_space<vmem>>
      tpu.enqueue_dma source(%dma_start3A_132 : memref<128x64xf32, #tpu.memory_space<vmem>>) target(%dma_start3A_128 : memref<128x64xf32, #tpu.memory_space<vmem_shared>>) target_semaphore(%run_scoped3A_120 : memref<!tpu.dma_semaphore, #tpu.memory_space<semaphore_mem>>)
      %dma_wait3A = arith.constant 0 : i32
      %dma_wait3A_133 = arith.constant 0 : i32
      %dma_wait3A_134 = tpu.memref_slice %arg7[%run_scoped3A_7, %dma_wait3A, %dma_wait3A_133] : memref<2x128x64xf32, #tpu.memory_space<vmem>> -> memref<1x128x64xf32, #tpu.memory_space<vmem>>
      %dma_wait3A_135 = tpu.memref_squeeze %dma_wait3A_134 : memref<1x128x64xf32, #tpu.memory_space<vmem>> -> memref<128x64xf32, #tpu.memory_space<vmem>>
      %dma_wait3A_136 = arith.constant 0 : i32
      %dma_wait3A_137 = tpu.memref_slice %arg8[%add3A_6, %dma_wait3A_136] : memref<10240x64xf32, #tpu.memory_space<vmem_shared>> -> memref<128x64xf32, #tpu.memory_space<vmem_shared>>
      %dma_wait3A_138 = arith.constant 0 : i32
      %dma_wait3A_139 = tpu.memref_slice %arg8[%add3A_6, %dma_wait3A_138] : memref<10240x64xf32, #tpu.memory_space<vmem_shared>> -> memref<128x64xf32, #tpu.memory_space<vmem_shared>>
      %dma_wait3A_140 = arith.constant 0 : i32
      %dma_wait3A_141 = arith.constant 0 : i32
      %dma_wait3A_142 = tpu.memref_slice %arg7[%run_scoped3A_7, %dma_wait3A_140, %dma_wait3A_141] : memref<2x128x64xf32, #tpu.memory_space<vmem>> -> memref<1x128x64xf32, #tpu.memory_space<vmem>>
      %dma_wait3A_143 = tpu.memref_squeeze %dma_wait3A_142 : memref<1x128x64xf32, #tpu.memory_space<vmem>> -> memref<128x64xf32, #tpu.memory_space<vmem>>
      tpu.wait_dma2 semaphore(%run_scoped3A_120 : memref<!tpu.dma_semaphore, #tpu.memory_space<semaphore_mem>>) src(%dma_wait3A_143 : memref<128x64xf32, #tpu.memory_space<vmem>>) dst(%dma_wait3A_139 : memref<128x64xf32, #tpu.memory_space<vmem_shared>>)
      tpu.yield
    }) : () -> ()
    %mul3A_8 = arith.constant 10240 : i32
    %mul3A_9 = arith.muli %arg0, %mul3A_8 : i32
    %add3A_10 = arith.addi %mul3A_9, %mul3A_0 : i32
    %add3A_11 = arith.constant 128 : i32
    %add3A_12 = arith.addi %add3A_10, %add3A_11 : i32
    %run_scoped3A_13 = arith.constant 0 : i32
    "tpu.region"() ({
      %run_scoped3A_120 = tpu.sem_alloc : memref<!tpu.dma_semaphore, #tpu.memory_space<semaphore_mem>>
      %dma_start3A_121 = arith.constant 0 : i32
      %dma_start3A_122 = arith.constant 0 : i32
      %dma_start3A_123 = tpu.memref_slice %arg7[%run_scoped3A_13, %dma_start3A_121, %dma_start3A_122] : memref<2x128x64xf32, #tpu.memory_space<vmem>> -> memref<1x128x64xf32, #tpu.memory_space<vmem>>
      %dma_start3A_124 = tpu.memref_squeeze %dma_start3A_123 : memref<1x128x64xf32, #tpu.memory_space<vmem>> -> memref<128x64xf32, #tpu.memory_space<vmem>>
      %dma_start3A_125 = arith.constant 0 : i32
      %dma_start3A_126 = tpu.memref_slice %arg4[%add3A_12, %dma_start3A_125] : memref<20480x64xf32, #tpu.memory_space<hbm>> -> memref<128x64xf32, #tpu.memory_space<hbm>>
      %dma_start3A_127 = arith.constant 0 : i32
      %dma_start3A_128 = arith.constant 0 : i32
      %dma_start3A_129 = tpu.memref_slice %arg7[%run_scoped3A_13, %dma_start3A_127, %dma_start3A_128] : memref<2x128x64xf32, #tpu.memory_space<vmem>> -> memref<1x128x64xf32, #tpu.memory_space<vmem>>
      %dma_start3A_130 = tpu.memref_squeeze %dma_start3A_129 : memref<1x128x64xf32, #tpu.memory_space<vmem>> -> memref<128x64xf32, #tpu.memory_space<vmem>>
      %dma_start3A_131 = arith.constant 0 : i32
      %dma_start3A_132 = tpu.memref_slice %arg4[%add3A_12, %dma_start3A_131] : memref<20480x64xf32, #tpu.memory_space<hbm>> -> memref<128x64xf32, #tpu.memory_space<hbm>>
      tpu.enqueue_dma source(%dma_start3A_132 : memref<128x64xf32, #tpu.memory_space<hbm>>) target(%dma_start3A_130 : memref<128x64xf32, #tpu.memory_space<vmem>>) target_semaphore(%run_scoped3A_120 : memref<!tpu.dma_semaphore, #tpu.memory_space<semaphore_mem>>)
      %dma_wait3A = arith.constant 0 : i32
      %dma_wait3A_133 = arith.constant 0 : i32
      %dma_wait3A_134 = tpu.memref_slice %arg7[%run_scoped3A_13, %dma_wait3A, %dma_wait3A_133] : memref<2x128x64xf32, #tpu.memory_space<vmem>> -> memref<1x128x64xf32, #tpu.memory_space<vmem>>
      %dma_wait3A_135 = tpu.memref_squeeze %dma_wait3A_134 : memref<1x128x64xf32, #tpu.memory_space<vmem>> -> memref<128x64xf32, #tpu.memory_space<vmem>>
      %dma_wait3A_136 = arith.constant 0 : i32
      %dma_wait3A_137 = tpu.memref_slice %arg4[%add3A_12, %dma_wait3A_136] : memref<20480x64xf32, #tpu.memory_space<hbm>> -> memref<128x64xf32, #tpu.memory_space<hbm>>
      %dma_wait3A_138 = arith.constant 0 : i32
      %dma_wait3A_139 = arith.constant 0 : i32
      %dma_wait3A_140 = tpu.memref_slice %arg7[%run_scoped3A_13, %dma_wait3A_138, %dma_wait3A_139] : memref<2x128x64xf32, #tpu.memory_space<vmem>> -> memref<1x128x64xf32, #tpu.memory_space<vmem>>
      %dma_wait3A_141 = tpu.memref_squeeze %dma_wait3A_140 : memref<1x128x64xf32, #tpu.memory_space<vmem>> -> memref<128x64xf32, #tpu.memory_space<vmem>>
      %dma_wait3A_142 = arith.constant 0 : i32
      %dma_wait3A_143 = tpu.memref_slice %arg4[%add3A_12, %dma_wait3A_142] : memref<20480x64xf32, #tpu.memory_space<hbm>> -> memref<128x64xf32, #tpu.memory_space<hbm>>
      tpu.wait_dma2 semaphore(%run_scoped3A_120 : memref<!tpu.dma_semaphore, #tpu.memory_space<semaphore_mem>>) src(%dma_wait3A_143 : memref<128x64xf32, #tpu.memory_space<hbm>>) dst(%dma_wait3A_141 : memref<128x64xf32, #tpu.memory_space<vmem>>)
      tpu.yield
    }) : () -> ()
    %add3A_14 = arith.constant 128 : i32
    %add3A_15 = arith.addi %mul3A_0, %add3A_14 : i32
    %run_scoped3A_16 = arith.constant 0 : i32
    "tpu.region"() ({
      %run_scoped3A_120 = tpu.sem_alloc : memref<!tpu.dma_semaphore, #tpu.memory_space<semaphore_mem>>
      %dma_start3A_121 = arith.constant 0 : i32
      %dma_start3A_122 = arith.constant 0 : i32
      %dma_start3A_123 = tpu.memref_slice %arg7[%run_scoped3A_16, %dma_start3A_121, %dma_start3A_122] : memref<2x128x64xf32, #tpu.memory_space<vmem>> -> memref<1x128x64xf32, #tpu.memory_space<vmem>>
      %dma_start3A_124 = tpu.memref_squeeze %dma_start3A_123 : memref<1x128x64xf32, #tpu.memory_space<vmem>> -> memref<128x64xf32, #tpu.memory_space<vmem>>
      %dma_start3A_125 = arith.constant 0 : i32
      %dma_start3A_126 = tpu.memref_slice %arg8[%add3A_15, %dma_start3A_125] : memref<10240x64xf32, #tpu.memory_space<vmem_shared>> -> memref<128x64xf32, #tpu.memory_space<vmem_shared>>
      %dma_start3A_127 = arith.constant 0 : i32
      %dma_start3A_128 = tpu.memref_slice %arg8[%add3A_15, %dma_start3A_127] : memref<10240x64xf32, #tpu.memory_space<vmem_shared>> -> memref<128x64xf32, #tpu.memory_space<vmem_shared>>
      %dma_start3A_129 = arith.constant 0 : i32
      %dma_start3A_130 = arith.constant 0 : i32
      %dma_start3A_131 = tpu.memref_slice %arg7[%run_scoped3A_16, %dma_start3A_129, %dma_start3A_130] : memref<2x128x64xf32, #tpu.memory_space<vmem>> -> memref<1x128x64xf32, #tpu.memory_space<vmem>>
      %dma_start3A_132 = tpu.memref_squeeze %dma_start3A_131 : memref<1x128x64xf32, #tpu.memory_space<vmem>> -> memref<128x64xf32, #tpu.memory_space<vmem>>
      tpu.enqueue_dma source(%dma_start3A_132 : memref<128x64xf32, #tpu.memory_space<vmem>>) target(%dma_start3A_128 : memref<128x64xf32, #tpu.memory_space<vmem_shared>>) target_semaphore(%run_scoped3A_120 : memref<!tpu.dma_semaphore, #tpu.memory_space<semaphore_mem>>)
      %dma_wait3A = arith.constant 0 : i32
      %dma_wait3A_133 = arith.constant 0 : i32
      %dma_wait3A_134 = tpu.memref_slice %arg7[%run_scoped3A_16, %dma_wait3A, %dma_wait3A_133] : memref<2x128x64xf32, #tpu.memory_space<vmem>> -> memref<1x128x64xf32, #tpu.memory_space<vmem>>
      %dma_wait3A_135 = tpu.memref_squeeze %dma_wait3A_134 : memref<1x128x64xf32, #tpu.memory_space<vmem>> -> memref<128x64xf32, #tpu.memory_space<vmem>>
      %dma_wait3A_136 = arith.constant 0 : i32
      %dma_wait3A_137 = tpu.memref_slice %arg8[%add3A_15, %dma_wait3A_136] : memref<10240x64xf32, #tpu.memory_space<vmem_shared>> -> memref<128x64xf32, #tpu.memory_space<vmem_shared>>
      %dma_wait3A_138 = arith.constant 0 : i32
      %dma_wait3A_139 = tpu.memref_slice %arg8[%add3A_15, %dma_wait3A_138] : memref<10240x64xf32, #tpu.memory_space<vmem_shared>> -> memref<128x64xf32, #tpu.memory_space<vmem_shared>>
      %dma_wait3A_140 = arith.constant 0 : i32
      %dma_wait3A_141 = arith.constant 0 : i32
      %dma_wait3A_142 = tpu.memref_slice %arg7[%run_scoped3A_16, %dma_wait3A_140, %dma_wait3A_141] : memref<2x128x64xf32, #tpu.memory_space<vmem>> -> memref<1x128x64xf32, #tpu.memory_space<vmem>>
      %dma_wait3A_143 = tpu.memref_squeeze %dma_wait3A_142 : memref<1x128x64xf32, #tpu.memory_space<vmem>> -> memref<128x64xf32, #tpu.memory_space<vmem>>
      tpu.wait_dma2 semaphore(%run_scoped3A_120 : memref<!tpu.dma_semaphore, #tpu.memory_space<semaphore_mem>>) src(%dma_wait3A_143 : memref<128x64xf32, #tpu.memory_space<vmem>>) dst(%dma_wait3A_139 : memref<128x64xf32, #tpu.memory_space<vmem_shared>>)
      tpu.yield
    }) : () -> ()
    %mul3A_17 = arith.constant 10240 : i32
    %mul3A_18 = arith.muli %arg0, %mul3A_17 : i32
    %add3A_19 = arith.addi %mul3A_18, %mul3A_0 : i32
    %add3A_20 = arith.constant 256 : i32
    %add3A_21 = arith.addi %add3A_19, %add3A_20 : i32
    %run_scoped3A_22 = arith.constant 0 : i32
    "tpu.region"() ({
      %run_scoped3A_120 = tpu.sem_alloc : memref<!tpu.dma_semaphore, #tpu.memory_space<semaphore_mem>>
      %dma_start3A_121 = arith.constant 0 : i32
      %dma_start3A_122 = arith.constant 0 : i32
      %dma_start3A_123 = tpu.memref_slice %arg7[%run_scoped3A_22, %dma_start3A_121, %dma_start3A_122] : memref<2x128x64xf32, #tpu.memory_space<vmem>> -> memref<1x128x64xf32, #tpu.memory_space<vmem>>
      %dma_start3A_124 = tpu.memref_squeeze %dma_start3A_123 : memref<1x128x64xf32, #tpu.memory_space<vmem>> -> memref<128x64xf32, #tpu.memory_space<vmem>>
      %dma_start3A_125 = arith.constant 0 : i32
      %dma_start3A_126 = tpu.memref_slice %arg4[%add3A_21, %dma_start3A_125] : memref<20480x64xf32, #tpu.memory_space<hbm>> -> memref<128x64xf32, #tpu.memory_space<hbm>>
      %dma_start3A_127 = arith.constant 0 : i32
      %dma_start3A_128 = arith.constant 0 : i32
      %dma_start3A_129 = tpu.memref_slice %arg7[%run_scoped3A_22, %dma_start3A_127, %dma_start3A_128] : memref<2x128x64xf32, #tpu.memory_space<vmem>> -> memref<1x128x64xf32, #tpu.memory_space<vmem>>
      %dma_start3A_130 = tpu.memref_squeeze %dma_start3A_129 : memref<1x128x64xf32, #tpu.memory_space<vmem>> -> memref<128x64xf32, #tpu.memory_space<vmem>>
      %dma_start3A_131 = arith.constant 0 : i32
      %dma_start3A_132 = tpu.memref_slice %arg4[%add3A_21, %dma_start3A_131] : memref<20480x64xf32, #tpu.memory_space<hbm>> -> memref<128x64xf32, #tpu.memory_space<hbm>>
      tpu.enqueue_dma source(%dma_start3A_132 : memref<128x64xf32, #tpu.memory_space<hbm>>) target(%dma_start3A_130 : memref<128x64xf32, #tpu.memory_space<vmem>>) target_semaphore(%run_scoped3A_120 : memref<!tpu.dma_semaphore, #tpu.memory_space<semaphore_mem>>)
      %dma_wait3A = arith.constant 0 : i32
      %dma_wait3A_133 = arith.constant 0 : i32
      %dma_wait3A_134 = tpu.memref_slice %arg7[%run_scoped3A_22, %dma_wait3A, %dma_wait3A_133] : memref<2x128x64xf32, #tpu.memory_space<vmem>> -> memref<1x128x64xf32, #tpu.memory_space<vmem>>
      %dma_wait3A_135 = tpu.memref_squeeze %dma_wait3A_134 : memref<1x128x64xf32, #tpu.memory_space<vmem>> -> memref<128x64xf32, #tpu.memory_space<vmem>>
      %dma_wait3A_136 = arith.constant 0 : i32
      %dma_wait3A_137 = tpu.memref_slice %arg4[%add3A_21, %dma_wait3A_136] : memref<20480x64xf32, #tpu.memory_space<hbm>> -> memref<128x64xf32, #tpu.memory_space<hbm>>
      %dma_wait3A_138 = arith.constant 0 : i32
      %dma_wait3A_139 = arith.constant 0 : i32
      %dma_wait3A_140 = tpu.memref_slice %arg7[%run_scoped3A_22, %dma_wait3A_138, %dma_wait3A_139] : memref<2x128x64xf32, #tpu.memory_space<vmem>> -> memref<1x128x64xf32, #tpu.memory_space<vmem>>
      %dma_wait3A_141 = tpu.memref_squeeze %dma_wait3A_140 : memref<1x128x64xf32, #tpu.memory_space<vmem>> -> memref<128x64xf32, #tpu.memory_space<vmem>>
      %dma_wait3A_142 = arith.constant 0 : i32
      %dma_wait3A_143 = tpu.memref_slice %arg4[%add3A_21, %dma_wait3A_142] : memref<20480x64xf32, #tpu.memory_space<hbm>> -> memref<128x64xf32, #tpu.memory_space<hbm>>
      tpu.wait_dma2 semaphore(%run_scoped3A_120 : memref<!tpu.dma_semaphore, #tpu.memory_space<semaphore_mem>>) src(%dma_wait3A_143 : memref<128x64xf32, #tpu.memory_space<hbm>>) dst(%dma_wait3A_141 : memref<128x64xf32, #tpu.memory_space<vmem>>)
      tpu.yield
    }) : () -> ()
    %add3A_23 = arith.constant 256 : i32
    %add3A_24 = arith.addi %mul3A_0, %add3A_23 : i32
    %run_scoped3A_25 = arith.constant 0 : i32
    "tpu.region"() ({
      %run_scoped3A_120 = tpu.sem_alloc : memref<!tpu.dma_semaphore, #tpu.memory_space<semaphore_mem>>
      %dma_start3A_121 = arith.constant 0 : i32
      %dma_start3A_122 = arith.constant 0 : i32
      %dma_start3A_123 = tpu.memref_slice %arg7[%run_scoped3A_25, %dma_start3A_121, %dma_start3A_122] : memref<2x128x64xf32, #tpu.memory_space<vmem>> -> memref<1x128x64xf32, #tpu.memory_space<vmem>>
      %dma_start3A_124 = tpu.memref_squeeze %dma_start3A_123 : memref<1x128x64xf32, #tpu.memory_space<vmem>> -> memref<128x64xf32, #tpu.memory_space<vmem>>
      %dma_start3A_125 = arith.constant 0 : i32
      %dma_start3A_126 = tpu.memref_slice %arg8[%add3A_24, %dma_start3A_125] : memref<10240x64xf32, #tpu.memory_space<vmem_shared>> -> memref<128x64xf32, #tpu.memory_space<vmem_shared>>
      %dma_start3A_127 = arith.constant 0 : i32
      %dma_start3A_128 = tpu.memref_slice %arg8[%add3A_24, %dma_start3A_127] : memref<10240x64xf32, #tpu.memory_space<vmem_shared>> -> memref<128x64xf32, #tpu.memory_space<vmem_shared>>
      %dma_start3A_129 = arith.constant 0 : i32
      %dma_start3A_130 = arith.constant 0 : i32
      %dma_start3A_131 = tpu.memref_slice %arg7[%run_scoped3A_25, %dma_start3A_129, %dma_start3A_130] : memref<2x128x64xf32, #tpu.memory_space<vmem>> -> memref<1x128x64xf32, #tpu.memory_space<vmem>>
      %dma_start3A_132 = tpu.memref_squeeze %dma_start3A_131 : memref<1x128x64xf32, #tpu.memory_space<vmem>> -> memref<128x64xf32, #tpu.memory_space<vmem>>
      tpu.enqueue_dma source(%dma_start3A_132 : memref<128x64xf32, #tpu.memory_space<vmem>>) target(%dma_start3A_128 : memref<128x64xf32, #tpu.memory_space<vmem_shared>>) target_semaphore(%run_scoped3A_120 : memref<!tpu.dma_semaphore, #tpu.memory_space<semaphore_mem>>)
      %dma_wait3A = arith.constant 0 : i32
      %dma_wait3A_133 = arith.constant 0 : i32
      %dma_wait3A_134 = tpu.memref_slice %arg7[%run_scoped3A_25, %dma_wait3A, %dma_wait3A_133] : memref<2x128x64xf32, #tpu.memory_space<vmem>> -> memref<1x128x64xf32, #tpu.memory_space<vmem>>
      %dma_wait3A_135 = tpu.memref_squeeze %dma_wait3A_134 : memref<1x128x64xf32, #tpu.memory_space<vmem>> -> memref<128x64xf32, #tpu.memory_space<vmem>>
      %dma_wait3A_136 = arith.constant 0 : i32
      %dma_wait3A_137 = tpu.memref_slice %arg8[%add3A_24, %dma_wait3A_136] : memref<10240x64xf32, #tpu.memory_space<vmem_shared>> -> memref<128x64xf32, #tpu.memory_space<vmem_shared>>
      %dma_wait3A_138 = arith.constant 0 : i32
      %dma_wait3A_139 = tpu.memref_slice %arg8[%add3A_24, %dma_wait3A_138] : memref<10240x64xf32, #tpu.memory_space<vmem_shared>> -> memref<128x64xf32, #tpu.memory_space<vmem_shared>>
      %dma_wait3A_140 = arith.constant 0 : i32
      %dma_wait3A_141 = arith.constant 0 : i32
      %dma_wait3A_142 = tpu.memref_slice %arg7[%run_scoped3A_25, %dma_wait3A_140, %dma_wait3A_141] : memref<2x128x64xf32, #tpu.memory_space<vmem>> -> memref<1x128x64xf32, #tpu.memory_space<vmem>>
      %dma_wait3A_143 = tpu.memref_squeeze %dma_wait3A_142 : memref<1x128x64xf32, #tpu.memory_space<vmem>> -> memref<128x64xf32, #tpu.memory_space<vmem>>
      tpu.wait_dma2 semaphore(%run_scoped3A_120 : memref<!tpu.dma_semaphore, #tpu.memory_space<semaphore_mem>>) src(%dma_wait3A_143 : memref<128x64xf32, #tpu.memory_space<vmem>>) dst(%dma_wait3A_139 : memref<128x64xf32, #tpu.memory_space<vmem_shared>>)
      tpu.yield
    }) : () -> ()
    %mul3A_26 = arith.constant 10240 : i32
    %mul3A_27 = arith.muli %arg0, %mul3A_26 : i32
    %add3A_28 = arith.addi %mul3A_27, %mul3A_0 : i32
    %add3A_29 = arith.constant 384 : i32
    %add3A_30 = arith.addi %add3A_28, %add3A_29 : i32
    %run_scoped3A_31 = arith.constant 0 : i32
    "tpu.region"() ({
      %run_scoped3A_120 = tpu.sem_alloc : memref<!tpu.dma_semaphore, #tpu.memory_space<semaphore_mem>>
      %dma_start3A_121 = arith.constant 0 : i32
      %dma_start3A_122 = arith.constant 0 : i32
      %dma_start3A_123 = tpu.memref_slice %arg7[%run_scoped3A_31, %dma_start3A_121, %dma_start3A_122] : memref<2x128x64xf32, #tpu.memory_space<vmem>> -> memref<1x128x64xf32, #tpu.memory_space<vmem>>
      %dma_start3A_124 = tpu.memref_squeeze %dma_start3A_123 : memref<1x128x64xf32, #tpu.memory_space<vmem>> -> memref<128x64xf32, #tpu.memory_space<vmem>>
      %dma_start3A_125 = arith.constant 0 : i32
      %dma_start3A_126 = tpu.memref_slice %arg4[%add3A_30, %dma_start3A_125] : memref<20480x64xf32, #tpu.memory_space<hbm>> -> memref<128x64xf32, #tpu.memory_space<hbm>>
      %dma_start3A_127 = arith.constant 0 : i32
      %dma_start3A_128 = arith.constant 0 : i32
      %dma_start3A_129 = tpu.memref_slice %arg7[%run_scoped3A_31, %dma_start3A_127, %dma_start3A_128] : memref<2x128x64xf32, #tpu.memory_space<vmem>> -> memref<1x128x64xf32, #tpu.memory_space<vmem>>
      %dma_start3A_130 = tpu.memref_squeeze %dma_start3A_129 : memref<1x128x64xf32, #tpu.memory_space<vmem>> -> memref<128x64xf32, #tpu.memory_space<vmem>>
      %dma_start3A_131 = arith.constant 0 : i32
      %dma_start3A_132 = tpu.memref_slice %arg4[%add3A_30, %dma_start3A_131] : memref<20480x64xf32, #tpu.memory_space<hbm>> -> memref<128x64xf32, #tpu.memory_space<hbm>>
      tpu.enqueue_dma source(%dma_start3A_132 : memref<128x64xf32, #tpu.memory_space<hbm>>) target(%dma_start3A_130 : memref<128x64xf32, #tpu.memory_space<vmem>>) target_semaphore(%run_scoped3A_120 : memref<!tpu.dma_semaphore, #tpu.memory_space<semaphore_mem>>)
      %dma_wait3A = arith.constant 0 : i32
      %dma_wait3A_133 = arith.constant 0 : i32
      %dma_wait3A_134 = tpu.memref_slice %arg7[%run_scoped3A_31, %dma_wait3A, %dma_wait3A_133] : memref<2x128x64xf32, #tpu.memory_space<vmem>> -> memref<1x128x64xf32, #tpu.memory_space<vmem>>
      %dma_wait3A_135 = tpu.memref_squeeze %dma_wait3A_134 : memref<1x128x64xf32, #tpu.memory_space<vmem>> -> memref<128x64xf32, #tpu.memory_space<vmem>>
      %dma_wait3A_136 = arith.constant 0 : i32
      %dma_wait3A_137 = tpu.memref_slice %arg4[%add3A_30, %dma_wait3A_136] : memref<20480x64xf32, #tpu.memory_space<hbm>> -> memref<128x64xf32, #tpu.memory_space<hbm>>
      %dma_wait3A_138 = arith.constant 0 : i32
      %dma_wait3A_139 = arith.constant 0 : i32
      %dma_wait3A_140 = tpu.memref_slice %arg7[%run_scoped3A_31, %dma_wait3A_138, %dma_wait3A_139] : memref<2x128x64xf32, #tpu.memory_space<vmem>> -> memref<1x128x64xf32, #tpu.memory_space<vmem>>
      %dma_wait3A_141 = tpu.memref_squeeze %dma_wait3A_140 : memref<1x128x64xf32, #tpu.memory_space<vmem>> -> memref<128x64xf32, #tpu.memory_space<vmem>>
      %dma_wait3A_142 = arith.constant 0 : i32
      %dma_wait3A_143 = tpu.memref_slice %arg4[%add3A_30, %dma_wait3A_142] : memref<20480x64xf32, #tpu.memory_space<hbm>> -> memref<128x64xf32, #tpu.memory_space<hbm>>
      tpu.wait_dma2 semaphore(%run_scoped3A_120 : memref<!tpu.dma_semaphore, #tpu.memory_space<semaphore_mem>>) src(%dma_wait3A_143 : memref<128x64xf32, #tpu.memory_space<hbm>>) dst(%dma_wait3A_141 : memref<128x64xf32, #tpu.memory_space<vmem>>)
      tpu.yield
    }) : () -> ()
    %add3A_32 = arith.constant 384 : i32
    %add3A_33 = arith.addi %mul3A_0, %add3A_32 : i32
    %run_scoped3A_34 = arith.constant 0 : i32
    "tpu.region"() ({
      %run_scoped3A_120 = tpu.sem_alloc : memref<!tpu.dma_semaphore, #tpu.memory_space<semaphore_mem>>
      %dma_start3A_121 = arith.constant 0 : i32
      %dma_start3A_122 = arith.constant 0 : i32
      %dma_start3A_123 = tpu.memref_slice %arg7[%run_scoped3A_34, %dma_start3A_121, %dma_start3A_122] : memref<2x128x64xf32, #tpu.memory_space<vmem>> -> memref<1x128x64xf32, #tpu.memory_space<vmem>>
      %dma_start3A_124 = tpu.memref_squeeze %dma_start3A_123 : memref<1x128x64xf32, #tpu.memory_space<vmem>> -> memref<128x64xf32, #tpu.memory_space<vmem>>
      %dma_start3A_125 = arith.constant 0 : i32
      %dma_start3A_126 = tpu.memref_slice %arg8[%add3A_33, %dma_start3A_125] : memref<10240x64xf32, #tpu.memory_space<vmem_shared>> -> memref<128x64xf32, #tpu.memory_space<vmem_shared>>
      %dma_start3A_127 = arith.constant 0 : i32
      %dma_start3A_128 = tpu.memref_slice %arg8[%add3A_33, %dma_start3A_127] : memref<10240x64xf32, #tpu.memory_space<vmem_shared>> -> memref<128x64xf32, #tpu.memory_space<vmem_shared>>
      %dma_start3A_129 = arith.constant 0 : i32
      %dma_start3A_130 = arith.constant 0 : i32
      %dma_start3A_131 = tpu.memref_slice %arg7[%run_scoped3A_34, %dma_start3A_129, %dma_start3A_130] : memref<2x128x64xf32, #tpu.memory_space<vmem>> -> memref<1x128x64xf32, #tpu.memory_space<vmem>>
      %dma_start3A_132 = tpu.memref_squeeze %dma_start3A_131 : memref<1x128x64xf32, #tpu.memory_space<vmem>> -> memref<128x64xf32, #tpu.memory_space<vmem>>
      tpu.enqueue_dma source(%dma_start3A_132 : memref<128x64xf32, #tpu.memory_space<vmem>>) target(%dma_start3A_128 : memref<128x64xf32, #tpu.memory_space<vmem_shared>>) target_semaphore(%run_scoped3A_120 : memref<!tpu.dma_semaphore, #tpu.memory_space<semaphore_mem>>)
      %dma_wait3A = arith.constant 0 : i32
      %dma_wait3A_133 = arith.constant 0 : i32
      %dma_wait3A_134 = tpu.memref_slice %arg7[%run_scoped3A_34, %dma_wait3A, %dma_wait3A_133] : memref<2x128x64xf32, #tpu.memory_space<vmem>> -> memref<1x128x64xf32, #tpu.memory_space<vmem>>
      %dma_wait3A_135 = tpu.memref_squeeze %dma_wait3A_134 : memref<1x128x64xf32, #tpu.memory_space<vmem>> -> memref<128x64xf32, #tpu.memory_space<vmem>>
      %dma_wait3A_136 = arith.constant 0 : i32
      %dma_wait3A_137 = tpu.memref_slice %arg8[%add3A_33, %dma_wait3A_136] : memref<10240x64xf32, #tpu.memory_space<vmem_shared>> -> memref<128x64xf32, #tpu.memory_space<vmem_shared>>
      %dma_wait3A_138 = arith.constant 0 : i32
      %dma_wait3A_139 = tpu.memref_slice %arg8[%add3A_33, %dma_wait3A_138] : memref<10240x64xf32, #tpu.memory_space<vmem_shared>> -> memref<128x64xf32, #tpu.memory_space<vmem_shared>>
      %dma_wait3A_140 = arith.constant 0 : i32
      %dma_wait3A_141 = arith.constant 0 : i32
      %dma_wait3A_142 = tpu.memref_slice %arg7[%run_scoped3A_34, %dma_wait3A_140, %dma_wait3A_141] : memref<2x128x64xf32, #tpu.memory_space<vmem>> -> memref<1x128x64xf32, #tpu.memory_space<vmem>>
      %dma_wait3A_143 = tpu.memref_squeeze %dma_wait3A_142 : memref<1x128x64xf32, #tpu.memory_space<vmem>> -> memref<128x64xf32, #tpu.memory_space<vmem>>
      tpu.wait_dma2 semaphore(%run_scoped3A_120 : memref<!tpu.dma_semaphore, #tpu.memory_space<semaphore_mem>>) src(%dma_wait3A_143 : memref<128x64xf32, #tpu.memory_space<vmem>>) dst(%dma_wait3A_139 : memref<128x64xf32, #tpu.memory_space<vmem_shared>>)
      tpu.yield
    }) : () -> ()
    %mul3A_35 = arith.constant 10240 : i32
    %mul3A_36 = arith.muli %arg0, %mul3A_35 : i32
    %add3A_37 = arith.addi %mul3A_36, %mul3A_0 : i32
    %add3A_38 = arith.constant 512 : i32
    %add3A_39 = arith.addi %add3A_37, %add3A_38 : i32
    %run_scoped3A_40 = arith.constant 0 : i32
    "tpu.region"() ({
      %run_scoped3A_120 = tpu.sem_alloc : memref<!tpu.dma_semaphore, #tpu.memory_space<semaphore_mem>>
      %dma_start3A_121 = arith.constant 0 : i32
      %dma_start3A_122 = arith.constant 0 : i32
      %dma_start3A_123 = tpu.memref_slice %arg7[%run_scoped3A_40, %dma_start3A_121, %dma_start3A_122] : memref<2x128x64xf32, #tpu.memory_space<vmem>> -> memref<1x128x64xf32, #tpu.memory_space<vmem>>
      %dma_start3A_124 = tpu.memref_squeeze %dma_start3A_123 : memref<1x128x64xf32, #tpu.memory_space<vmem>> -> memref<128x64xf32, #tpu.memory_space<vmem>>
      %dma_start3A_125 = arith.constant 0 : i32
      %dma_start3A_126 = tpu.memref_slice %arg4[%add3A_39, %dma_start3A_125] : memref<20480x64xf32, #tpu.memory_space<hbm>> -> memref<128x64xf32, #tpu.memory_space<hbm>>
      %dma_start3A_127 = arith.constant 0 : i32
      %dma_start3A_128 = arith.constant 0 : i32
      %dma_start3A_129 = tpu.memref_slice %arg7[%run_scoped3A_40, %dma_start3A_127, %dma_start3A_128] : memref<2x128x64xf32, #tpu.memory_space<vmem>> -> memref<1x128x64xf32, #tpu.memory_space<vmem>>
      %dma_start3A_130 = tpu.memref_squeeze %dma_start3A_129 : memref<1x128x64xf32, #tpu.memory_space<vmem>> -> memref<128x64xf32, #tpu.memory_space<vmem>>
      %dma_start3A_131 = arith.constant 0 : i32
      %dma_start3A_132 = tpu.memref_slice %arg4[%add3A_39, %dma_start3A_131] : memref<20480x64xf32, #tpu.memory_space<hbm>> -> memref<128x64xf32, #tpu.memory_space<hbm>>
      tpu.enqueue_dma source(%dma_start3A_132 : memref<128x64xf32, #tpu.memory_space<hbm>>) target(%dma_start3A_130 : memref<128x64xf32, #tpu.memory_space<vmem>>) target_semaphore(%run_scoped3A_120 : memref<!tpu.dma_semaphore, #tpu.memory_space<semaphore_mem>>)
      %dma_wait3A = arith.constant 0 : i32
      %dma_wait3A_133 = arith.constant 0 : i32
      %dma_wait3A_134 = tpu.memref_slice %arg7[%run_scoped3A_40, %dma_wait3A, %dma_wait3A_133] : memref<2x128x64xf32, #tpu.memory_space<vmem>> -> memref<1x128x64xf32, #tpu.memory_space<vmem>>
      %dma_wait3A_135 = tpu.memref_squeeze %dma_wait3A_134 : memref<1x128x64xf32, #tpu.memory_space<vmem>> -> memref<128x64xf32, #tpu.memory_space<vmem>>
      %dma_wait3A_136 = arith.constant 0 : i32
      %dma_wait3A_137 = tpu.memref_slice %arg4[%add3A_39, %dma_wait3A_136] : memref<20480x64xf32, #tpu.memory_space<hbm>> -> memref<128x64xf32, #tpu.memory_space<hbm>>
      %dma_wait3A_138 = arith.constant 0 : i32
      %dma_wait3A_139 = arith.constant 0 : i32
      %dma_wait3A_140 = tpu.memref_slice %arg7[%run_scoped3A_40, %dma_wait3A_138, %dma_wait3A_139] : memref<2x128x64xf32, #tpu.memory_space<vmem>> -> memref<1x128x64xf32, #tpu.memory_space<vmem>>
      %dma_wait3A_141 = tpu.memref_squeeze %dma_wait3A_140 : memref<1x128x64xf32, #tpu.memory_space<vmem>> -> memref<128x64xf32, #tpu.memory_space<vmem>>
      %dma_wait3A_142 = arith.constant 0 : i32
      %dma_wait3A_143 = tpu.memref_slice %arg4[%add3A_39, %dma_wait3A_142] : memref<20480x64xf32, #tpu.memory_space<hbm>> -> memref<128x64xf32, #tpu.memory_space<hbm>>
      tpu.wait_dma2 semaphore(%run_scoped3A_120 : memref<!tpu.dma_semaphore, #tpu.memory_space<semaphore_mem>>) src(%dma_wait3A_143 : memref<128x64xf32, #tpu.memory_space<hbm>>) dst(%dma_wait3A_141 : memref<128x64xf32, #tpu.memory_space<vmem>>)
      tpu.yield
    }) : () -> ()
    %add3A_41 = arith.constant 512 : i32
    %add3A_42 = arith.addi %mul3A_0, %add3A_41 : i32
    %run_scoped3A_43 = arith.constant 0 : i32
    "tpu.region"() ({
      %run_scoped3A_120 = tpu.sem_alloc : memref<!tpu.dma_semaphore, #tpu.memory_space<semaphore_mem>>
      %dma_start3A_121 = arith.constant 0 : i32
      %dma_start3A_122 = arith.constant 0 : i32
      %dma_start3A_123 = tpu.memref_slice %arg7[%run_scoped3A_43, %dma_start3A_121, %dma_start3A_122] : memref<2x128x64xf32, #tpu.memory_space<vmem>> -> memref<1x128x64xf32, #tpu.memory_space<vmem>>
      %dma_start3A_124 = tpu.memref_squeeze %dma_start3A_123 : memref<1x128x64xf32, #tpu.memory_space<vmem>> -> memref<128x64xf32, #tpu.memory_space<vmem>>
      %dma_start3A_125 = arith.constant 0 : i32
      %dma_start3A_126 = tpu.memref_slice %arg8[%add3A_42, %dma_start3A_125] : memref<10240x64xf32, #tpu.memory_space<vmem_shared>> -> memref<128x64xf32, #tpu.memory_space<vmem_shared>>
      %dma_start3A_127 = arith.constant 0 : i32
      %dma_start3A_128 = tpu.memref_slice %arg8[%add3A_42, %dma_start3A_127] : memref<10240x64xf32, #tpu.memory_space<vmem_shared>> -> memref<128x64xf32, #tpu.memory_space<vmem_shared>>
      %dma_start3A_129 = arith.constant 0 : i32
      %dma_start3A_130 = arith.constant 0 : i32
      %dma_start3A_131 = tpu.memref_slice %arg7[%run_scoped3A_43, %dma_start3A_129, %dma_start3A_130] : memref<2x128x64xf32, #tpu.memory_space<vmem>> -> memref<1x128x64xf32, #tpu.memory_space<vmem>>
      %dma_start3A_132 = tpu.memref_squeeze %dma_start3A_131 : memref<1x128x64xf32, #tpu.memory_space<vmem>> -> memref<128x64xf32, #tpu.memory_space<vmem>>
      tpu.enqueue_dma source(%dma_start3A_132 : memref<128x64xf32, #tpu.memory_space<vmem>>) target(%dma_start3A_128 : memref<128x64xf32, #tpu.memory_space<vmem_shared>>) target_semaphore(%run_scoped3A_120 : memref<!tpu.dma_semaphore, #tpu.memory_space<semaphore_mem>>)
      %dma_wait3A = arith.constant 0 : i32
      %dma_wait3A_133 = arith.constant 0 : i32
      %dma_wait3A_134 = tpu.memref_slice %arg7[%run_scoped3A_43, %dma_wait3A, %dma_wait3A_133] : memref<2x128x64xf32, #tpu.memory_space<vmem>> -> memref<1x128x64xf32, #tpu.memory_space<vmem>>
      %dma_wait3A_135 = tpu.memref_squeeze %dma_wait3A_134 : memref<1x128x64xf32, #tpu.memory_space<vmem>> -> memref<128x64xf32, #tpu.memory_space<vmem>>
      %dma_wait3A_136 = arith.constant 0 : i32
      %dma_wait3A_137 = tpu.memref_slice %arg8[%add3A_42, %dma_wait3A_136] : memref<10240x64xf32, #tpu.memory_space<vmem_shared>> -> memref<128x64xf32, #tpu.memory_space<vmem_shared>>
      %dma_wait3A_138 = arith.constant 0 : i32
      %dma_wait3A_139 = tpu.memref_slice %arg8[%add3A_42, %dma_wait3A_138] : memref<10240x64xf32, #tpu.memory_space<vmem_shared>> -> memref<128x64xf32, #tpu.memory_space<vmem_shared>>
      %dma_wait3A_140 = arith.constant 0 : i32
      %dma_wait3A_141 = arith.constant 0 : i32
      %dma_wait3A_142 = tpu.memref_slice %arg7[%run_scoped3A_43, %dma_wait3A_140, %dma_wait3A_141] : memref<2x128x64xf32, #tpu.memory_space<vmem>> -> memref<1x128x64xf32, #tpu.memory_space<vmem>>
      %dma_wait3A_143 = tpu.memref_squeeze %dma_wait3A_142 : memref<1x128x64xf32, #tpu.memory_space<vmem>> -> memref<128x64xf32, #tpu.memory_space<vmem>>
      tpu.wait_dma2 semaphore(%run_scoped3A_120 : memref<!tpu.dma_semaphore, #tpu.memory_space<semaphore_mem>>) src(%dma_wait3A_143 : memref<128x64xf32, #tpu.memory_space<vmem>>) dst(%dma_wait3A_139 : memref<128x64xf32, #tpu.memory_space<vmem_shared>>)
      tpu.yield
    }) : () -> ()
    %barrier3A = arith.constant 0 : index
    tpu.barrier barrier_id(%barrier3A)
    %mul3A_44 = arith.constant 16 : i32
    %mul3A_45 = arith.muli %arg0, %mul3A_44 : i32
    %add3A_46 = arith.addi %mul3A_45, %arg1 : i32
    %mul3A_47 = arith.constant 80 : i32
    %mul3A_48 = arith.muli %add3A_46, %mul3A_47 : i32
    %add3A_49 = arith.constant 0 : i32
    %add3A_50 = arith.addi %mul3A_48, %add3A_49 : i32
    %mul3A_51 = arith.constant 2 : i32
    %mul3A_52 = arith.muli %mul3A_51, %add3A_50 : i32
    %run_scoped3A_53 = arith.constant 0 : i32
    "tpu.region"() ({
      %run_scoped3A_120 = tpu.sem_alloc : memref<!tpu.dma_semaphore, #tpu.memory_space<semaphore_mem>>
      %dma_start3A_121 = arith.constant 0 : i32
      %dma_start3A_122 = arith.constant 0 : i32
      %dma_start3A_123 = tpu.memref_slice %arg6[%run_scoped3A_53, %dma_start3A_121, %dma_start3A_122] : memref<2x2x128xi32, #tpu.memory_space<vmem>> -> memref<1x2x128xi32, #tpu.memory_space<vmem>>
      %dma_start3A_124 = tpu.memref_squeeze %dma_start3A_123 : memref<1x2x128xi32, #tpu.memory_space<vmem>> -> memref<2x128xi32, #tpu.memory_space<vmem>>
      %dma_start3A_125 = arith.constant 0 : i32
      %dma_start3A_126 = tpu.memref_slice %arg3[%mul3A_52, %dma_start3A_125] : memref<5120x128xi32, #tpu.memory_space<hbm>> -> memref<2x128xi32, #tpu.memory_space<hbm>>
      %dma_start3A_127 = arith.constant 0 : i32
      %dma_start3A_128 = arith.constant 0 : i32
      %dma_start3A_129 = tpu.memref_slice %arg6[%run_scoped3A_53, %dma_start3A_127, %dma_start3A_128] : memref<2x2x128xi32, #tpu.memory_space<vmem>> -> memref<1x2x128xi32, #tpu.memory_space<vmem>>
      %dma_start3A_130 = tpu.memref_squeeze %dma_start3A_129 : memref<1x2x128xi32, #tpu.memory_space<vmem>> -> memref<2x128xi32, #tpu.memory_space<vmem>>
      %dma_start3A_131 = arith.constant 0 : i32
      %dma_start3A_132 = tpu.memref_slice %arg3[%mul3A_52, %dma_start3A_131] : memref<5120x128xi32, #tpu.memory_space<hbm>> -> memref<2x128xi32, #tpu.memory_space<hbm>>
      tpu.enqueue_dma source(%dma_start3A_132 : memref<2x128xi32, #tpu.memory_space<hbm>>) target(%dma_start3A_130 : memref<2x128xi32, #tpu.memory_space<vmem>>) target_semaphore(%run_scoped3A_120 : memref<!tpu.dma_semaphore, #tpu.memory_space<semaphore_mem>>)
      %dma_wait3A = arith.constant 0 : i32
      %dma_wait3A_133 = arith.constant 0 : i32
      %dma_wait3A_134 = tpu.memref_slice %arg6[%run_scoped3A_53, %dma_wait3A, %dma_wait3A_133] : memref<2x2x128xi32, #tpu.memory_space<vmem>> -> memref<1x2x128xi32, #tpu.memory_space<vmem>>
      %dma_wait3A_135 = tpu.memref_squeeze %dma_wait3A_134 : memref<1x2x128xi32, #tpu.memory_space<vmem>> -> memref<2x128xi32, #tpu.memory_space<vmem>>
      %dma_wait3A_136 = arith.constant 0 : i32
      %dma_wait3A_137 = tpu.memref_slice %arg3[%mul3A_52, %dma_wait3A_136] : memref<5120x128xi32, #tpu.memory_space<hbm>> -> memref<2x128xi32, #tpu.memory_space<hbm>>
      %dma_wait3A_138 = arith.constant 0 : i32
      %dma_wait3A_139 = arith.constant 0 : i32
      %dma_wait3A_140 = tpu.memref_slice %arg6[%run_scoped3A_53, %dma_wait3A_138, %dma_wait3A_139] : memref<2x2x128xi32, #tpu.memory_space<vmem>> -> memref<1x2x128xi32, #tpu.memory_space<vmem>>
      %dma_wait3A_141 = tpu.memref_squeeze %dma_wait3A_140 : memref<1x2x128xi32, #tpu.memory_space<vmem>> -> memref<2x128xi32, #tpu.memory_space<vmem>>
      %dma_wait3A_142 = arith.constant 0 : i32
      %dma_wait3A_143 = tpu.memref_slice %arg3[%mul3A_52, %dma_wait3A_142] : memref<5120x128xi32, #tpu.memory_space<hbm>> -> memref<2x128xi32, #tpu.memory_space<hbm>>
      tpu.wait_dma2 semaphore(%run_scoped3A_120 : memref<!tpu.dma_semaphore, #tpu.memory_space<semaphore_mem>>) src(%dma_wait3A_143 : memref<2x128xi32, #tpu.memory_space<hbm>>) dst(%dma_wait3A_141 : memref<2x128xi32, #tpu.memory_space<vmem>>)
      tpu.yield
    }) : () -> ()
    %dma_start3A = arith.constant 0 : i32
    %dma_start3A_54 = arith.constant 0 : i32
    %dma_start3A_55 = arith.constant 0 : i32
    %dma_start3A_56 = arith.constant 0 : i32
    %dma_start3A_57 = arith.constant 0 : i32
    %dma_start3A_58 = tpu.memref_slice %arg7[%dma_start3A_55, %dma_start3A_56, %dma_start3A_57] : memref<2x128x64xf32, #tpu.memory_space<vmem>> -> memref<1x128x64xf32, #tpu.memory_space<vmem>>
    %dma_start3A_59 = tpu.memref_squeeze %dma_start3A_58 : memref<1x128x64xf32, #tpu.memory_space<vmem>> -> memref<128x64xf32, #tpu.memory_space<vmem>>
    %dma_start3A_60 = arith.constant 0 : i32
    %dma_start3A_61 = arith.constant 0 : i32
    %dma_start3A_62 = tpu.memref_slice %arg6[%dma_start3A, %dma_start3A_60, %dma_start3A_61] : memref<2x2x128xi32, #tpu.memory_space<vmem>> -> memref<1x2x128xi32, #tpu.memory_space<vmem>>
    %dma_start3A_63 = tpu.memref_squeeze %dma_start3A_62 : memref<1x2x128xi32, #tpu.memory_space<vmem>> -> memref<2x128xi32, #tpu.memory_space<vmem>>
    %dma_start3A_64 = arith.constant 0 : i32
    %dma_start3A_65 = tpu.memref_slice %dma_start3A_63[%dma_start3A_54, %dma_start3A_64] : memref<2x128xi32, #tpu.memory_space<vmem>> -> memref<1x128xi32, #tpu.memory_space<vmem>>
    %dma_start3A_66 = tpu.memref_squeeze %dma_start3A_65 : memref<1x128xi32, #tpu.memory_space<vmem>> -> memref<128xi32, #tpu.memory_space<vmem>>
    %dma_start3A_67 = arith.constant 0 : i32
    %dma_start3A_68 = arith.constant 0 : i32
    %dma_start3A_69 = tpu.memref_slice %arg2[%dma_start3A_67, %dma_start3A_68] : memref<20480x64xf32, #tpu.memory_space<hbm>> -> memref<20480x64xf32, #tpu.memory_space<hbm>>
    tpu.enqueue_indirect_dma source(%dma_start3A_69 : memref<20480x64xf32, #tpu.memory_space<hbm>>) target(%dma_start3A_59 : memref<128x64xf32, #tpu.memory_space<vmem>>) offsets(%dma_start3A_66 : memref<128xi32, #tpu.memory_space<vmem>>) semaphore(%arg9 : memref<!tpu.dma_semaphore, #tpu.memory_space<semaphore_mem>>)
    %scan3A = arith.constant 0 : i32
    %scan3A_70 = arith.constant 40 : i32
    %scan3A_71 = arith.addi %scan3A, %scan3A_70 : i32
    %scan3A_72 = arith.constant 1 : i32
    scf.for %scan3A_120 = %scan3A to %scan3A_71 step %scan3A_72  : i32 {
      %mul3A_121 = arith.constant 2 : i32
      %mul3A_122 = arith.muli %scan3A_120, %mul3A_121 : i32
      %add3A_123 = arith.constant 0 : i32
      %add3A_124 = arith.addi %add3A_123, %mul3A_122 : i32
      %add3A_125 = arith.constant 0 : i32
      %add3A_126 = arith.addi %add3A_124, %add3A_125 : i32
      %add3A_127 = arith.constant 1 : i32
      %add3A_128 = arith.addi %add3A_126, %add3A_127 : i32
      %lt3A = arith.constant 80 : i32
      %lt3A_129 = arith.cmpi slt, %add3A_128, %lt3A : i32
      %convert_element_type3A = arith.extui %lt3A_129 : i1 to i32
      %cond3A = arith.constant 0 : i32
      %cond3A_130 = arith.cmpi ne, %convert_element_type3A, %cond3A : i32
      scf.if %cond3A_130 {
        %add3A_179 = arith.addi %mul3A_48, %add3A_128 : i32
        %mul3A_180 = arith.constant 2 : i32
        %mul3A_181 = arith.muli %mul3A_180, %add3A_179 : i32
        %run_scoped3A_182 = arith.constant 1 : i32
        "tpu.region"() ({
          %run_scoped3A_200 = tpu.sem_alloc : memref<!tpu.dma_semaphore, #tpu.memory_space<semaphore_mem>>
          %dma_start3A_201 = arith.constant 0 : i32
          %dma_start3A_202 = arith.constant 0 : i32
          %dma_start3A_203 = tpu.memref_slice %arg6[%run_scoped3A_182, %dma_start3A_201, %dma_start3A_202] : memref<2x2x128xi32, #tpu.memory_space<vmem>> -> memref<1x2x128xi32, #tpu.memory_space<vmem>>
          %dma_start3A_204 = tpu.memref_squeeze %dma_start3A_203 : memref<1x2x128xi32, #tpu.memory_space<vmem>> -> memref<2x128xi32, #tpu.memory_space<vmem>>
          %dma_start3A_205 = arith.constant 0 : i32
          %dma_start3A_206 = tpu.memref_slice %arg3[%mul3A_181, %dma_start3A_205] : memref<5120x128xi32, #tpu.memory_space<hbm>> -> memref<2x128xi32, #tpu.memory_space<hbm>>
          %dma_start3A_207 = arith.constant 0 : i32
          %dma_start3A_208 = arith.constant 0 : i32
          %dma_start3A_209 = tpu.memref_slice %arg6[%run_scoped3A_182, %dma_start3A_207, %dma_start3A_208] : memref<2x2x128xi32, #tpu.memory_space<vmem>> -> memref<1x2x128xi32, #tpu.memory_space<vmem>>
          %dma_start3A_210 = tpu.memref_squeeze %dma_start3A_209 : memref<1x2x128xi32, #tpu.memory_space<vmem>> -> memref<2x128xi32, #tpu.memory_space<vmem>>
          %dma_start3A_211 = arith.constant 0 : i32
          %dma_start3A_212 = tpu.memref_slice %arg3[%mul3A_181, %dma_start3A_211] : memref<5120x128xi32, #tpu.memory_space<hbm>> -> memref<2x128xi32, #tpu.memory_space<hbm>>
          tpu.enqueue_dma source(%dma_start3A_212 : memref<2x128xi32, #tpu.memory_space<hbm>>) target(%dma_start3A_210 : memref<2x128xi32, #tpu.memory_space<vmem>>) target_semaphore(%run_scoped3A_200 : memref<!tpu.dma_semaphore, #tpu.memory_space<semaphore_mem>>)
          %dma_wait3A_213 = arith.constant 0 : i32
          %dma_wait3A_214 = arith.constant 0 : i32
          %dma_wait3A_215 = tpu.memref_slice %arg6[%run_scoped3A_182, %dma_wait3A_213, %dma_wait3A_214] : memref<2x2x128xi32, #tpu.memory_space<vmem>> -> memref<1x2x128xi32, #tpu.memory_space<vmem>>
          %dma_wait3A_216 = tpu.memref_squeeze %dma_wait3A_215 : memref<1x2x128xi32, #tpu.memory_space<vmem>> -> memref<2x128xi32, #tpu.memory_space<vmem>>
          %dma_wait3A_217 = arith.constant 0 : i32
          %dma_wait3A_218 = tpu.memref_slice %arg3[%mul3A_181, %dma_wait3A_217] : memref<5120x128xi32, #tpu.memory_space<hbm>> -> memref<2x128xi32, #tpu.memory_space<hbm>>
          %dma_wait3A_219 = arith.constant 0 : i32
          %dma_wait3A_220 = arith.constant 0 : i32
          %dma_wait3A_221 = tpu.memref_slice %arg6[%run_scoped3A_182, %dma_wait3A_219, %dma_wait3A_220] : memref<2x2x128xi32, #tpu.memory_space<vmem>> -> memref<1x2x128xi32, #tpu.memory_space<vmem>>
          %dma_wait3A_222 = tpu.memref_squeeze %dma_wait3A_221 : memref<1x2x128xi32, #tpu.memory_space<vmem>> -> memref<2x128xi32, #tpu.memory_space<vmem>>
          %dma_wait3A_223 = arith.constant 0 : i32
          %dma_wait3A_224 = tpu.memref_slice %arg3[%mul3A_181, %dma_wait3A_223] : memref<5120x128xi32, #tpu.memory_space<hbm>> -> memref<2x128xi32, #tpu.memory_space<hbm>>
          tpu.wait_dma2 semaphore(%run_scoped3A_200 : memref<!tpu.dma_semaphore, #tpu.memory_space<semaphore_mem>>) src(%dma_wait3A_224 : memref<2x128xi32, #tpu.memory_space<hbm>>) dst(%dma_wait3A_222 : memref<2x128xi32, #tpu.memory_space<vmem>>)
          tpu.yield
        }) : () -> ()
        %dma_start3A_183 = arith.constant 1 : i32
        %dma_start3A_184 = arith.constant 0 : i32
        %dma_start3A_185 = arith.constant 1 : i32
        %dma_start3A_186 = arith.constant 0 : i32
        %dma_start3A_187 = arith.constant 0 : i32
        %dma_start3A_188 = tpu.memref_slice %arg7[%dma_start3A_185, %dma_start3A_186, %dma_start3A_187] : memref<2x128x64xf32, #tpu.memory_space<vmem>> -> memref<1x128x64xf32, #tpu.memory_space<vmem>>
        %dma_start3A_189 = tpu.memref_squeeze %dma_start3A_188 : memref<1x128x64xf32, #tpu.memory_space<vmem>> -> memref<128x64xf32, #tpu.memory_space<vmem>>
        %dma_start3A_190 = arith.constant 0 : i32
        %dma_start3A_191 = arith.constant 0 : i32
        %dma_start3A_192 = tpu.memref_slice %arg6[%dma_start3A_183, %dma_start3A_190, %dma_start3A_191] : memref<2x2x128xi32, #tpu.memory_space<vmem>> -> memref<1x2x128xi32, #tpu.memory_space<vmem>>
        %dma_start3A_193 = tpu.memref_squeeze %dma_start3A_192 : memref<1x2x128xi32, #tpu.memory_space<vmem>> -> memref<2x128xi32, #tpu.memory_space<vmem>>
        %dma_start3A_194 = arith.constant 0 : i32
        %dma_start3A_195 = tpu.memref_slice %dma_start3A_193[%dma_start3A_184, %dma_start3A_194] : memref<2x128xi32, #tpu.memory_space<vmem>> -> memref<1x128xi32, #tpu.memory_space<vmem>>
        %dma_start3A_196 = tpu.memref_squeeze %dma_start3A_195 : memref<1x128xi32, #tpu.memory_space<vmem>> -> memref<128xi32, #tpu.memory_space<vmem>>
        %dma_start3A_197 = arith.constant 0 : i32
        %dma_start3A_198 = arith.constant 0 : i32
        %dma_start3A_199 = tpu.memref_slice %arg2[%dma_start3A_197, %dma_start3A_198] : memref<20480x64xf32, #tpu.memory_space<hbm>> -> memref<20480x64xf32, #tpu.memory_space<hbm>>
        tpu.enqueue_indirect_dma source(%dma_start3A_199 : memref<20480x64xf32, #tpu.memory_space<hbm>>) target(%dma_start3A_189 : memref<128x64xf32, #tpu.memory_space<vmem>>) offsets(%dma_start3A_196 : memref<128xi32, #tpu.memory_space<vmem>>) semaphore(%arg9 : memref<!tpu.dma_semaphore, #tpu.memory_space<semaphore_mem>>)
      } else {
      }
      %dma_wait3A = arith.constant 0 : i32
      %dma_wait3A_131 = arith.constant 0 : i32
      %dma_wait3A_132 = arith.constant 0 : i32
      %dma_wait3A_133 = arith.constant 0 : i32
      %dma_wait3A_134 = arith.constant 0 : i32
      %dma_wait3A_135 = tpu.memref_slice %arg7[%dma_wait3A_132, %dma_wait3A_133, %dma_wait3A_134] : memref<2x128x64xf32, #tpu.memory_space<vmem>> -> memref<1x128x64xf32, #tpu.memory_space<vmem>>
      %dma_wait3A_136 = tpu.memref_squeeze %dma_wait3A_135 : memref<1x128x64xf32, #tpu.memory_space<vmem>> -> memref<128x64xf32, #tpu.memory_space<vmem>>
      %dma_wait3A_137 = arith.constant 0 : i32
      %dma_wait3A_138 = arith.constant 0 : i32
      %dma_wait3A_139 = tpu.memref_slice %arg6[%dma_wait3A, %dma_wait3A_137, %dma_wait3A_138] : memref<2x2x128xi32, #tpu.memory_space<vmem>> -> memref<1x2x128xi32, #tpu.memory_space<vmem>>
      %dma_wait3A_140 = tpu.memref_squeeze %dma_wait3A_139 : memref<1x2x128xi32, #tpu.memory_space<vmem>> -> memref<2x128xi32, #tpu.memory_space<vmem>>
      %dma_wait3A_141 = arith.constant 0 : i32
      %dma_wait3A_142 = tpu.memref_slice %dma_wait3A_140[%dma_wait3A_131, %dma_wait3A_141] : memref<2x128xi32, #tpu.memory_space<vmem>> -> memref<1x128xi32, #tpu.memory_space<vmem>>
      %dma_wait3A_143 = tpu.memref_squeeze %dma_wait3A_142 : memref<1x128xi32, #tpu.memory_space<vmem>> -> memref<128xi32, #tpu.memory_space<vmem>>
      %dma_wait3A_144 = arith.constant 0 : i32
      %dma_wait3A_145 = arith.constant 0 : i32
      %dma_wait3A_146 = tpu.memref_slice %arg2[%dma_wait3A_144, %dma_wait3A_145] : memref<20480x64xf32, #tpu.memory_space<hbm>> -> memref<20480x64xf32, #tpu.memory_space<hbm>>
      tpu.wait_indirect_dma semaphore(%arg9 : memref<!tpu.dma_semaphore, #tpu.memory_space<semaphore_mem>>) src(%dma_wait3A_146 : memref<20480x64xf32, #tpu.memory_space<hbm>>) dst(%dma_wait3A_136 : memref<128x64xf32, #tpu.memory_space<vmem>>)
      %run_scoped3A_147 = arith.constant 0 : i32
      %run_scoped3A_148 = arith.constant 0 : i32
      %run_scoped3A_149 = arith.constant 1 : i32
      "tpu.region"() ({
        %run_scoped3A_179 = tpu.sem_alloc : memref<!tpu.dma_semaphore, #tpu.memory_space<semaphore_mem>>
        %dma_start3A_180 = arith.constant 0 : i32
        %dma_start3A_181 = arith.constant 0 : i32
        %dma_start3A_182 = tpu.memref_slice %arg7[%run_scoped3A_147, %dma_start3A_180, %dma_start3A_181] : memref<2x128x64xf32, #tpu.memory_space<vmem>> -> memref<1x128x64xf32, #tpu.memory_space<vmem>>
        %dma_start3A_183 = tpu.memref_squeeze %dma_start3A_182 : memref<1x128x64xf32, #tpu.memory_space<vmem>> -> memref<128x64xf32, #tpu.memory_space<vmem>>
        %dma_start3A_184 = arith.constant 0 : i32
        %dma_start3A_185 = arith.constant 0 : i32
        %dma_start3A_186 = tpu.memref_slice %arg6[%run_scoped3A_148, %dma_start3A_184, %dma_start3A_185] : memref<2x2x128xi32, #tpu.memory_space<vmem>> -> memref<1x2x128xi32, #tpu.memory_space<vmem>>
        %dma_start3A_187 = tpu.memref_squeeze %dma_start3A_186 : memref<1x2x128xi32, #tpu.memory_space<vmem>> -> memref<2x128xi32, #tpu.memory_space<vmem>>
        %dma_start3A_188 = arith.constant 0 : i32
        %dma_start3A_189 = tpu.memref_slice %dma_start3A_187[%run_scoped3A_149, %dma_start3A_188] : memref<2x128xi32, #tpu.memory_space<vmem>> -> memref<1x128xi32, #tpu.memory_space<vmem>>
        %dma_start3A_190 = tpu.memref_squeeze %dma_start3A_189 : memref<1x128xi32, #tpu.memory_space<vmem>> -> memref<128xi32, #tpu.memory_space<vmem>>
        %dma_start3A_191 = arith.constant 0 : i32
        %dma_start3A_192 = arith.constant 0 : i32
        %dma_start3A_193 = tpu.memref_slice %arg8[%dma_start3A_191, %dma_start3A_192] : memref<10240x64xf32, #tpu.memory_space<vmem_shared>> -> memref<10240x64xf32, #tpu.memory_space<vmem_shared>>
        tpu.enqueue_indirect_dma source(%dma_start3A_183 : memref<128x64xf32, #tpu.memory_space<vmem>>) target(%dma_start3A_193 : memref<10240x64xf32, #tpu.memory_space<vmem_shared>>) offsets(%dma_start3A_190 : memref<128xi32, #tpu.memory_space<vmem>>) semaphore(%run_scoped3A_179 : memref<!tpu.dma_semaphore, #tpu.memory_space<semaphore_mem>>) {add = true}
        %dma_wait3A_194 = arith.constant 0 : i32
        %dma_wait3A_195 = arith.constant 0 : i32
        %dma_wait3A_196 = tpu.memref_slice %arg7[%run_scoped3A_147, %dma_wait3A_194, %dma_wait3A_195] : memref<2x128x64xf32, #tpu.memory_space<vmem>> -> memref<1x128x64xf32, #tpu.memory_space<vmem>>
        %dma_wait3A_197 = tpu.memref_squeeze %dma_wait3A_196 : memref<1x128x64xf32, #tpu.memory_space<vmem>> -> memref<128x64xf32, #tpu.memory_space<vmem>>
        %dma_wait3A_198 = arith.constant 0 : i32
        %dma_wait3A_199 = arith.constant 0 : i32
        %dma_wait3A_200 = tpu.memref_slice %arg6[%run_scoped3A_148, %dma_wait3A_198, %dma_wait3A_199] : memref<2x2x128xi32, #tpu.memory_space<vmem>> -> memref<1x2x128xi32, #tpu.memory_space<vmem>>
        %dma_wait3A_201 = tpu.memref_squeeze %dma_wait3A_200 : memref<1x2x128xi32, #tpu.memory_space<vmem>> -> memref<2x128xi32, #tpu.memory_space<vmem>>
        %dma_wait3A_202 = arith.constant 0 : i32
        %dma_wait3A_203 = tpu.memref_slice %dma_wait3A_201[%run_scoped3A_149, %dma_wait3A_202] : memref<2x128xi32, #tpu.memory_space<vmem>> -> memref<1x128xi32, #tpu.memory_space<vmem>>
        %dma_wait3A_204 = tpu.memref_squeeze %dma_wait3A_203 : memref<1x128xi32, #tpu.memory_space<vmem>> -> memref<128xi32, #tpu.memory_space<vmem>>
        %dma_wait3A_205 = arith.constant 0 : i32
        %dma_wait3A_206 = arith.constant 0 : i32
        %dma_wait3A_207 = tpu.memref_slice %arg8[%dma_wait3A_205, %dma_wait3A_206] : memref<10240x64xf32, #tpu.memory_space<vmem_shared>> -> memref<10240x64xf32, #tpu.memory_space<vmem_shared>>
        tpu.wait_indirect_dma semaphore(%run_scoped3A_179 : memref<!tpu.dma_semaphore, #tpu.memory_space<semaphore_mem>>) src(%dma_wait3A_197 : memref<128x64xf32, #tpu.memory_space<vmem>>) dst(%dma_wait3A_207 : memref<10240x64xf32, #tpu.memory_space<vmem_shared>>)
        tpu.yield
      }) : () -> ()
      %add3A_150 = arith.constant 1 : i32
      %add3A_151 = arith.addi %add3A_124, %add3A_150 : i32
      %add3A_152 = arith.constant 1 : i32
      %add3A_153 = arith.addi %add3A_151, %add3A_152 : i32
      %lt3A_154 = arith.constant 80 : i32
      %lt3A_155 = arith.cmpi slt, %add3A_153, %lt3A_154 : i32
      %convert_element_type3A_156 = arith.extui %lt3A_155 : i1 to i32
      %cond3A_157 = arith.constant 0 : i32
      %cond3A_158 = arith.cmpi ne, %convert_element_type3A_156, %cond3A_157 : i32
      scf.if %cond3A_158 {
        %add3A_179 = arith.addi %mul3A_48, %add3A_153 : i32
        %mul3A_180 = arith.constant 2 : i32
        %mul3A_181 = arith.muli %mul3A_180, %add3A_179 : i32
        %run_scoped3A_182 = arith.constant 0 : i32
        "tpu.region"() ({
          %run_scoped3A_200 = tpu.sem_alloc : memref<!tpu.dma_semaphore, #tpu.memory_space<semaphore_mem>>
          %dma_start3A_201 = arith.constant 0 : i32
          %dma_start3A_202 = arith.constant 0 : i32
          %dma_start3A_203 = tpu.memref_slice %arg6[%run_scoped3A_182, %dma_start3A_201, %dma_start3A_202] : memref<2x2x128xi32, #tpu.memory_space<vmem>> -> memref<1x2x128xi32, #tpu.memory_space<vmem>>
          %dma_start3A_204 = tpu.memref_squeeze %dma_start3A_203 : memref<1x2x128xi32, #tpu.memory_space<vmem>> -> memref<2x128xi32, #tpu.memory_space<vmem>>
          %dma_start3A_205 = arith.constant 0 : i32
          %dma_start3A_206 = tpu.memref_slice %arg3[%mul3A_181, %dma_start3A_205] : memref<5120x128xi32, #tpu.memory_space<hbm>> -> memref<2x128xi32, #tpu.memory_space<hbm>>
          %dma_start3A_207 = arith.constant 0 : i32
          %dma_start3A_208 = arith.constant 0 : i32
          %dma_start3A_209 = tpu.memref_slice %arg6[%run_scoped3A_182, %dma_start3A_207, %dma_start3A_208] : memref<2x2x128xi32, #tpu.memory_space<vmem>> -> memref<1x2x128xi32, #tpu.memory_space<vmem>>
          %dma_start3A_210 = tpu.memref_squeeze %dma_start3A_209 : memref<1x2x128xi32, #tpu.memory_space<vmem>> -> memref<2x128xi32, #tpu.memory_space<vmem>>
          %dma_start3A_211 = arith.constant 0 : i32
          %dma_start3A_212 = tpu.memref_slice %arg3[%mul3A_181, %dma_start3A_211] : memref<5120x128xi32, #tpu.memory_space<hbm>> -> memref<2x128xi32, #tpu.memory_space<hbm>>
          tpu.enqueue_dma source(%dma_start3A_212 : memref<2x128xi32, #tpu.memory_space<hbm>>) target(%dma_start3A_210 : memref<2x128xi32, #tpu.memory_space<vmem>>) target_semaphore(%run_scoped3A_200 : memref<!tpu.dma_semaphore, #tpu.memory_space<semaphore_mem>>)
          %dma_wait3A_213 = arith.constant 0 : i32
          %dma_wait3A_214 = arith.constant 0 : i32
          %dma_wait3A_215 = tpu.memref_slice %arg6[%run_scoped3A_182, %dma_wait3A_213, %dma_wait3A_214] : memref<2x2x128xi32, #tpu.memory_space<vmem>> -> memref<1x2x128xi32, #tpu.memory_space<vmem>>
          %dma_wait3A_216 = tpu.memref_squeeze %dma_wait3A_215 : memref<1x2x128xi32, #tpu.memory_space<vmem>> -> memref<2x128xi32, #tpu.memory_space<vmem>>
          %dma_wait3A_217 = arith.constant 0 : i32
          %dma_wait3A_218 = tpu.memref_slice %arg3[%mul3A_181, %dma_wait3A_217] : memref<5120x128xi32, #tpu.memory_space<hbm>> -> memref<2x128xi32, #tpu.memory_space<hbm>>
          %dma_wait3A_219 = arith.constant 0 : i32
          %dma_wait3A_220 = arith.constant 0 : i32
          %dma_wait3A_221 = tpu.memref_slice %arg6[%run_scoped3A_182, %dma_wait3A_219, %dma_wait3A_220] : memref<2x2x128xi32, #tpu.memory_space<vmem>> -> memref<1x2x128xi32, #tpu.memory_space<vmem>>
          %dma_wait3A_222 = tpu.memref_squeeze %dma_wait3A_221 : memref<1x2x128xi32, #tpu.memory_space<vmem>> -> memref<2x128xi32, #tpu.memory_space<vmem>>
          %dma_wait3A_223 = arith.constant 0 : i32
          %dma_wait3A_224 = tpu.memref_slice %arg3[%mul3A_181, %dma_wait3A_223] : memref<5120x128xi32, #tpu.memory_space<hbm>> -> memref<2x128xi32, #tpu.memory_space<hbm>>
          tpu.wait_dma2 semaphore(%run_scoped3A_200 : memref<!tpu.dma_semaphore, #tpu.memory_space<semaphore_mem>>) src(%dma_wait3A_224 : memref<2x128xi32, #tpu.memory_space<hbm>>) dst(%dma_wait3A_222 : memref<2x128xi32, #tpu.memory_space<vmem>>)
          tpu.yield
        }) : () -> ()
        %dma_start3A_183 = arith.constant 0 : i32
        %dma_start3A_184 = arith.constant 0 : i32
        %dma_start3A_185 = arith.constant 0 : i32
        %dma_start3A_186 = arith.constant 0 : i32
        %dma_start3A_187 = arith.constant 0 : i32
        %dma_start3A_188 = tpu.memref_slice %arg7[%dma_start3A_185, %dma_start3A_186, %dma_start3A_187] : memref<2x128x64xf32, #tpu.memory_space<vmem>> -> memref<1x128x64xf32, #tpu.memory_space<vmem>>
        %dma_start3A_189 = tpu.memref_squeeze %dma_start3A_188 : memref<1x128x64xf32, #tpu.memory_space<vmem>> -> memref<128x64xf32, #tpu.memory_space<vmem>>
        %dma_start3A_190 = arith.constant 0 : i32
        %dma_start3A_191 = arith.constant 0 : i32
        %dma_start3A_192 = tpu.memref_slice %arg6[%dma_start3A_183, %dma_start3A_190, %dma_start3A_191] : memref<2x2x128xi32, #tpu.memory_space<vmem>> -> memref<1x2x128xi32, #tpu.memory_space<vmem>>
        %dma_start3A_193 = tpu.memref_squeeze %dma_start3A_192 : memref<1x2x128xi32, #tpu.memory_space<vmem>> -> memref<2x128xi32, #tpu.memory_space<vmem>>
        %dma_start3A_194 = arith.constant 0 : i32
        %dma_start3A_195 = tpu.memref_slice %dma_start3A_193[%dma_start3A_184, %dma_start3A_194] : memref<2x128xi32, #tpu.memory_space<vmem>> -> memref<1x128xi32, #tpu.memory_space<vmem>>
        %dma_start3A_196 = tpu.memref_squeeze %dma_start3A_195 : memref<1x128xi32, #tpu.memory_space<vmem>> -> memref<128xi32, #tpu.memory_space<vmem>>
        %dma_start3A_197 = arith.constant 0 : i32
        %dma_start3A_198 = arith.constant 0 : i32
        %dma_start3A_199 = tpu.memref_slice %arg2[%dma_start3A_197, %dma_start3A_198] : memref<20480x64xf32, #tpu.memory_space<hbm>> -> memref<20480x64xf32, #tpu.memory_space<hbm>>
        tpu.enqueue_indirect_dma source(%dma_start3A_199 : memref<20480x64xf32, #tpu.memory_space<hbm>>) target(%dma_start3A_189 : memref<128x64xf32, #tpu.memory_space<vmem>>) offsets(%dma_start3A_196 : memref<128xi32, #tpu.memory_space<vmem>>) semaphore(%arg9 : memref<!tpu.dma_semaphore, #tpu.memory_space<semaphore_mem>>)
      } else {
      }
      %dma_wait3A_159 = arith.constant 1 : i32
      %dma_wait3A_160 = arith.constant 0 : i32
      %dma_wait3A_161 = arith.constant 1 : i32
      %dma_wait3A_162 = arith.constant 0 : i32
      %dma_wait3A_163 = arith.constant 0 : i32
      %dma_wait3A_164 = tpu.memref_slice %arg7[%dma_wait3A_161, %dma_wait3A_162, %dma_wait3A_163] : memref<2x128x64xf32, #tpu.memory_space<vmem>> -> memref<1x128x64xf32, #tpu.memory_space<vmem>>
      %dma_wait3A_165 = tpu.memref_squeeze %dma_wait3A_164 : memref<1x128x64xf32, #tpu.memory_space<vmem>> -> memref<128x64xf32, #tpu.memory_space<vmem>>
      %dma_wait3A_166 = arith.constant 0 : i32
      %dma_wait3A_167 = arith.constant 0 : i32
      %dma_wait3A_168 = tpu.memref_slice %arg6[%dma_wait3A_159, %dma_wait3A_166, %dma_wait3A_167] : memref<2x2x128xi32, #tpu.memory_space<vmem>> -> memref<1x2x128xi32, #tpu.memory_space<vmem>>
      %dma_wait3A_169 = tpu.memref_squeeze %dma_wait3A_168 : memref<1x2x128xi32, #tpu.memory_space<vmem>> -> memref<2x128xi32, #tpu.memory_space<vmem>>
      %dma_wait3A_170 = arith.constant 0 : i32
      %dma_wait3A_171 = tpu.memref_slice %dma_wait3A_169[%dma_wait3A_160, %dma_wait3A_170] : memref<2x128xi32, #tpu.memory_space<vmem>> -> memref<1x128xi32, #tpu.memory_space<vmem>>
      %dma_wait3A_172 = tpu.memref_squeeze %dma_wait3A_171 : memref<1x128xi32, #tpu.memory_space<vmem>> -> memref<128xi32, #tpu.memory_space<vmem>>
      %dma_wait3A_173 = arith.constant 0 : i32
      %dma_wait3A_174 = arith.constant 0 : i32
      %dma_wait3A_175 = tpu.memref_slice %arg2[%dma_wait3A_173, %dma_wait3A_174] : memref<20480x64xf32, #tpu.memory_space<hbm>> -> memref<20480x64xf32, #tpu.memory_space<hbm>>
      tpu.wait_indirect_dma semaphore(%arg9 : memref<!tpu.dma_semaphore, #tpu.memory_space<semaphore_mem>>) src(%dma_wait3A_175 : memref<20480x64xf32, #tpu.memory_space<hbm>>) dst(%dma_wait3A_165 : memref<128x64xf32, #tpu.memory_space<vmem>>)
      %run_scoped3A_176 = arith.constant 1 : i32
      %run_scoped3A_177 = arith.constant 1 : i32
      %run_scoped3A_178 = arith.constant 1 : i32
      "tpu.region"() ({
        %run_scoped3A_179 = tpu.sem_alloc : memref<!tpu.dma_semaphore, #tpu.memory_space<semaphore_mem>>
        %dma_start3A_180 = arith.constant 0 : i32
        %dma_start3A_181 = arith.constant 0 : i32
        %dma_start3A_182 = tpu.memref_slice %arg7[%run_scoped3A_176, %dma_start3A_180, %dma_start3A_181] : memref<2x128x64xf32, #tpu.memory_space<vmem>> -> memref<1x128x64xf32, #tpu.memory_space<vmem>>
        %dma_start3A_183 = tpu.memref_squeeze %dma_start3A_182 : memref<1x128x64xf32, #tpu.memory_space<vmem>> -> memref<128x64xf32, #tpu.memory_space<vmem>>
        %dma_start3A_184 = arith.constant 0 : i32
        %dma_start3A_185 = arith.constant 0 : i32
        %dma_start3A_186 = tpu.memref_slice %arg6[%run_scoped3A_177, %dma_start3A_184, %dma_start3A_185] : memref<2x2x128xi32, #tpu.memory_space<vmem>> -> memref<1x2x128xi32, #tpu.memory_space<vmem>>
        %dma_start3A_187 = tpu.memref_squeeze %dma_start3A_186 : memref<1x2x128xi32, #tpu.memory_space<vmem>> -> memref<2x128xi32, #tpu.memory_space<vmem>>
        %dma_start3A_188 = arith.constant 0 : i32
        %dma_start3A_189 = tpu.memref_slice %dma_start3A_187[%run_scoped3A_178, %dma_start3A_188] : memref<2x128xi32, #tpu.memory_space<vmem>> -> memref<1x128xi32, #tpu.memory_space<vmem>>
        %dma_start3A_190 = tpu.memref_squeeze %dma_start3A_189 : memref<1x128xi32, #tpu.memory_space<vmem>> -> memref<128xi32, #tpu.memory_space<vmem>>
        %dma_start3A_191 = arith.constant 0 : i32
        %dma_start3A_192 = arith.constant 0 : i32
        %dma_start3A_193 = tpu.memref_slice %arg8[%dma_start3A_191, %dma_start3A_192] : memref<10240x64xf32, #tpu.memory_space<vmem_shared>> -> memref<10240x64xf32, #tpu.memory_space<vmem_shared>>
        tpu.enqueue_indirect_dma source(%dma_start3A_183 : memref<128x64xf32, #tpu.memory_space<vmem>>) target(%dma_start3A_193 : memref<10240x64xf32, #tpu.memory_space<vmem_shared>>) offsets(%dma_start3A_190 : memref<128xi32, #tpu.memory_space<vmem>>) semaphore(%run_scoped3A_179 : memref<!tpu.dma_semaphore, #tpu.memory_space<semaphore_mem>>) {add = true}
        %dma_wait3A_194 = arith.constant 0 : i32
        %dma_wait3A_195 = arith.constant 0 : i32
        %dma_wait3A_196 = tpu.memref_slice %arg7[%run_scoped3A_176, %dma_wait3A_194, %dma_wait3A_195] : memref<2x128x64xf32, #tpu.memory_space<vmem>> -> memref<1x128x64xf32, #tpu.memory_space<vmem>>
        %dma_wait3A_197 = tpu.memref_squeeze %dma_wait3A_196 : memref<1x128x64xf32, #tpu.memory_space<vmem>> -> memref<128x64xf32, #tpu.memory_space<vmem>>
        %dma_wait3A_198 = arith.constant 0 : i32
        %dma_wait3A_199 = arith.constant 0 : i32
        %dma_wait3A_200 = tpu.memref_slice %arg6[%run_scoped3A_177, %dma_wait3A_198, %dma_wait3A_199] : memref<2x2x128xi32, #tpu.memory_space<vmem>> -> memref<1x2x128xi32, #tpu.memory_space<vmem>>
        %dma_wait3A_201 = tpu.memref_squeeze %dma_wait3A_200 : memref<1x2x128xi32, #tpu.memory_space<vmem>> -> memref<2x128xi32, #tpu.memory_space<vmem>>
        %dma_wait3A_202 = arith.constant 0 : i32
        %dma_wait3A_203 = tpu.memref_slice %dma_wait3A_201[%run_scoped3A_178, %dma_wait3A_202] : memref<2x128xi32, #tpu.memory_space<vmem>> -> memref<1x128xi32, #tpu.memory_space<vmem>>
        %dma_wait3A_204 = tpu.memref_squeeze %dma_wait3A_203 : memref<1x128xi32, #tpu.memory_space<vmem>> -> memref<128xi32, #tpu.memory_space<vmem>>
        %dma_wait3A_205 = arith.constant 0 : i32
        %dma_wait3A_206 = arith.constant 0 : i32
        %dma_wait3A_207 = tpu.memref_slice %arg8[%dma_wait3A_205, %dma_wait3A_206] : memref<10240x64xf32, #tpu.memory_space<vmem_shared>> -> memref<10240x64xf32, #tpu.memory_space<vmem_shared>>
        tpu.wait_indirect_dma semaphore(%run_scoped3A_179 : memref<!tpu.dma_semaphore, #tpu.memory_space<semaphore_mem>>) src(%dma_wait3A_197 : memref<128x64xf32, #tpu.memory_space<vmem>>) dst(%dma_wait3A_207 : memref<10240x64xf32, #tpu.memory_space<vmem_shared>>)
        tpu.yield
      }) : () -> ()
    }
    %scan3A_73 = arith.constant 40 : i32
    %barrier3A_74 = arith.constant 0 : index
    tpu.barrier barrier_id(%barrier3A_74)
    %add3A_75 = arith.constant 0 : i32
    %add3A_76 = arith.addi %mul3A_0, %add3A_75 : i32
    %run_scoped3A_77 = arith.constant 0 : i32
    "tpu.region"() ({
      %run_scoped3A_120 = tpu.sem_alloc : memref<!tpu.dma_semaphore, #tpu.memory_space<semaphore_mem>>
      %dma_start3A_121 = arith.constant 0 : i32
      %dma_start3A_122 = arith.constant 0 : i32
      %dma_start3A_123 = tpu.memref_slice %arg7[%run_scoped3A_77, %dma_start3A_121, %dma_start3A_122] : memref<2x128x64xf32, #tpu.memory_space<vmem>> -> memref<1x128x64xf32, #tpu.memory_space<vmem>>
      %dma_start3A_124 = tpu.memref_squeeze %dma_start3A_123 : memref<1x128x64xf32, #tpu.memory_space<vmem>> -> memref<128x64xf32, #tpu.memory_space<vmem>>
      %dma_start3A_125 = arith.constant 0 : i32
      %dma_start3A_126 = tpu.memref_slice %arg8[%add3A_76, %dma_start3A_125] : memref<10240x64xf32, #tpu.memory_space<vmem_shared>> -> memref<128x64xf32, #tpu.memory_space<vmem_shared>>
      %dma_start3A_127 = arith.constant 0 : i32
      %dma_start3A_128 = arith.constant 0 : i32
      %dma_start3A_129 = tpu.memref_slice %arg7[%run_scoped3A_77, %dma_start3A_127, %dma_start3A_128] : memref<2x128x64xf32, #tpu.memory_space<vmem>> -> memref<1x128x64xf32, #tpu.memory_space<vmem>>
      %dma_start3A_130 = tpu.memref_squeeze %dma_start3A_129 : memref<1x128x64xf32, #tpu.memory_space<vmem>> -> memref<128x64xf32, #tpu.memory_space<vmem>>
      %dma_start3A_131 = arith.constant 0 : i32
      %dma_start3A_132 = tpu.memref_slice %arg8[%add3A_76, %dma_start3A_131] : memref<10240x64xf32, #tpu.memory_space<vmem_shared>> -> memref<128x64xf32, #tpu.memory_space<vmem_shared>>
      tpu.enqueue_dma source(%dma_start3A_132 : memref<128x64xf32, #tpu.memory_space<vmem_shared>>) target(%dma_start3A_130 : memref<128x64xf32, #tpu.memory_space<vmem>>) target_semaphore(%run_scoped3A_120 : memref<!tpu.dma_semaphore, #tpu.memory_space<semaphore_mem>>)
      %dma_wait3A = arith.constant 0 : i32
      %dma_wait3A_133 = arith.constant 0 : i32
      %dma_wait3A_134 = tpu.memref_slice %arg7[%run_scoped3A_77, %dma_wait3A, %dma_wait3A_133] : memref<2x128x64xf32, #tpu.memory_space<vmem>> -> memref<1x128x64xf32, #tpu.memory_space<vmem>>
      %dma_wait3A_135 = tpu.memref_squeeze %dma_wait3A_134 : memref<1x128x64xf32, #tpu.memory_space<vmem>> -> memref<128x64xf32, #tpu.memory_space<vmem>>
      %dma_wait3A_136 = arith.constant 0 : i32
      %dma_wait3A_137 = tpu.memref_slice %arg8[%add3A_76, %dma_wait3A_136] : memref<10240x64xf32, #tpu.memory_space<vmem_shared>> -> memref<128x64xf32, #tpu.memory_space<vmem_shared>>
      %dma_wait3A_138 = arith.constant 0 : i32
      %dma_wait3A_139 = arith.constant 0 : i32
      %dma_wait3A_140 = tpu.memref_slice %arg7[%run_scoped3A_77, %dma_wait3A_138, %dma_wait3A_139] : memref<2x128x64xf32, #tpu.memory_space<vmem>> -> memref<1x128x64xf32, #tpu.memory_space<vmem>>
      %dma_wait3A_141 = tpu.memref_squeeze %dma_wait3A_140 : memref<1x128x64xf32, #tpu.memory_space<vmem>> -> memref<128x64xf32, #tpu.memory_space<vmem>>
      %dma_wait3A_142 = arith.constant 0 : i32
      %dma_wait3A_143 = tpu.memref_slice %arg8[%add3A_76, %dma_wait3A_142] : memref<10240x64xf32, #tpu.memory_space<vmem_shared>> -> memref<128x64xf32, #tpu.memory_space<vmem_shared>>
      tpu.wait_dma2 semaphore(%run_scoped3A_120 : memref<!tpu.dma_semaphore, #tpu.memory_space<semaphore_mem>>) src(%dma_wait3A_143 : memref<128x64xf32, #tpu.memory_space<vmem_shared>>) dst(%dma_wait3A_141 : memref<128x64xf32, #tpu.memory_space<vmem>>)
      tpu.yield
    }) : () -> ()
    %mul3A_78 = arith.constant 10240 : i32
    %mul3A_79 = arith.muli %arg0, %mul3A_78 : i32
    %add3A_80 = arith.addi %mul3A_79, %mul3A_0 : i32
    %add3A_81 = arith.constant 0 : i32
    %add3A_82 = arith.addi %add3A_80, %add3A_81 : i32
    %run_scoped3A_83 = arith.constant 0 : i32
    "tpu.region"() ({
      %run_scoped3A_120 = tpu.sem_alloc : memref<!tpu.dma_semaphore, #tpu.memory_space<semaphore_mem>>
      %dma_start3A_121 = arith.constant 0 : i32
      %dma_start3A_122 = arith.constant 0 : i32
      %dma_start3A_123 = tpu.memref_slice %arg7[%run_scoped3A_83, %dma_start3A_121, %dma_start3A_122] : memref<2x128x64xf32, #tpu.memory_space<vmem>> -> memref<1x128x64xf32, #tpu.memory_space<vmem>>
      %dma_start3A_124 = tpu.memref_squeeze %dma_start3A_123 : memref<1x128x64xf32, #tpu.memory_space<vmem>> -> memref<128x64xf32, #tpu.memory_space<vmem>>
      %dma_start3A_125 = arith.constant 0 : i32
      %dma_start3A_126 = tpu.memref_slice %arg5[%add3A_82, %dma_start3A_125] : memref<20480x64xf32, #tpu.memory_space<hbm>> -> memref<128x64xf32, #tpu.memory_space<hbm>>
      %dma_start3A_127 = arith.constant 0 : i32
      %dma_start3A_128 = tpu.memref_slice %arg5[%add3A_82, %dma_start3A_127] : memref<20480x64xf32, #tpu.memory_space<hbm>> -> memref<128x64xf32, #tpu.memory_space<hbm>>
      %dma_start3A_129 = arith.constant 0 : i32
      %dma_start3A_130 = arith.constant 0 : i32
      %dma_start3A_131 = tpu.memref_slice %arg7[%run_scoped3A_83, %dma_start3A_129, %dma_start3A_130] : memref<2x128x64xf32, #tpu.memory_space<vmem>> -> memref<1x128x64xf32, #tpu.memory_space<vmem>>
      %dma_start3A_132 = tpu.memref_squeeze %dma_start3A_131 : memref<1x128x64xf32, #tpu.memory_space<vmem>> -> memref<128x64xf32, #tpu.memory_space<vmem>>
      tpu.enqueue_dma source(%dma_start3A_132 : memref<128x64xf32, #tpu.memory_space<vmem>>) target(%dma_start3A_128 : memref<128x64xf32, #tpu.memory_space<hbm>>) target_semaphore(%run_scoped3A_120 : memref<!tpu.dma_semaphore, #tpu.memory_space<semaphore_mem>>)
      %dma_wait3A = arith.constant 0 : i32
      %dma_wait3A_133 = arith.constant 0 : i32
      %dma_wait3A_134 = tpu.memref_slice %arg7[%run_scoped3A_83, %dma_wait3A, %dma_wait3A_133] : memref<2x128x64xf32, #tpu.memory_space<vmem>> -> memref<1x128x64xf32, #tpu.memory_space<vmem>>
      %dma_wait3A_135 = tpu.memref_squeeze %dma_wait3A_134 : memref<1x128x64xf32, #tpu.memory_space<vmem>> -> memref<128x64xf32, #tpu.memory_space<vmem>>
      %dma_wait3A_136 = arith.constant 0 : i32
      %dma_wait3A_137 = tpu.memref_slice %arg5[%add3A_82, %dma_wait3A_136] : memref<20480x64xf32, #tpu.memory_space<hbm>> -> memref<128x64xf32, #tpu.memory_space<hbm>>
      %dma_wait3A_138 = arith.constant 0 : i32
      %dma_wait3A_139 = tpu.memref_slice %arg5[%add3A_82, %dma_wait3A_138] : memref<20480x64xf32, #tpu.memory_space<hbm>> -> memref<128x64xf32, #tpu.memory_space<hbm>>
      %dma_wait3A_140 = arith.constant 0 : i32
      %dma_wait3A_141 = arith.constant 0 : i32
      %dma_wait3A_142 = tpu.memref_slice %arg7[%run_scoped3A_83, %dma_wait3A_140, %dma_wait3A_141] : memref<2x128x64xf32, #tpu.memory_space<vmem>> -> memref<1x128x64xf32, #tpu.memory_space<vmem>>
      %dma_wait3A_143 = tpu.memref_squeeze %dma_wait3A_142 : memref<1x128x64xf32, #tpu.memory_space<vmem>> -> memref<128x64xf32, #tpu.memory_space<vmem>>
      tpu.wait_dma2 semaphore(%run_scoped3A_120 : memref<!tpu.dma_semaphore, #tpu.memory_space<semaphore_mem>>) src(%dma_wait3A_143 : memref<128x64xf32, #tpu.memory_space<vmem>>) dst(%dma_wait3A_139 : memref<128x64xf32, #tpu.memory_space<hbm>>)
      tpu.yield
    }) : () -> ()
    %add3A_84 = arith.constant 128 : i32
    %add3A_85 = arith.addi %mul3A_0, %add3A_84 : i32
    %run_scoped3A_86 = arith.constant 0 : i32
    "tpu.region"() ({
      %run_scoped3A_120 = tpu.sem_alloc : memref<!tpu.dma_semaphore, #tpu.memory_space<semaphore_mem>>
      %dma_start3A_121 = arith.constant 0 : i32
      %dma_start3A_122 = arith.constant 0 : i32
      %dma_start3A_123 = tpu.memref_slice %arg7[%run_scoped3A_86, %dma_start3A_121, %dma_start3A_122] : memref<2x128x64xf32, #tpu.memory_space<vmem>> -> memref<1x128x64xf32, #tpu.memory_space<vmem>>
      %dma_start3A_124 = tpu.memref_squeeze %dma_start3A_123 : memref<1x128x64xf32, #tpu.memory_space<vmem>> -> memref<128x64xf32, #tpu.memory_space<vmem>>
      %dma_start3A_125 = arith.constant 0 : i32
      %dma_start3A_126 = tpu.memref_slice %arg8[%add3A_85, %dma_start3A_125] : memref<10240x64xf32, #tpu.memory_space<vmem_shared>> -> memref<128x64xf32, #tpu.memory_space<vmem_shared>>
      %dma_start3A_127 = arith.constant 0 : i32
      %dma_start3A_128 = arith.constant 0 : i32
      %dma_start3A_129 = tpu.memref_slice %arg7[%run_scoped3A_86, %dma_start3A_127, %dma_start3A_128] : memref<2x128x64xf32, #tpu.memory_space<vmem>> -> memref<1x128x64xf32, #tpu.memory_space<vmem>>
      %dma_start3A_130 = tpu.memref_squeeze %dma_start3A_129 : memref<1x128x64xf32, #tpu.memory_space<vmem>> -> memref<128x64xf32, #tpu.memory_space<vmem>>
      %dma_start3A_131 = arith.constant 0 : i32
      %dma_start3A_132 = tpu.memref_slice %arg8[%add3A_85, %dma_start3A_131] : memref<10240x64xf32, #tpu.memory_space<vmem_shared>> -> memref<128x64xf32, #tpu.memory_space<vmem_shared>>
      tpu.enqueue_dma source(%dma_start3A_132 : memref<128x64xf32, #tpu.memory_space<vmem_shared>>) target(%dma_start3A_130 : memref<128x64xf32, #tpu.memory_space<vmem>>) target_semaphore(%run_scoped3A_120 : memref<!tpu.dma_semaphore, #tpu.memory_space<semaphore_mem>>)
      %dma_wait3A = arith.constant 0 : i32
      %dma_wait3A_133 = arith.constant 0 : i32
      %dma_wait3A_134 = tpu.memref_slice %arg7[%run_scoped3A_86, %dma_wait3A, %dma_wait3A_133] : memref<2x128x64xf32, #tpu.memory_space<vmem>> -> memref<1x128x64xf32, #tpu.memory_space<vmem>>
      %dma_wait3A_135 = tpu.memref_squeeze %dma_wait3A_134 : memref<1x128x64xf32, #tpu.memory_space<vmem>> -> memref<128x64xf32, #tpu.memory_space<vmem>>
      %dma_wait3A_136 = arith.constant 0 : i32
      %dma_wait3A_137 = tpu.memref_slice %arg8[%add3A_85, %dma_wait3A_136] : memref<10240x64xf32, #tpu.memory_space<vmem_shared>> -> memref<128x64xf32, #tpu.memory_space<vmem_shared>>
      %dma_wait3A_138 = arith.constant 0 : i32
      %dma_wait3A_139 = arith.constant 0 : i32
      %dma_wait3A_140 = tpu.memref_slice %arg7[%run_scoped3A_86, %dma_wait3A_138, %dma_wait3A_139] : memref<2x128x64xf32, #tpu.memory_space<vmem>> -> memref<1x128x64xf32, #tpu.memory_space<vmem>>
      %dma_wait3A_141 = tpu.memref_squeeze %dma_wait3A_140 : memref<1x128x64xf32, #tpu.memory_space<vmem>> -> memref<128x64xf32, #tpu.memory_space<vmem>>
      %dma_wait3A_142 = arith.constant 0 : i32
      %dma_wait3A_143 = tpu.memref_slice %arg8[%add3A_85, %dma_wait3A_142] : memref<10240x64xf32, #tpu.memory_space<vmem_shared>> -> memref<128x64xf32, #tpu.memory_space<vmem_shared>>
      tpu.wait_dma2 semaphore(%run_scoped3A_120 : memref<!tpu.dma_semaphore, #tpu.memory_space<semaphore_mem>>) src(%dma_wait3A_143 : memref<128x64xf32, #tpu.memory_space<vmem_shared>>) dst(%dma_wait3A_141 : memref<128x64xf32, #tpu.memory_space<vmem>>)
      tpu.yield
    }) : () -> ()
    %mul3A_87 = arith.constant 10240 : i32
    %mul3A_88 = arith.muli %arg0, %mul3A_87 : i32
    %add3A_89 = arith.addi %mul3A_88, %mul3A_0 : i32
    %add3A_90 = arith.constant 128 : i32
    %add3A_91 = arith.addi %add3A_89, %add3A_90 : i32
    %run_scoped3A_92 = arith.constant 0 : i32
    "tpu.region"() ({
      %run_scoped3A_120 = tpu.sem_alloc : memref<!tpu.dma_semaphore, #tpu.memory_space<semaphore_mem>>
      %dma_start3A_121 = arith.constant 0 : i32
      %dma_start3A_122 = arith.constant 0 : i32
      %dma_start3A_123 = tpu.memref_slice %arg7[%run_scoped3A_92, %dma_start3A_121, %dma_start3A_122] : memref<2x128x64xf32, #tpu.memory_space<vmem>> -> memref<1x128x64xf32, #tpu.memory_space<vmem>>
      %dma_start3A_124 = tpu.memref_squeeze %dma_start3A_123 : memref<1x128x64xf32, #tpu.memory_space<vmem>> -> memref<128x64xf32, #tpu.memory_space<vmem>>
      %dma_start3A_125 = arith.constant 0 : i32
      %dma_start3A_126 = tpu.memref_slice %arg5[%add3A_91, %dma_start3A_125] : memref<20480x64xf32, #tpu.memory_space<hbm>> -> memref<128x64xf32, #tpu.memory_space<hbm>>
      %dma_start3A_127 = arith.constant 0 : i32
      %dma_start3A_128 = tpu.memref_slice %arg5[%add3A_91, %dma_start3A_127] : memref<20480x64xf32, #tpu.memory_space<hbm>> -> memref<128x64xf32, #tpu.memory_space<hbm>>
      %dma_start3A_129 = arith.constant 0 : i32
      %dma_start3A_130 = arith.constant 0 : i32
      %dma_start3A_131 = tpu.memref_slice %arg7[%run_scoped3A_92, %dma_start3A_129, %dma_start3A_130] : memref<2x128x64xf32, #tpu.memory_space<vmem>> -> memref<1x128x64xf32, #tpu.memory_space<vmem>>
      %dma_start3A_132 = tpu.memref_squeeze %dma_start3A_131 : memref<1x128x64xf32, #tpu.memory_space<vmem>> -> memref<128x64xf32, #tpu.memory_space<vmem>>
      tpu.enqueue_dma source(%dma_start3A_132 : memref<128x64xf32, #tpu.memory_space<vmem>>) target(%dma_start3A_128 : memref<128x64xf32, #tpu.memory_space<hbm>>) target_semaphore(%run_scoped3A_120 : memref<!tpu.dma_semaphore, #tpu.memory_space<semaphore_mem>>)
      %dma_wait3A = arith.constant 0 : i32
      %dma_wait3A_133 = arith.constant 0 : i32
      %dma_wait3A_134 = tpu.memref_slice %arg7[%run_scoped3A_92, %dma_wait3A, %dma_wait3A_133] : memref<2x128x64xf32, #tpu.memory_space<vmem>> -> memref<1x128x64xf32, #tpu.memory_space<vmem>>
      %dma_wait3A_135 = tpu.memref_squeeze %dma_wait3A_134 : memref<1x128x64xf32, #tpu.memory_space<vmem>> -> memref<128x64xf32, #tpu.memory_space<vmem>>
      %dma_wait3A_136 = arith.constant 0 : i32
      %dma_wait3A_137 = tpu.memref_slice %arg5[%add3A_91, %dma_wait3A_136] : memref<20480x64xf32, #tpu.memory_space<hbm>> -> memref<128x64xf32, #tpu.memory_space<hbm>>
      %dma_wait3A_138 = arith.constant 0 : i32
      %dma_wait3A_139 = tpu.memref_slice %arg5[%add3A_91, %dma_wait3A_138] : memref<20480x64xf32, #tpu.memory_space<hbm>> -> memref<128x64xf32, #tpu.memory_space<hbm>>
      %dma_wait3A_140 = arith.constant 0 : i32
      %dma_wait3A_141 = arith.constant 0 : i32
      %dma_wait3A_142 = tpu.memref_slice %arg7[%run_scoped3A_92, %dma_wait3A_140, %dma_wait3A_141] : memref<2x128x64xf32, #tpu.memory_space<vmem>> -> memref<1x128x64xf32, #tpu.memory_space<vmem>>
      %dma_wait3A_143 = tpu.memref_squeeze %dma_wait3A_142 : memref<1x128x64xf32, #tpu.memory_space<vmem>> -> memref<128x64xf32, #tpu.memory_space<vmem>>
      tpu.wait_dma2 semaphore(%run_scoped3A_120 : memref<!tpu.dma_semaphore, #tpu.memory_space<semaphore_mem>>) src(%dma_wait3A_143 : memref<128x64xf32, #tpu.memory_space<vmem>>) dst(%dma_wait3A_139 : memref<128x64xf32, #tpu.memory_space<hbm>>)
      tpu.yield
    }) : () -> ()
    %add3A_93 = arith.constant 256 : i32
    %add3A_94 = arith.addi %mul3A_0, %add3A_93 : i32
    %run_scoped3A_95 = arith.constant 0 : i32
    "tpu.region"() ({
      %run_scoped3A_120 = tpu.sem_alloc : memref<!tpu.dma_semaphore, #tpu.memory_space<semaphore_mem>>
      %dma_start3A_121 = arith.constant 0 : i32
      %dma_start3A_122 = arith.constant 0 : i32
      %dma_start3A_123 = tpu.memref_slice %arg7[%run_scoped3A_95, %dma_start3A_121, %dma_start3A_122] : memref<2x128x64xf32, #tpu.memory_space<vmem>> -> memref<1x128x64xf32, #tpu.memory_space<vmem>>
      %dma_start3A_124 = tpu.memref_squeeze %dma_start3A_123 : memref<1x128x64xf32, #tpu.memory_space<vmem>> -> memref<128x64xf32, #tpu.memory_space<vmem>>
      %dma_start3A_125 = arith.constant 0 : i32
      %dma_start3A_126 = tpu.memref_slice %arg8[%add3A_94, %dma_start3A_125] : memref<10240x64xf32, #tpu.memory_space<vmem_shared>> -> memref<128x64xf32, #tpu.memory_space<vmem_shared>>
      %dma_start3A_127 = arith.constant 0 : i32
      %dma_start3A_128 = arith.constant 0 : i32
      %dma_start3A_129 = tpu.memref_slice %arg7[%run_scoped3A_95, %dma_start3A_127, %dma_start3A_128] : memref<2x128x64xf32, #tpu.memory_space<vmem>> -> memref<1x128x64xf32, #tpu.memory_space<vmem>>
      %dma_start3A_130 = tpu.memref_squeeze %dma_start3A_129 : memref<1x128x64xf32, #tpu.memory_space<vmem>> -> memref<128x64xf32, #tpu.memory_space<vmem>>
      %dma_start3A_131 = arith.constant 0 : i32
      %dma_start3A_132 = tpu.memref_slice %arg8[%add3A_94, %dma_start3A_131] : memref<10240x64xf32, #tpu.memory_space<vmem_shared>> -> memref<128x64xf32, #tpu.memory_space<vmem_shared>>
      tpu.enqueue_dma source(%dma_start3A_132 : memref<128x64xf32, #tpu.memory_space<vmem_shared>>) target(%dma_start3A_130 : memref<128x64xf32, #tpu.memory_space<vmem>>) target_semaphore(%run_scoped3A_120 : memref<!tpu.dma_semaphore, #tpu.memory_space<semaphore_mem>>)
      %dma_wait3A = arith.constant 0 : i32
      %dma_wait3A_133 = arith.constant 0 : i32
      %dma_wait3A_134 = tpu.memref_slice %arg7[%run_scoped3A_95, %dma_wait3A, %dma_wait3A_133] : memref<2x128x64xf32, #tpu.memory_space<vmem>> -> memref<1x128x64xf32, #tpu.memory_space<vmem>>
      %dma_wait3A_135 = tpu.memref_squeeze %dma_wait3A_134 : memref<1x128x64xf32, #tpu.memory_space<vmem>> -> memref<128x64xf32, #tpu.memory_space<vmem>>
      %dma_wait3A_136 = arith.constant 0 : i32
      %dma_wait3A_137 = tpu.memref_slice %arg8[%add3A_94, %dma_wait3A_136] : memref<10240x64xf32, #tpu.memory_space<vmem_shared>> -> memref<128x64xf32, #tpu.memory_space<vmem_shared>>
      %dma_wait3A_138 = arith.constant 0 : i32
      %dma_wait3A_139 = arith.constant 0 : i32
      %dma_wait3A_140 = tpu.memref_slice %arg7[%run_scoped3A_95, %dma_wait3A_138, %dma_wait3A_139] : memref<2x128x64xf32, #tpu.memory_space<vmem>> -> memref<1x128x64xf32, #tpu.memory_space<vmem>>
      %dma_wait3A_141 = tpu.memref_squeeze %dma_wait3A_140 : memref<1x128x64xf32, #tpu.memory_space<vmem>> -> memref<128x64xf32, #tpu.memory_space<vmem>>
      %dma_wait3A_142 = arith.constant 0 : i32
      %dma_wait3A_143 = tpu.memref_slice %arg8[%add3A_94, %dma_wait3A_142] : memref<10240x64xf32, #tpu.memory_space<vmem_shared>> -> memref<128x64xf32, #tpu.memory_space<vmem_shared>>
      tpu.wait_dma2 semaphore(%run_scoped3A_120 : memref<!tpu.dma_semaphore, #tpu.memory_space<semaphore_mem>>) src(%dma_wait3A_143 : memref<128x64xf32, #tpu.memory_space<vmem_shared>>) dst(%dma_wait3A_141 : memref<128x64xf32, #tpu.memory_space<vmem>>)
      tpu.yield
    }) : () -> ()
    %mul3A_96 = arith.constant 10240 : i32
    %mul3A_97 = arith.muli %arg0, %mul3A_96 : i32
    %add3A_98 = arith.addi %mul3A_97, %mul3A_0 : i32
    %add3A_99 = arith.constant 256 : i32
    %add3A_100 = arith.addi %add3A_98, %add3A_99 : i32
    %run_scoped3A_101 = arith.constant 0 : i32
    "tpu.region"() ({
      %run_scoped3A_120 = tpu.sem_alloc : memref<!tpu.dma_semaphore, #tpu.memory_space<semaphore_mem>>
      %dma_start3A_121 = arith.constant 0 : i32
      %dma_start3A_122 = arith.constant 0 : i32
      %dma_start3A_123 = tpu.memref_slice %arg7[%run_scoped3A_101, %dma_start3A_121, %dma_start3A_122] : memref<2x128x64xf32, #tpu.memory_space<vmem>> -> memref<1x128x64xf32, #tpu.memory_space<vmem>>
      %dma_start3A_124 = tpu.memref_squeeze %dma_start3A_123 : memref<1x128x64xf32, #tpu.memory_space<vmem>> -> memref<128x64xf32, #tpu.memory_space<vmem>>
      %dma_start3A_125 = arith.constant 0 : i32
      %dma_start3A_126 = tpu.memref_slice %arg5[%add3A_100, %dma_start3A_125] : memref<20480x64xf32, #tpu.memory_space<hbm>> -> memref<128x64xf32, #tpu.memory_space<hbm>>
      %dma_start3A_127 = arith.constant 0 : i32
      %dma_start3A_128 = tpu.memref_slice %arg5[%add3A_100, %dma_start3A_127] : memref<20480x64xf32, #tpu.memory_space<hbm>> -> memref<128x64xf32, #tpu.memory_space<hbm>>
      %dma_start3A_129 = arith.constant 0 : i32
      %dma_start3A_130 = arith.constant 0 : i32
      %dma_start3A_131 = tpu.memref_slice %arg7[%run_scoped3A_101, %dma_start3A_129, %dma_start3A_130] : memref<2x128x64xf32, #tpu.memory_space<vmem>> -> memref<1x128x64xf32, #tpu.memory_space<vmem>>
      %dma_start3A_132 = tpu.memref_squeeze %dma_start3A_131 : memref<1x128x64xf32, #tpu.memory_space<vmem>> -> memref<128x64xf32, #tpu.memory_space<vmem>>
      tpu.enqueue_dma source(%dma_start3A_132 : memref<128x64xf32, #tpu.memory_space<vmem>>) target(%dma_start3A_128 : memref<128x64xf32, #tpu.memory_space<hbm>>) target_semaphore(%run_scoped3A_120 : memref<!tpu.dma_semaphore, #tpu.memory_space<semaphore_mem>>)
      %dma_wait3A = arith.constant 0 : i32
      %dma_wait3A_133 = arith.constant 0 : i32
      %dma_wait3A_134 = tpu.memref_slice %arg7[%run_scoped3A_101, %dma_wait3A, %dma_wait3A_133] : memref<2x128x64xf32, #tpu.memory_space<vmem>> -> memref<1x128x64xf32, #tpu.memory_space<vmem>>
      %dma_wait3A_135 = tpu.memref_squeeze %dma_wait3A_134 : memref<1x128x64xf32, #tpu.memory_space<vmem>> -> memref<128x64xf32, #tpu.memory_space<vmem>>
      %dma_wait3A_136 = arith.constant 0 : i32
      %dma_wait3A_137 = tpu.memref_slice %arg5[%add3A_100, %dma_wait3A_136] : memref<20480x64xf32, #tpu.memory_space<hbm>> -> memref<128x64xf32, #tpu.memory_space<hbm>>
      %dma_wait3A_138 = arith.constant 0 : i32
      %dma_wait3A_139 = tpu.memref_slice %arg5[%add3A_100, %dma_wait3A_138] : memref<20480x64xf32, #tpu.memory_space<hbm>> -> memref<128x64xf32, #tpu.memory_space<hbm>>
      %dma_wait3A_140 = arith.constant 0 : i32
      %dma_wait3A_141 = arith.constant 0 : i32
      %dma_wait3A_142 = tpu.memref_slice %arg7[%run_scoped3A_101, %dma_wait3A_140, %dma_wait3A_141] : memref<2x128x64xf32, #tpu.memory_space<vmem>> -> memref<1x128x64xf32, #tpu.memory_space<vmem>>
      %dma_wait3A_143 = tpu.memref_squeeze %dma_wait3A_142 : memref<1x128x64xf32, #tpu.memory_space<vmem>> -> memref<128x64xf32, #tpu.memory_space<vmem>>
      tpu.wait_dma2 semaphore(%run_scoped3A_120 : memref<!tpu.dma_semaphore, #tpu.memory_space<semaphore_mem>>) src(%dma_wait3A_143 : memref<128x64xf32, #tpu.memory_space<vmem>>) dst(%dma_wait3A_139 : memref<128x64xf32, #tpu.memory_space<hbm>>)
      tpu.yield
    }) : () -> ()
    %add3A_102 = arith.constant 384 : i32
    %add3A_103 = arith.addi %mul3A_0, %add3A_102 : i32
    %run_scoped3A_104 = arith.constant 0 : i32
    "tpu.region"() ({
      %run_scoped3A_120 = tpu.sem_alloc : memref<!tpu.dma_semaphore, #tpu.memory_space<semaphore_mem>>
      %dma_start3A_121 = arith.constant 0 : i32
      %dma_start3A_122 = arith.constant 0 : i32
      %dma_start3A_123 = tpu.memref_slice %arg7[%run_scoped3A_104, %dma_start3A_121, %dma_start3A_122] : memref<2x128x64xf32, #tpu.memory_space<vmem>> -> memref<1x128x64xf32, #tpu.memory_space<vmem>>
      %dma_start3A_124 = tpu.memref_squeeze %dma_start3A_123 : memref<1x128x64xf32, #tpu.memory_space<vmem>> -> memref<128x64xf32, #tpu.memory_space<vmem>>
      %dma_start3A_125 = arith.constant 0 : i32
      %dma_start3A_126 = tpu.memref_slice %arg8[%add3A_103, %dma_start3A_125] : memref<10240x64xf32, #tpu.memory_space<vmem_shared>> -> memref<128x64xf32, #tpu.memory_space<vmem_shared>>
      %dma_start3A_127 = arith.constant 0 : i32
      %dma_start3A_128 = arith.constant 0 : i32
      %dma_start3A_129 = tpu.memref_slice %arg7[%run_scoped3A_104, %dma_start3A_127, %dma_start3A_128] : memref<2x128x64xf32, #tpu.memory_space<vmem>> -> memref<1x128x64xf32, #tpu.memory_space<vmem>>
      %dma_start3A_130 = tpu.memref_squeeze %dma_start3A_129 : memref<1x128x64xf32, #tpu.memory_space<vmem>> -> memref<128x64xf32, #tpu.memory_space<vmem>>
      %dma_start3A_131 = arith.constant 0 : i32
      %dma_start3A_132 = tpu.memref_slice %arg8[%add3A_103, %dma_start3A_131] : memref<10240x64xf32, #tpu.memory_space<vmem_shared>> -> memref<128x64xf32, #tpu.memory_space<vmem_shared>>
      tpu.enqueue_dma source(%dma_start3A_132 : memref<128x64xf32, #tpu.memory_space<vmem_shared>>) target(%dma_start3A_130 : memref<128x64xf32, #tpu.memory_space<vmem>>) target_semaphore(%run_scoped3A_120 : memref<!tpu.dma_semaphore, #tpu.memory_space<semaphore_mem>>)
      %dma_wait3A = arith.constant 0 : i32
      %dma_wait3A_133 = arith.constant 0 : i32
      %dma_wait3A_134 = tpu.memref_slice %arg7[%run_scoped3A_104, %dma_wait3A, %dma_wait3A_133] : memref<2x128x64xf32, #tpu.memory_space<vmem>> -> memref<1x128x64xf32, #tpu.memory_space<vmem>>
      %dma_wait3A_135 = tpu.memref_squeeze %dma_wait3A_134 : memref<1x128x64xf32, #tpu.memory_space<vmem>> -> memref<128x64xf32, #tpu.memory_space<vmem>>
      %dma_wait3A_136 = arith.constant 0 : i32
      %dma_wait3A_137 = tpu.memref_slice %arg8[%add3A_103, %dma_wait3A_136] : memref<10240x64xf32, #tpu.memory_space<vmem_shared>> -> memref<128x64xf32, #tpu.memory_space<vmem_shared>>
      %dma_wait3A_138 = arith.constant 0 : i32
      %dma_wait3A_139 = arith.constant 0 : i32
      %dma_wait3A_140 = tpu.memref_slice %arg7[%run_scoped3A_104, %dma_wait3A_138, %dma_wait3A_139] : memref<2x128x64xf32, #tpu.memory_space<vmem>> -> memref<1x128x64xf32, #tpu.memory_space<vmem>>
      %dma_wait3A_141 = tpu.memref_squeeze %dma_wait3A_140 : memref<1x128x64xf32, #tpu.memory_space<vmem>> -> memref<128x64xf32, #tpu.memory_space<vmem>>
      %dma_wait3A_142 = arith.constant 0 : i32
      %dma_wait3A_143 = tpu.memref_slice %arg8[%add3A_103, %dma_wait3A_142] : memref<10240x64xf32, #tpu.memory_space<vmem_shared>> -> memref<128x64xf32, #tpu.memory_space<vmem_shared>>
      tpu.wait_dma2 semaphore(%run_scoped3A_120 : memref<!tpu.dma_semaphore, #tpu.memory_space<semaphore_mem>>) src(%dma_wait3A_143 : memref<128x64xf32, #tpu.memory_space<vmem_shared>>) dst(%dma_wait3A_141 : memref<128x64xf32, #tpu.memory_space<vmem>>)
      tpu.yield
    }) : () -> ()
    %mul3A_105 = arith.constant 10240 : i32
    %mul3A_106 = arith.muli %arg0, %mul3A_105 : i32
    %add3A_107 = arith.addi %mul3A_106, %mul3A_0 : i32
    %add3A_108 = arith.constant 384 : i32
    %add3A_109 = arith.addi %add3A_107, %add3A_108 : i32
    %run_scoped3A_110 = arith.constant 0 : i32
    "tpu.region"() ({
      %run_scoped3A_120 = tpu.sem_alloc : memref<!tpu.dma_semaphore, #tpu.memory_space<semaphore_mem>>
      %dma_start3A_121 = arith.constant 0 : i32
      %dma_start3A_122 = arith.constant 0 : i32
      %dma_start3A_123 = tpu.memref_slice %arg7[%run_scoped3A_110, %dma_start3A_121, %dma_start3A_122] : memref<2x128x64xf32, #tpu.memory_space<vmem>> -> memref<1x128x64xf32, #tpu.memory_space<vmem>>
      %dma_start3A_124 = tpu.memref_squeeze %dma_start3A_123 : memref<1x128x64xf32, #tpu.memory_space<vmem>> -> memref<128x64xf32, #tpu.memory_space<vmem>>
      %dma_start3A_125 = arith.constant 0 : i32
      %dma_start3A_126 = tpu.memref_slice %arg5[%add3A_109, %dma_start3A_125] : memref<20480x64xf32, #tpu.memory_space<hbm>> -> memref<128x64xf32, #tpu.memory_space<hbm>>
      %dma_start3A_127 = arith.constant 0 : i32
      %dma_start3A_128 = tpu.memref_slice %arg5[%add3A_109, %dma_start3A_127] : memref<20480x64xf32, #tpu.memory_space<hbm>> -> memref<128x64xf32, #tpu.memory_space<hbm>>
      %dma_start3A_129 = arith.constant 0 : i32
      %dma_start3A_130 = arith.constant 0 : i32
      %dma_start3A_131 = tpu.memref_slice %arg7[%run_scoped3A_110, %dma_start3A_129, %dma_start3A_130] : memref<2x128x64xf32, #tpu.memory_space<vmem>> -> memref<1x128x64xf32, #tpu.memory_space<vmem>>
      %dma_start3A_132 = tpu.memref_squeeze %dma_start3A_131 : memref<1x128x64xf32, #tpu.memory_space<vmem>> -> memref<128x64xf32, #tpu.memory_space<vmem>>
      tpu.enqueue_dma source(%dma_start3A_132 : memref<128x64xf32, #tpu.memory_space<vmem>>) target(%dma_start3A_128 : memref<128x64xf32, #tpu.memory_space<hbm>>) target_semaphore(%run_scoped3A_120 : memref<!tpu.dma_semaphore, #tpu.memory_space<semaphore_mem>>)
      %dma_wait3A = arith.constant 0 : i32
      %dma_wait3A_133 = arith.constant 0 : i32
      %dma_wait3A_134 = tpu.memref_slice %arg7[%run_scoped3A_110, %dma_wait3A, %dma_wait3A_133] : memref<2x128x64xf32, #tpu.memory_space<vmem>> -> memref<1x128x64xf32, #tpu.memory_space<vmem>>
      %dma_wait3A_135 = tpu.memref_squeeze %dma_wait3A_134 : memref<1x128x64xf32, #tpu.memory_space<vmem>> -> memref<128x64xf32, #tpu.memory_space<vmem>>
      %dma_wait3A_136 = arith.constant 0 : i32
      %dma_wait3A_137 = tpu.memref_slice %arg5[%add3A_109, %dma_wait3A_136] : memref<20480x64xf32, #tpu.memory_space<hbm>> -> memref<128x64xf32, #tpu.memory_space<hbm>>
      %dma_wait3A_138 = arith.constant 0 : i32
      %dma_wait3A_139 = tpu.memref_slice %arg5[%add3A_109, %dma_wait3A_138] : memref<20480x64xf32, #tpu.memory_space<hbm>> -> memref<128x64xf32, #tpu.memory_space<hbm>>
      %dma_wait3A_140 = arith.constant 0 : i32
      %dma_wait3A_141 = arith.constant 0 : i32
      %dma_wait3A_142 = tpu.memref_slice %arg7[%run_scoped3A_110, %dma_wait3A_140, %dma_wait3A_141] : memref<2x128x64xf32, #tpu.memory_space<vmem>> -> memref<1x128x64xf32, #tpu.memory_space<vmem>>
      %dma_wait3A_143 = tpu.memref_squeeze %dma_wait3A_142 : memref<1x128x64xf32, #tpu.memory_space<vmem>> -> memref<128x64xf32, #tpu.memory_space<vmem>>
      tpu.wait_dma2 semaphore(%run_scoped3A_120 : memref<!tpu.dma_semaphore, #tpu.memory_space<semaphore_mem>>) src(%dma_wait3A_143 : memref<128x64xf32, #tpu.memory_space<vmem>>) dst(%dma_wait3A_139 : memref<128x64xf32, #tpu.memory_space<hbm>>)
      tpu.yield
    }) : () -> ()
    %add3A_111 = arith.constant 512 : i32
    %add3A_112 = arith.addi %mul3A_0, %add3A_111 : i32
    %run_scoped3A_113 = arith.constant 0 : i32
    "tpu.region"() ({
      %run_scoped3A_120 = tpu.sem_alloc : memref<!tpu.dma_semaphore, #tpu.memory_space<semaphore_mem>>
      %dma_start3A_121 = arith.constant 0 : i32
      %dma_start3A_122 = arith.constant 0 : i32
      %dma_start3A_123 = tpu.memref_slice %arg7[%run_scoped3A_113, %dma_start3A_121, %dma_start3A_122] : memref<2x128x64xf32, #tpu.memory_space<vmem>> -> memref<1x128x64xf32, #tpu.memory_space<vmem>>
      %dma_start3A_124 = tpu.memref_squeeze %dma_start3A_123 : memref<1x128x64xf32, #tpu.memory_space<vmem>> -> memref<128x64xf32, #tpu.memory_space<vmem>>
      %dma_start3A_125 = arith.constant 0 : i32
      %dma_start3A_126 = tpu.memref_slice %arg8[%add3A_112, %dma_start3A_125] : memref<10240x64xf32, #tpu.memory_space<vmem_shared>> -> memref<128x64xf32, #tpu.memory_space<vmem_shared>>
      %dma_start3A_127 = arith.constant 0 : i32
      %dma_start3A_128 = arith.constant 0 : i32
      %dma_start3A_129 = tpu.memref_slice %arg7[%run_scoped3A_113, %dma_start3A_127, %dma_start3A_128] : memref<2x128x64xf32, #tpu.memory_space<vmem>> -> memref<1x128x64xf32, #tpu.memory_space<vmem>>
      %dma_start3A_130 = tpu.memref_squeeze %dma_start3A_129 : memref<1x128x64xf32, #tpu.memory_space<vmem>> -> memref<128x64xf32, #tpu.memory_space<vmem>>
      %dma_start3A_131 = arith.constant 0 : i32
      %dma_start3A_132 = tpu.memref_slice %arg8[%add3A_112, %dma_start3A_131] : memref<10240x64xf32, #tpu.memory_space<vmem_shared>> -> memref<128x64xf32, #tpu.memory_space<vmem_shared>>
      tpu.enqueue_dma source(%dma_start3A_132 : memref<128x64xf32, #tpu.memory_space<vmem_shared>>) target(%dma_start3A_130 : memref<128x64xf32, #tpu.memory_space<vmem>>) target_semaphore(%run_scoped3A_120 : memref<!tpu.dma_semaphore, #tpu.memory_space<semaphore_mem>>)
      %dma_wait3A = arith.constant 0 : i32
      %dma_wait3A_133 = arith.constant 0 : i32
      %dma_wait3A_134 = tpu.memref_slice %arg7[%run_scoped3A_113, %dma_wait3A, %dma_wait3A_133] : memref<2x128x64xf32, #tpu.memory_space<vmem>> -> memref<1x128x64xf32, #tpu.memory_space<vmem>>
      %dma_wait3A_135 = tpu.memref_squeeze %dma_wait3A_134 : memref<1x128x64xf32, #tpu.memory_space<vmem>> -> memref<128x64xf32, #tpu.memory_space<vmem>>
      %dma_wait3A_136 = arith.constant 0 : i32
      %dma_wait3A_137 = tpu.memref_slice %arg8[%add3A_112, %dma_wait3A_136] : memref<10240x64xf32, #tpu.memory_space<vmem_shared>> -> memref<128x64xf32, #tpu.memory_space<vmem_shared>>
      %dma_wait3A_138 = arith.constant 0 : i32
      %dma_wait3A_139 = arith.constant 0 : i32
      %dma_wait3A_140 = tpu.memref_slice %arg7[%run_scoped3A_113, %dma_wait3A_138, %dma_wait3A_139] : memref<2x128x64xf32, #tpu.memory_space<vmem>> -> memref<1x128x64xf32, #tpu.memory_space<vmem>>
      %dma_wait3A_141 = tpu.memref_squeeze %dma_wait3A_140 : memref<1x128x64xf32, #tpu.memory_space<vmem>> -> memref<128x64xf32, #tpu.memory_space<vmem>>
      %dma_wait3A_142 = arith.constant 0 : i32
      %dma_wait3A_143 = tpu.memref_slice %arg8[%add3A_112, %dma_wait3A_142] : memref<10240x64xf32, #tpu.memory_space<vmem_shared>> -> memref<128x64xf32, #tpu.memory_space<vmem_shared>>
      tpu.wait_dma2 semaphore(%run_scoped3A_120 : memref<!tpu.dma_semaphore, #tpu.memory_space<semaphore_mem>>) src(%dma_wait3A_143 : memref<128x64xf32, #tpu.memory_space<vmem_shared>>) dst(%dma_wait3A_141 : memref<128x64xf32, #tpu.memory_space<vmem>>)
      tpu.yield
    }) : () -> ()
    %mul3A_114 = arith.constant 10240 : i32
    %mul3A_115 = arith.muli %arg0, %mul3A_114 : i32
    %add3A_116 = arith.addi %mul3A_115, %mul3A_0 : i32
    %add3A_117 = arith.constant 512 : i32
    %add3A_118 = arith.addi %add3A_116, %add3A_117 : i32
    %run_scoped3A_119 = arith.constant 0 : i32
    "tpu.region"() ({
      %run_scoped3A_120 = tpu.sem_alloc : memref<!tpu.dma_semaphore, #tpu.memory_space<semaphore_mem>>
      %dma_start3A_121 = arith.constant 0 : i32
      %dma_start3A_122 = arith.constant 0 : i32
      %dma_start3A_123 = tpu.memref_slice %arg7[%run_scoped3A_119, %dma_start3A_121, %dma_start3A_122] : memref<2x128x64xf32, #tpu.memory_space<vmem>> -> memref<1x128x64xf32, #tpu.memory_space<vmem>>
      %dma_start3A_124 = tpu.memref_squeeze %dma_start3A_123 : memref<1x128x64xf32, #tpu.memory_space<vmem>> -> memref<128x64xf32, #tpu.memory_space<vmem>>
      %dma_start3A_125 = arith.constant 0 : i32
      %dma_start3A_126 = tpu.memref_slice %arg5[%add3A_118, %dma_start3A_125] : memref<20480x64xf32, #tpu.memory_space<hbm>> -> memref<128x64xf32, #tpu.memory_space<hbm>>
      %dma_start3A_127 = arith.constant 0 : i32
      %dma_start3A_128 = tpu.memref_slice %arg5[%add3A_118, %dma_start3A_127] : memref<20480x64xf32, #tpu.memory_space<hbm>> -> memref<128x64xf32, #tpu.memory_space<hbm>>
      %dma_start3A_129 = arith.constant 0 : i32
      %dma_start3A_130 = arith.constant 0 : i32
      %dma_start3A_131 = tpu.memref_slice %arg7[%run_scoped3A_119, %dma_start3A_129, %dma_start3A_130] : memref<2x128x64xf32, #tpu.memory_space<vmem>> -> memref<1x128x64xf32, #tpu.memory_space<vmem>>
      %dma_start3A_132 = tpu.memref_squeeze %dma_start3A_131 : memref<1x128x64xf32, #tpu.memory_space<vmem>> -> memref<128x64xf32, #tpu.memory_space<vmem>>
      tpu.enqueue_dma source(%dma_start3A_132 : memref<128x64xf32, #tpu.memory_space<vmem>>) target(%dma_start3A_128 : memref<128x64xf32, #tpu.memory_space<hbm>>) target_semaphore(%run_scoped3A_120 : memref<!tpu.dma_semaphore, #tpu.memory_space<semaphore_mem>>)
      %dma_wait3A = arith.constant 0 : i32
      %dma_wait3A_133 = arith.constant 0 : i32
      %dma_wait3A_134 = tpu.memref_slice %arg7[%run_scoped3A_119, %dma_wait3A, %dma_wait3A_133] : memref<2x128x64xf32, #tpu.memory_space<vmem>> -> memref<1x128x64xf32, #tpu.memory_space<vmem>>
      %dma_wait3A_135 = tpu.memref_squeeze %dma_wait3A_134 : memref<1x128x64xf32, #tpu.memory_space<vmem>> -> memref<128x64xf32, #tpu.memory_space<vmem>>
      %dma_wait3A_136 = arith.constant 0 : i32
      %dma_wait3A_137 = tpu.memref_slice %arg5[%add3A_118, %dma_wait3A_136] : memref<20480x64xf32, #tpu.memory_space<hbm>> -> memref<128x64xf32, #tpu.memory_space<hbm>>
      %dma_wait3A_138 = arith.constant 0 : i32
      %dma_wait3A_139 = tpu.memref_slice %arg5[%add3A_118, %dma_wait3A_138] : memref<20480x64xf32, #tpu.memory_space<hbm>> -> memref<128x64xf32, #tpu.memory_space<hbm>>
      %dma_wait3A_140 = arith.constant 0 : i32
      %dma_wait3A_141 = arith.constant 0 : i32
      %dma_wait3A_142 = tpu.memref_slice %arg7[%run_scoped3A_119, %dma_wait3A_140, %dma_wait3A_141] : memref<2x128x64xf32, #tpu.memory_space<vmem>> -> memref<1x128x64xf32, #tpu.memory_space<vmem>>
      %dma_wait3A_143 = tpu.memref_squeeze %dma_wait3A_142 : memref<1x128x64xf32, #tpu.memory_space<vmem>> -> memref<128x64xf32, #tpu.memory_space<vmem>>
      tpu.wait_dma2 semaphore(%run_scoped3A_120 : memref<!tpu.dma_semaphore, #tpu.memory_space<semaphore_mem>>) src(%dma_wait3A_143 : memref<128x64xf32, #tpu.memory_space<vmem>>) dst(%dma_wait3A_139 : memref<128x64xf32, #tpu.memory_space<hbm>>)
      tpu.yield
    }) : () -> ()
    return
  }
}

module attributes {stable_mosaic.version = 14 : i64} {
  func.func @_mm_body(%arg0: i32, %arg1: memref<512x256xf32, #tpu.memory_space<vmem>>, %arg2: memref<2x512x128xf32, #tpu.memory_space<vmem>>, %arg3: memref<512x512xf32, #tpu.memory_space<vmem>>, %arg4: memref<1024x128xf32, #tpu.memory_space<vmem>>, %arg5: memref<2x512x64xf32, #tpu.memory_space<vmem>>, %arg6: memref<2x512x64xf32, #tpu.memory_space<vmem>>) attributes {dimension_semantics = [#tpu.dimension_semantics<arbitrary>], iteration_bounds = array<i64: 20>, scalar_prefetch = 0 : i64, scratch_operands = 0 : i64, tpu.core_type = #tpu.core_type<tc>, window_params = [{transform_indices = @transform_0, window_bounds = array<i64: 512, 256>}, {transform_indices = @transform_1, window_bounds = array<i64: 2, 512, 128>}, {pipeline_mode = #tpu.pipeline_mode<synchronous>, transform_indices = @transform_2, window_bounds = array<i64: 512, 512>}, {pipeline_mode = #tpu.pipeline_mode<synchronous>, transform_indices = @transform_3, window_bounds = array<i64: 1024, 128>}, {transform_indices = @transform_4, window_bounds = array<i64: 2, 512, 64>}, {transform_indices = @transform_5, window_bounds = array<i64: 2, 512, 64>}]} {
    %get3A = arith.constant 0 : index
    %get3A_0 = arith.constant 0 : index
    %get3A_1 = vector.load %arg1[%get3A, %get3A_0] : memref<512x256xf32, #tpu.memory_space<vmem>>, vector<512x256xf32>
    %get3A_2 = arith.constant 0 : index
    %get3A_3 = arith.constant 0 : index
    %get3A_4 = arith.constant 0 : index
    %get3A_5 = vector.load %arg2[%get3A_2, %get3A_3, %get3A_4] : memref<2x512x128xf32, #tpu.memory_space<vmem>>, vector<1x512x128xf32>
    %get3A_6 = vector.shape_cast %get3A_5 : vector<1x512x128xf32> to vector<512x128xf32>
    %get3A_7 = arith.constant 1 : index
    %get3A_8 = arith.constant 0 : index
    %get3A_9 = arith.constant 0 : index
    %get3A_10 = vector.load %arg2[%get3A_7, %get3A_8, %get3A_9] : memref<2x512x128xf32, #tpu.memory_space<vmem>>, vector<1x512x128xf32>
    %get3A_11 = vector.shape_cast %get3A_10 : vector<1x512x128xf32> to vector<512x128xf32>
    %concatenate3A = tpu.concatenate %get3A_1, %get3A_6, %get3A_11 in 1 : vector<512x256xf32>, vector<512x128xf32>, vector<512x128xf32> -> vector<512x512xf32>
    %get3A_12 = arith.constant 0 : index
    %get3A_13 = arith.constant 0 : index
    %get3A_14 = vector.load %arg3[%get3A_12, %get3A_13] : memref<512x512xf32, #tpu.memory_space<vmem>>, vector<512x512xf32>
    %dot_general3A = arith.constant dense<0.000000e+00> : vector<512x512xf32>
    %dot_general3A_15 = tpu.matmul %concatenate3A, %get3A_14, %dot_general3A {dimension_numbers = #tpu.dot_dimension_numbers<[1], [0], [0], [1], [0, 0, 1, 1], [], []>, transpose_lhs_hint = false} : vector<512x512xf32>, vector<512x512xf32>, vector<512x512xf32> -> vector<512x512xf32>
    %max3A = arith.constant 0.000000e+00 : f32
    %max3A_16 = vector.broadcast %max3A : f32 to vector<512x512xf32>
    %max3A_17 = arith.maximumf %dot_general3A_15, %max3A_16 : vector<512x512xf32>
    %get3A_18 = arith.constant 0 : index
    %get3A_19 = arith.constant 0 : index
    %get3A_20 = vector.load %arg4[%get3A_18, %get3A_19] : memref<1024x128xf32, #tpu.memory_space<vmem>>, vector<1024x128xf32>
    %slice3A = vector.extract_strided_slice %get3A_20 {offsets = [0, 0], sizes = [512, 128], strides = [1, 1]} : vector<1024x128xf32> to vector<512x128xf32>
    %dot_general3A_21 = arith.constant dense<0.000000e+00> : vector<512x128xf32>
    %dot_general3A_22 = tpu.matmul %max3A_17, %slice3A, %dot_general3A_21 {dimension_numbers = #tpu.dot_dimension_numbers<[1], [0], [0], [1], [0, 0, 1, 1], [], []>, transpose_lhs_hint = false} : vector<512x512xf32>, vector<512x128xf32>, vector<512x128xf32> -> vector<512x128xf32>
    %slice3A_23 = vector.extract_strided_slice %get3A_20 {offsets = [512, 0], sizes = [512, 128], strides = [1, 1]} : vector<1024x128xf32> to vector<512x128xf32>
    %dot_general3A_24 = arith.constant dense<0.000000e+00> : vector<512x128xf32>
    %dot_general3A_25 = tpu.matmul %max3A_17, %slice3A_23, %dot_general3A_24 {dimension_numbers = #tpu.dot_dimension_numbers<[1], [0], [0], [1], [0, 0, 1, 1], [], []>, transpose_lhs_hint = false} : vector<512x512xf32>, vector<512x128xf32>, vector<512x128xf32> -> vector<512x128xf32>
    %slice3A_26 = vector.extract_strided_slice %dot_general3A_25 {offsets = [0, 0], sizes = [512, 64], strides = [1, 1]} : vector<512x128xf32> to vector<512x64xf32>
    %swap3A = arith.constant 0 : index
    %swap3A_27 = arith.constant 0 : index
    %swap3A_28 = arith.constant 0 : index
    %swap3A_29 = vector.load %arg5[%swap3A, %swap3A_27, %swap3A_28] : memref<2x512x64xf32, #tpu.memory_space<vmem>>, vector<1x512x64xf32>
    %swap3A_30 = vector.shape_cast %swap3A_29 : vector<1x512x64xf32> to vector<512x64xf32>
    %swap3A_31 = vector.shape_cast %slice3A_26 : vector<512x64xf32> to vector<1x512x64xf32>
    tpu.vector_store %arg5[%swap3A, %swap3A_27, %swap3A_28], %swap3A_31 {strides = array<i32>} : memref<2x512x64xf32, #tpu.memory_space<vmem>>, vector<1x512x64xf32>,
    %slice3A_32 = vector.extract_strided_slice %dot_general3A_25 {offsets = [0, 64], sizes = [512, 64], strides = [1, 1]} : vector<512x128xf32> to vector<512x64xf32>
    %swap3A_33 = arith.constant 1 : index
    %swap3A_34 = arith.constant 0 : index
    %swap3A_35 = arith.constant 0 : index
    %swap3A_36 = vector.load %arg5[%swap3A_33, %swap3A_34, %swap3A_35] : memref<2x512x64xf32, #tpu.memory_space<vmem>>, vector<1x512x64xf32>
    %swap3A_37 = vector.shape_cast %swap3A_36 : vector<1x512x64xf32> to vector<512x64xf32>
    %swap3A_38 = vector.shape_cast %slice3A_32 : vector<512x64xf32> to vector<1x512x64xf32>
    tpu.vector_store %arg5[%swap3A_33, %swap3A_34, %swap3A_35], %swap3A_38 {strides = array<i32>} : memref<2x512x64xf32, #tpu.memory_space<vmem>>, vector<1x512x64xf32>,
    %slice3A_39 = vector.extract_strided_slice %dot_general3A_22 {offsets = [0, 0], sizes = [512, 64], strides = [1, 1]} : vector<512x128xf32> to vector<512x64xf32>
    %swap3A_40 = arith.constant 0 : index
    %swap3A_41 = arith.constant 0 : index
    %swap3A_42 = arith.constant 0 : index
    %swap3A_43 = vector.load %arg6[%swap3A_40, %swap3A_41, %swap3A_42] : memref<2x512x64xf32, #tpu.memory_space<vmem>>, vector<1x512x64xf32>
    %swap3A_44 = vector.shape_cast %swap3A_43 : vector<1x512x64xf32> to vector<512x64xf32>
    %swap3A_45 = vector.shape_cast %slice3A_39 : vector<512x64xf32> to vector<1x512x64xf32>
    tpu.vector_store %arg6[%swap3A_40, %swap3A_41, %swap3A_42], %swap3A_45 {strides = array<i32>} : memref<2x512x64xf32, #tpu.memory_space<vmem>>, vector<1x512x64xf32>,
    %slice3A_46 = vector.extract_strided_slice %dot_general3A_22 {offsets = [0, 64], sizes = [512, 64], strides = [1, 1]} : vector<512x128xf32> to vector<512x64xf32>
    %swap3A_47 = arith.constant 1 : index
    %swap3A_48 = arith.constant 0 : index
    %swap3A_49 = arith.constant 0 : index
    %swap3A_50 = vector.load %arg6[%swap3A_47, %swap3A_48, %swap3A_49] : memref<2x512x64xf32, #tpu.memory_space<vmem>>, vector<1x512x64xf32>
    %swap3A_51 = vector.shape_cast %swap3A_50 : vector<1x512x64xf32> to vector<512x64xf32>
    %swap3A_52 = vector.shape_cast %slice3A_46 : vector<512x64xf32> to vector<1x512x64xf32>
    tpu.vector_store %arg6[%swap3A_47, %swap3A_48, %swap3A_49], %swap3A_52 {strides = array<i32>} : memref<2x512x64xf32, #tpu.memory_space<vmem>>, vector<1x512x64xf32>,
    return
  }
  func.func @transform_0(%arg0: i32) -> (i32, i32) {
    %c0_i32 = arith.constant 0 : i32
    %c0_i32_0 = arith.constant 0 : i32
    return %arg0, %c0_i32 : i32, i32
  }
  func.func @transform_1(%arg0: i32) -> (i32, i32, i32) {
    %c0_i32 = arith.constant 0 : i32
    %c0_i32_0 = arith.constant 0 : i32
    %c0_i32_1 = arith.constant 0 : i32
    return %c0_i32, %arg0, %c0_i32_0 : i32, i32, i32
  }
  func.func @transform_2(%arg0: i32) -> (i32, i32) {
    %c0_i32 = arith.constant 0 : i32
    %c0_i32_0 = arith.constant 0 : i32
    %c0_i32_1 = arith.constant 0 : i32
    return %c0_i32, %c0_i32_0 : i32, i32
  }
  func.func @transform_3(%arg0: i32) -> (i32, i32) {
    %c0_i32 = arith.constant 0 : i32
    %c0_i32_0 = arith.constant 0 : i32
    %c0_i32_1 = arith.constant 0 : i32
    return %c0_i32, %c0_i32_0 : i32, i32
  }
  func.func @transform_4(%arg0: i32) -> (i32, i32, i32) {
    %c0_i32 = arith.constant 0 : i32
    %c0_i32_0 = arith.constant 0 : i32
    %c0_i32_1 = arith.constant 0 : i32
    return %c0_i32, %arg0, %c0_i32_0 : i32, i32, i32
  }
  func.func @transform_5(%arg0: i32) -> (i32, i32, i32) {
    %c0_i32 = arith.constant 0 : i32
    %c0_i32_0 = arith.constant 0 : i32
    %c0_i32_1 = arith.constant 0 : i32
    return %c0_i32, %arg0, %c0_i32_0 : i32, i32, i32
  }
}

</mosaic_0001>

<sc_bundles>
// kernel: kernel.5.cloned.1.call-start
scs
__scs_entry_jumppad:
0x0: {  	(pc) =	sbr.rel $0x88, $3  }
0x1: {  	(tag) =	ssettag $0x0;
	lr =	simm.s32 $0x1  }
0x2: {  	[smem:$0x3F9D] =	sst lr;
	_ =	strace $0xD0000000  }
0x3: {  	_ = 	snop  }
0x4: {  	_ = 	snop  }
0x5: {  	_ = 	snop  }
0x6: {  	_ = 	snop  }
0x7: {  	_ = 	snop  }
__scs_overlays_trampoline_lowered:
0x8: {  	[smem:$0x3FAC] =	sst s0  }
0x9: {  	[smem:$0x3FAD] =	sst s1  }
0xa: {  	[smem:$0x3FAE] =	sst s2  }
0xb: {  	[smem:$0x3FAF] =	sst s3  }
0xc: {  	[smem:$0x3FB0] =	sst s4  }
0xd: {  	[smem:$0x3FB1] =	sst s5  }
0xe: {  	[smem:$0x3FB2] =	sst s6  }
0xf: {  	[smem:$0x3FB3] =	sst s7  }
0x10: {  	[smem:$0x3FB4] =	sst s8  }
0x11: {  	[smem:$0x3FB5] =	sst s9;
	s0 =	simm.s32 @!p0 $0x0  }
0x12: {  	s1 =	sld [smem:$0x3F9B];
	s0 =	simm.s32 @p0 $0x1  }
0x13: {  	[smem:$0x3FB6] =	sst s0;
	s0 =	simm.s32 @!p1 $0x0  }
0x14: {  	s2 =	sld [smem:$0x3F9A];
	s0 =	simm.s32 @p1 $0x1  }
0x15: {  	[smem:$0x3FB7] =	sst s0;
	s0 =	simm.s32 @!p2 $0x0  }
0x16: {  	s3 =	sld [smem:$0x3FDB];
	s0 =	simm.s32 @p2 $0x1  }
0x17: {  	s4 =	simm.s32 $0x1BF5;
	[smem:$0x3FB9] =	sst s0  }
0x18: {  	s0 =	sld [smem:$0x3F9C];
	_ =	swait.ge [sflag:s4], $0x0  }
0x19: {  	s7 =	sld [smem:$0x3F9D]  }
0x1a: {  	s8 =	sadd.s32 $0xFFFFE003, lr  }
0x1b: {  	s9 =	sadd.s32 $0xFFFFFEF7, lr;
	s5 =	simm.s32 $0xFFFFFFFF;
	p2 =	slt.u32 s8, $0xFFFFF086  }
0x1c: {  	p1 =	slt.u32 s9, $0xF7A;
	s5 =	simm.s32 @!p2 $0x0  }
0x1d: {  	s5 =	simm.s32 @p1 $0x1;
	p0 =	seq.s32 s7, s2  }
0x1e: {  	s7 =	smul.u32 @!p0 $0xF7A, s2;
	p2 =	seq.s32 @!p0 s5, $0x0  }
0x1f: {  	s9 =	smul.u32 $0xF7A, s1;
	s8 =	simm.s32 @!p0 $0x1BF5;
	p2 =	por !p2, p0  }
0x20: {  	[sflag:s8] =	ssyncset.s32 @!p0 $0xFFFFF086;
	s6 =	sadd.s32 @!p0 s3, s7;
	s7 =	simm.s32 @!p0 $0x108  }
0x21: {  	s3 =	sadd.s32 s3, s9;
	s6 =	sadd.s32 @!p0 $0x88, s6;
	s7 =	simm.s32 @p2 $0x1082  }
0x22: {  	[simem:s7], [sflag:s8] =	dma.local @!p0 [hbm:s6], $0xF7A  }
0x23: {  	s9 =	sor.u32 $0xD0000000, s2;
	s6 =	simm.s32 $0x108;
	_ =	swait.ge @!p0 [sflag:s8], $0x0  }
0x24: {  	s3 =	sadd.s32 $0x88, s3;
	s6 =	simm.s32 @!p1 $0x1082;
	[sflag:s4] =	ssyncset.s32 $0xFFFFF086  }
0x25: {  	[simem:s6], [sflag:s4] =	dma.local [hbm:s3], $0xF7A  }
0x26: {  	[smem:$0x3F9D] =	sst s1;
	(tag) =	ssettag s2;
	_ =	strace s9  }
0x27: {  	s1 =	sld [smem:$0x3FAD]  }
0x28: {  	s2 =	sld [smem:$0x3FAE]  }
0x29: {  	s4 =	sld [smem:$0x3FB0]  }
0x2a: {  	p0 =	seq.s32 s5, $0x0;
	s5 =	sld [smem:$0x3FB1]  }
0x2b: {  	s6 =	sld [smem:$0x3FB2]  }
0x2c: {  	s7 =	sld [smem:$0x3FB3]  }
0x2d: {  	s3 =	simm.s32 $0x108;
	s8 =	sld [smem:$0x3FB4]  }
0x2e: {  	s3 =	simm.s32 @!p0 $0x1082;
	s9 =	sld [smem:$0x3FB5]  }
0x2f: {  	lr =	sadd.s32 s0, s3;
	s0 =	sld [smem:$0x3FAC]  }
0x30: {  	s3 =	sld [smem:$0x3FAF]  }
0x31: {  	[smem:$0x3FB8] =	sst s10  }
0x32: {  	s10 =	sld [smem:$0x3FB6];
	_ =	sdelay $0x3  }
0x33: {  	p0 =	seq.s32 s10, $0x1;
	s10 =	sld [smem:$0x3FB8];
	_ =	sdelay $0x3  }
0x34: {  	[smem:$0x3FB8] =	sst s10  }
0x35: {  	s10 =	sld [smem:$0x3FB7];
	_ =	sdelay $0x3  }
0x36: {  	p1 =	seq.s32 s10, $0x1;
	s10 =	sld [smem:$0x3FB8];
	_ =	sdelay $0x3  }
0x37: {  	[smem:$0x3FB8] =	sst s10  }
0x38: {  	s10 =	sld [smem:$0x3FB9]  }
0x39: {  	_ = 	snop;
	(pc) =	sbr.ind lr, $3  }
0x3a: {  	_ = 	snop  }
0x3b: {  	_ = 	snop  }
0x3c: {  	p2 =	seq.s32 s10, $0x1;
	s10 =	sld [smem:$0x3FB8]  }
0x3d: {  	_ =	shalt  }
0x3e: {  	_ =	shalt  }
0x3f: {  	_ =	shalt  }
0x40: {  	_ =	shalt  }
0x41: {  	_ =	shalt  }
0x42: {  	_ =	shalt  }
0x43: {  	_ =	shalt  }
0x44: {  	_ =	shalt  }
0x45: {  	_ =	shalt  }
0x46: {  	_ =	shalt  }
0x47: {  	_ =	shalt  }
0x48: {  	_ =	shalt  }
0x49: {  	_ =	shalt  }
0x4a: {  	_ =	shalt  }
0x4b: {  	_ =	shalt  }
0x4c: {  	_ =	shalt  }
0x4d: {  	_ =	shalt  }
0x4e: {  	_ =	shalt  }
0x4f: {  	_ =	shalt  }
0x50: {  	_ =	shalt  }
0x51: {  	_ =	shalt  }
0x52: {  	_ =	shalt  }
0x53: {  	_ =	shalt  }
0x54: {  	_ =	shalt  }
0x55: {  	_ =	shalt  }
0x56: {  	_ =	shalt  }
0x57: {  	_ =	shalt  }
0x58: {  	_ =	shalt  }
0x59: {  	_ =	shalt  }
0x5a: {  	_ =	shalt  }
0x5b: {  	_ =	shalt  }
0x5c: {  	_ =	shalt  }
0x5d: {  	_ =	shalt  }
0x5e: {  	_ =	shalt  }
0x5f: {  	_ =	shalt  }
0x60: {  	_ =	shalt  }
0x61: {  	_ =	shalt  }
0x62: {  	_ =	shalt  }
0x63: {  	_ =	shalt  }
0x64: {  	_ =	shalt  }
0x65: {  	_ =	shalt  }
0x66: {  	_ =	shalt  }
0x67: {  	_ =	shalt  }
0x68: {  	_ =	shalt  }
0x69: {  	_ =	shalt  }
0x6a: {  	_ =	shalt  }
0x6b: {  	_ =	shalt  }
0x6c: {  	_ =	shalt  }
0x6d: {  	_ =	shalt  }
0x6e: {  	_ =	shalt  }
0x6f: {  	_ =	shalt  }
0x70: {  	_ =	shalt  }
0x71: {  	_ =	shalt  }
0x72: {  	_ =	shalt  }
0x73: {  	_ =	shalt  }
0x74: {  	_ =	shalt  }
0x75: {  	_ =	shalt  }
0x76: {  	_ =	shalt  }
0x77: {  	_ =	shalt  }
0x78: {  	_ =	shalt  }
0x79: {  	_ =	shalt  }
0x7a: {  	_ =	shalt  }
0x7b: {  	_ =	shalt  }
0x7c: {  	_ =	shalt  }
0x7d: {  	_ =	shalt  }
0x7e: {  	_ =	shalt  }
0x7f: {  	_ =	shalt  }
0x80: {  	_ =	shalt  }
0x81: {  	_ =	shalt  }
0x82: {  	_ =	shalt  }
0x83: {  	_ =	shalt  }
0x84: {  	_ =	shalt  }
0x85: {  	_ =	shalt  }
0x86: {  	_ =	shalt  }
0x87: {  	_ =	shalt  }
.Lfunc_end0:
.L_simem_size_0:
called_computation_lowered:
.L_overlay_start_0:
0x88: {  	s2 =	sld [smem:$0x3FD9]  }
0x89: {  	s3 =	sld [smem:$0x3FFE];
	_ =	sdelay $0x1  }
0x8a: {  	s1 =	srdreg.scid  }
0x8b: {  	s0 =	sand.u32 $0x1, s1  }
0x8c: {  	s17 =	sshll.u32 s0, $0xA;
	s2 =	sadd.s32 s3, s2  }
0x8d: {  	s2 =	sadd.s32 s2, s17  }
0x8e: {  	[smem:$0x3FC4] =	sst s2  }
0x8f: {  	_ = 	snop  }
0x90: {  	s2 =	sld [smem:$0x3FD0];
	(tm) =	ssettm $0x1  }
0x91: {  	s18 =	sld [smem:$0x3FFB];
	_ =	sdelay $0x3  }
0x92: {  	_ =	strace s18  }
0x93: {  	s3 =	sld [smem:$0x3FFC];
	_ =	sdelay $0x3  }
0x94: {  	_ =	strace s3  }
0x95: {  	s3 =	sld [smem:$0x3FFD];
	_ =	sdelay $0x3  }
0x96: {  	_ =	strace s3  }
0x97: {  	_ =	strace $0x8FFFFFFF  }
0x98: {  	s19 =	sld [smem:$0x3FDB];
	_ =	sdelay $0x1  }
0x99: {  	s4 =	simm.s32 $_scs_section_size  }
0x9a: {  	s5 =	simm.s32 $_size__tile_overlayer_lowered;
	s6 =	simm.s32 $_tile_overlayer_lowered  }
0x9b: {  	s22 =	simm.s32 $0x1BFF;
	s21 =	sshll.u32 s6, $0x1;
	s3 =	sadd.s32 s4, s19  }
0x9c: {  	s7 =	simm.s32 $0x0;
	s20 =	sshll.u32 s5, $0x1;
	s5 =	sadd.s32 s21, s3  }
0x9d: {  	[timem:s7], [sflag:s22] =	dma.local [hbm:s5], s20  }
0x9e: {  	_ =	swait.ge [sflag:s22], s20  }
0x9f: {  	s4 =	ssub.s32 $0x0, s20;
	[sflag:s22] =	ssyncset.done $0x0  }
0xa0: {  	[sflag:s22] =	ssyncadd.s32 s4;
	_ =	sdelay $0x1  }
0xa1: {  	s23 =	simm.s32 $0x1B8B  }
0xa2: {  	_ =	swait.ge [sflag:s23], $0x1  }
0xa3: {  	[sflag:s23] =	ssyncset.done $0x0  }
0xa4: {  	s25 =	simm.s32 $0x1B8E;
	s24 =	sld [smem:$0x3FFE];
	[sflag:s23] =	ssyncadd.s32 $0xFFFFFFFF  }
0xa5: {  	s26 =	simm.s32 $execute0_lowered;
	[smem:$0x3FD2] =	sst s25  }
0xa6: {  	s5 =	sshll.u32 s26, $0x1;
	_ =	strace $0x80000046;
	[dreg:$0x1] =	wrdreg $0xFFFFFFFF  }
0xa7: {  	s28 =	simm.s32 $_size_execute0_lowered;
	s3 =	sadd.s32 s3, s5;
	[dreg:$0x0] =	wrdreg $0x0  }
0xa8: {  	s5 =	sshll.u32 s28, $0x1;
	[dreg:$0x2] =	wrdreg s3  }
0xa9: {  	[dreg:$0x3] =	wrdreg s5  }
0xaa: {  	[dreg:$0x4] =	wrdreg $0xC0  }
0xab: {  	_ =	task [dreg:s7], $0x5FFFF  }
0xac: {  	[dreg:$0x1] =	wrdreg $0xFFFFFFFF  }
0xad: {  	[dreg:$0x0] =	wrdreg $0x60  }
0xae: {  	[dreg:$0x2] =	wrdreg s24  }
0xaf: {  	[dreg:$0x3] =	wrdreg s2  }
0xb0: {  	[dreg:$0x4] =	wrdreg $0x82000  }
0xb1: {  	[dreg:$0x5] =	wrdreg $0x9  }
0xb2: {  	_ =	task.clear_ibuf [dreg:s7], $0x6FFFF;
	_ =	strace $0x90000046  }
0xb3: {  	s29 =	simm.s32 $0x9;
	_ =	strace $0x80000048  }
0xb4: {  	_ =	swait.ge [sflag:s29], $0x1  }
0xb5: {  	[sflag:s29] =	ssyncadd.s32 $0xFFFFFFFF  }
0xb6: {  	_ =	strace $0x90000048  }
0xb7: {  	_ =	sfence  }
0xb8: {  	s30 =	sld [smem:$0x0];
	_ =	sdelay $0x2  }
0xb9: {  	s31 =	sshll.u32 s1, $0xD;
	s1 =	sshrl.u32 s1, $0x2  }
0xba: {  	s3 =	sand.u32 $0x4000, s31;
	s1 =	sadd.s32 s1, s30  }
0xbb: {  	s0 =	sor.u32 s3, s0;
	s1 =	sshll.u32 s1, $0x11  }
0xbc: {  	s0 =	sor.u32 s1, s0  }
0xbd: {  	s0 =	sadd.s32 $0x8F2B, s0  }
0xbe: {  	[sflag:s0] =	ssyncadd.remote.s32 $0x1  }
0xbf: {  	_ =	sfence.sel $0xFFFF  }
0xc0: {  	[dreg:$0x0] =	wrdreg $0xFFFFFFFF;
	(pc) =	sbr.abs _section_cstart, $3  }
0xc1: {  	[dreg:$0x1] =	wrdreg $0xFFFFFFFF  }
0xc2: {  	_ =	task.clear_ibuf [dreg:s7], $0x2FFFF;
	_ =	strace $0x9FFFFFFF  }
0xc3: {  	(tm) =	ssettm $0x7FFFFFFF  }
tec
execute0_lowered:
.L_overlay_start_1:
0x0: {  	(tag) =	ssettag $0x1  }
0x1: {  	s0 =	rddreg [dreg:$0x0]  }
0x2: {  	s1 =	rddreg [dreg:$0x1]  }
0x3: {  	s2 =	rddreg [dreg:$0x2]  }
0x4: {  	s4 =	srdreg.scid;
	s11 =	stileid.u32;
	s3 =	simm.s32 $0x0  }
0x5: {  	s28 =	simm.s32 $0x80;
	s29 =	simm.s32 $0x100;
	s30 =	simm.s32 $0x4200  }
0x6: {  	s31 =	simm.s32 $0x1;
	s5 =	sand.u32 $0x1, s4;
	s6 =	smul.u32 $0x280, s11  }
0x7: {  	[smem:$0x7FF] =	sst s3;
	s4 =	sadd.s32 $0x1800, s0;
	s24 =	smul.u32 $0x50000, s11  }
0x8: {  	s13 =	sadd.s32 $0x51800, s0;
	s0 =	sadd.s32 $0xA1800, s0;
	s17 =	smul.u32 $0x50, s11  }
0x9: {  	s7 =	smul.u32 $0x2800, s5;
	_ =	strace $0x80000047;
	s8 =	ssub.s32 $0x2, s5  }
0xa: {  	s20 =	sshll.u32 s5, $0x4;
	s5 =	smul.u32 $0x500, s5;
	s9 =	sshrl.u32 s8, $0x1  }
0xb: {  	s25 =	sshrl.u32 s24, $0x2;
	s10 =	sor.u32 s11, s20;
	s6 =	sadd.s32 s6, s7  }
0xc: {  	s21 =	ssub.s32 s8, s9;
	s15 =	smul.u32 $0xA00, s10;
	s5 =	sadd.s32 s17, s5  }
0xd: {  	s16 =	sshll.u32 s6, $0x4;
	s5 =	sshll.u32 s5, $0x5;
	s21 =	smax.u32 s21, $0x1  }
0xe: {  	s6 =	sadd.s32 s13, s16;
	s26 =	sadd.s32 $0x800, s16;
	s18 =	sadd.s32 $0x1000, s16  }
0xf: {  	s19 =	sadd.s32 $0x1800, s16;
	s20 =	sadd.s32 $0x2000, s16;
	s15 =	sadd.s32 s1, s15  }
0x10: {  	s16 =	sadd.s32 s0, s16;
	[dreg:$0x4] =	wrdreg s6;
	s6 =	sadd.s32 s25, s2  }
0x11: {  	s22 =	sadd.s32 s13, s26;
	s23 =	sadd.s32 s13, s18;
	s24 =	sadd.s32 s13, s19  }
0x12: {  	s25 =	sadd.s32 s13, s20;
	s17 =	sadd.s32 s0, s26;
	s18 =	sadd.s32 s0, s18  }
0x13: {  	s19 =	sadd.s32 s0, s19;
	s20 =	sadd.s32 s0, s20;
	[dreg:$0x5] =	wrdreg s22  }
0x14: {  	s26 =	sadd.s32 s5, s1;
	s0 =	simm.s32 $0x180;
	[dreg:$0x6] =	wrdreg s23  }
0x15: {  	s1 =	simm.s32 $0x0;
	s8 =	sadd.s32 $0x4000, s6;
	[dreg:$0x7] =	wrdreg s24  }
0x16: {  	s10 =	sadd.s32 $0x8000, s6;
	s12 =	sadd.s32 $0xC000, s6;
	[dreg:$0x8] =	wrdreg s25  }
0x17: {  	s14 =	sadd.s32 $0x10000, s6;
	s22 =	sadd.s32 $0x9E0, s15;
	s23 =	sadd.s32 $0x40, s26  }
0x18: {  	s24 =	sadd.s32 $0x20, s26;
	s25 =	simm.s32 $0x200;
	s26 =	simm.s32 $0x2  }
.LBB2_1:
0x19: {  	s5 =	rddreg [dreg:$0x4]  }
0x1a: {  	[tilespmem:s25], [sflag:$0x2] =	stream.linear.gather [hbm4b:s5+s3], $0x4000, $0x38;
	[tilespmem:$0x1C200] =	vst v63  }
0x1b: {  	_ =	swait.ge [sflag:s26], $0x4000  }
0x1c: {  	[sflag:s26] =	ssyncset.done $0x0  }
0x1d: {  	[sflag:s26] =	ssyncadd.s32 $0xFFFFC000  }
0x1e: {  	[spmem:s6] =	stream.linear.scatter [tilespmem:s25], [sflag:$0x2], $0x4000, $0x38;
	[tilespmem:$0x1C200] =	vst v63  }
0x1f: {  	_ =	swait.ge [sflag:s26], $0x4000  }
0x20: {  	[sflag:s26] =	ssyncset.done $0x0  }
0x21: {  	s11 =	rddreg [dreg:$0x5];
	[sflag:s26] =	ssyncadd.s32 $0xFFFFC000  }
0x22: {  	[tilespmem:s25], [sflag:$0x2] =	stream.linear.gather [hbm4b:s11+s3], $0x4000, $0x38;
	[tilespmem:$0x1C200] =	vst v63  }
0x23: {  	_ =	swait.ge [sflag:s26], $0x4000  }
0x24: {  	[sflag:s26] =	ssyncset.done $0x0  }
0x25: {  	[sflag:s26] =	ssyncadd.s32 $0xFFFFC000  }
0x26: {  	[spmem:s8] =	stream.linear.scatter [tilespmem:s25], [sflag:$0x2], $0x4000, $0x38;
	[tilespmem:$0x1C200] =	vst v63  }
0x27: {  	_ =	swait.ge [sflag:s26], $0x4000  }
0x28: {  	[sflag:s26] =	ssyncset.done $0x0  }
0x29: {  	s13 =	rddreg [dreg:$0x6];
	[sflag:s26] =	ssyncadd.s32 $0xFFFFC000  }
0x2a: {  	[tilespmem:s25], [sflag:$0x2] =	stream.linear.gather [hbm4b:s13+s3], $0x4000, $0x38;
	[tilespmem:$0x1C200] =	vst v63  }
0x2b: {  	_ =	swait.ge [sflag:s26], $0x4000  }
0x2c: {  	[sflag:s26] =	ssyncset.done $0x0  }
0x2d: {  	[sflag:s26] =	ssyncadd.s32 $0xFFFFC000  }
0x2e: {  	[spmem:s10] =	stream.linear.scatter [tilespmem:s25], [sflag:$0x2], $0x4000, $0x38;
	[tilespmem:$0x1C200] =	vst v63  }
0x2f: {  	_ =	swait.ge [sflag:s26], $0x4000  }
0x30: {  	[sflag:s26] =	ssyncset.done $0x0  }
0x31: {  	s7 =	rddreg [dreg:$0x7];
	[sflag:s26] =	ssyncadd.s32 $0xFFFFC000  }
0x32: {  	[tilespmem:s25], [sflag:$0x2] =	stream.linear.gather [hbm4b:s7+s3], $0x4000, $0x38;
	[tilespmem:$0x1C200] =	vst v63  }
0x33: {  	_ =	swait.ge [sflag:s26], $0x4000  }
0x34: {  	[sflag:s26] =	ssyncset.done $0x0  }
0x35: {  	[sflag:s26] =	ssyncadd.s32 $0xFFFFC000  }
0x36: {  	[spmem:s12] =	stream.linear.scatter [tilespmem:s25], [sflag:$0x2], $0x4000, $0x38;
	[tilespmem:$0x1C200] =	vst v63  }
0x37: {  	_ =	swait.ge [sflag:s26], $0x4000  }
0x38: {  	[sflag:s26] =	ssyncset.done $0x0  }
0x39: {  	s9 =	rddreg [dreg:$0x8];
	[sflag:s26] =	ssyncadd.s32 $0xFFFFC000  }
0x3a: {  	[tilespmem:s25], [sflag:$0x2] =	stream.linear.gather [hbm4b:s9+s3], $0x4000, $0x38;
	[tilespmem:$0x1C200] =	vst v63  }
0x3b: {  	_ =	swait.ge [sflag:s26], $0x4000  }
0x3c: {  	[sflag:s26] =	ssyncset.done $0x0  }
0x3d: {  	[sflag:s26] =	ssyncadd.s32 $0xFFFFC000  }
0x3e: {  	[spmem:s14] =	stream.linear.scatter [tilespmem:s25], [sflag:$0x2], $0x4000, $0x38;
	[tilespmem:$0x1C200] =	vst v63  }
0x3f: {  	_ =	swait.ge [sflag:s26], $0x4000  }
0x40: {  	[sflag:s26] =	ssyncset.done $0x0  }
0x41: {  	[sflag:s26] =	ssyncadd.s32 $0xFFFFC000  }
0x42: {  	[bflag:$0x0] =	sbarrier.arrive $0xFFFF  }
0x43: {  	[tilespmem:s3], [sflag:$0x2] =	stream.linear.gather [hbm4b:s15+s3], $0x100, $0x38;
	[tilespmem:$0x1C200] =	vst v63  }
0x44: {  	_ =	swait.ge [sflag:s26], $0x100  }
0x45: {  	[sflag:s26] =	ssyncset.done $0x0  }
0x46: {  	[sflag:s26] =	ssyncadd.s32 $0xFFFFFF00  }
0x47: {  	[tilespmem:s25], [sflag:$0x1] =	stream.indirect.gather [hbm4b:s4+s28], $0x80, s3, s28, $0xb8;
	[tilespmem:$0x1C200] =	vst v63  }
0x48: {  	s11 =	sadd.s32 $0x0, s24  }
0x49: {  	[tilespmem:s29], [sflag:$0x2] =	stream.linear.gather [hbm4b:s11+s3], $0x100, $0x38;
	[tilespmem:$0x1C200] =	vst v63  }
0x4a: {  	_ =	swait.ge [sflag:s26], $0x100  }
0x4b: {  	[sflag:s26] =	ssyncset.done $0x0  }
0x4c: {  	[sflag:s26] =	ssyncadd.s32 $0xFFFFFF00  }
0x4d: {  	[tilespmem:s30], [sflag:$0x1] =	stream.indirect.gather [hbm4b:s4+s28], $0x80, s29, s28, $0xb8;
	[tilespmem:$0x1C200] =	vst v63  }
0x4e: {  	_ =	swait.ge [sflag:s31], $0x4000  }
0x4f: {  	[sflag:s31] =	ssyncset.done $0x0  }
0x50: {  	[sflag:s31] =	ssyncadd.s32 $0xFFFFC000  }
0x51: {  	[spmem:s2] =	stream.indirect.scatter.add.f32 [tilespmem:s25], [sflag:$0x2], $0x80, s28, s28, $0xb8;
	[tilespmem:$0x1C200] =	vst v63  }
0x52: {  	_ =	swait.ge [sflag:s26], $0x4000  }
0x53: {  	[sflag:s26] =	ssyncset.done $0x0  }
0x54: {  	s13 =	sadd.s32 $0x0, s23;
	[sflag:s26] =	ssyncadd.s32 $0xFFFFC000  }
0x55: {  	[tilespmem:s3], [sflag:$0x2] =	stream.linear.gather [hbm4b:s13+s3], $0x100, $0x38;
	[tilespmem:$0x1C200] =	vst v63  }
0x56: {  	_ =	swait.ge [sflag:s26], $0x100  }
0x57: {  	[sflag:s26] =	ssyncset.done $0x0  }
0x58: {  	[sflag:s26] =	ssyncadd.s32 $0xFFFFFF00  }
0x59: {  	[tilespmem:s25], [sflag:$0x1] =	stream.indirect.gather [hbm4b:s4+s28], $0x80, s3, s28, $0xb8;
	[tilespmem:$0x1C200] =	vst v63  }
0x5a: {  	_ =	swait.ge [sflag:s31], $0x4000  }
0x5b: {  	[sflag:s31] =	ssyncset.done $0x0  }
0x5c: {  	[sflag:s31] =	ssyncadd.s32 $0xFFFFC000  }
0x5d: {  	[spmem:s2] =	stream.indirect.scatter.add.f32 [tilespmem:s30], [sflag:$0x2], $0x80, s0, s28, $0xb8;
	[tilespmem:$0x1C200] =	vst v63  }
0x5e: {  	_ =	swait.ge [sflag:s26], $0x4000  }
0x5f: {  	s5 =	simm.s32 $0x40;
	s7 =	simm.s32 $0x80;
	[sflag:s26] =	ssyncset.done $0x0  }
.LBB2_2:
0x60: {  	s9 =	sadd.s32 s5, s24  }
0x61: {  	[sflag:s26] =	ssyncadd.s32 $0xFFFFC000;
	s11 =	smov.u32 s7;
	s13 =	sadd.s32 $0x40, s7  }
0x62: {  	[tilespmem:s29], [sflag:$0x2] =	stream.linear.gather [hbm4b:s9+s3], $0x100, $0x38;
	[tilespmem:$0x1C200] =	vst v63  }
0x63: {  	p0 =	sne.s32 s7, $0x980;
	_ =	swait.ge [sflag:s26], $0x100  }
0x64: {  	[sflag:s26] =	ssyncset.done $0x0  }
0x65: {  	[sflag:s26] =	ssyncadd.s32 $0xFFFFFF00  }
0x66: {  	[tilespmem:s30], [sflag:$0x1] =	stream.indirect.gather [hbm4b:s4+s28], $0x80, s29, s28, $0xb8;
	[tilespmem:$0x1C200] =	vst v63  }
0x67: {  	_ =	swait.ge [sflag:s31], $0x4000  }
0x68: {  	[sflag:s31] =	ssyncset.done $0x0  }
0x69: {  	[sflag:s31] =	ssyncadd.s32 $0xFFFFC000  }
0x6a: {  	[spmem:s2] =	stream.indirect.scatter.add.f32 [tilespmem:s25], [sflag:$0x2], $0x80, s28, s28, $0xb8;
	[tilespmem:$0x1C200] =	vst v63  }
0x6b: {  	_ =	swait.ge [sflag:s26], $0x4000  }
0x6c: {  	[sflag:s26] =	ssyncset.done $0x0  }
0x6d: {  	s7 =	sadd.s32 s5, s23;
	s5 =	smov.u32 s11;
	[sflag:s26] =	ssyncadd.s32 $0xFFFFC000  }
0x6e: {  	[tilespmem:s3], [sflag:$0x2] =	stream.linear.gather [hbm4b:s7+s3], $0x100, $0x38;
	[tilespmem:$0x1C200] =	vst v63  }
0x6f: {  	_ =	swait.ge [sflag:s26], $0x100  }
0x70: {  	[sflag:s26] =	ssyncset.done $0x0  }
0x71: {  	[sflag:s26] =	ssyncadd.s32 $0xFFFFFF00  }
0x72: {  	[tilespmem:s25], [sflag:$0x1] =	stream.indirect.gather [hbm4b:s4+s28], $0x80, s3, s28, $0xb8;
	[tilespmem:$0x1C200] =	vst v63  }
0x73: {  	_ =	swait.ge [sflag:s31], $0x4000  }
.Ltmp0:
0x74: {  	[sflag:s31] =	ssyncset.done $0x0;
	(pc) =	sbr.rel @p0 .LBB2_2-.Ltmp0, $4  }
0x75: {  	[sflag:s31] =	ssyncadd.s32 $0xFFFFC000  }
0x76: {  	[spmem:s2] =	stream.indirect.scatter.add.f32 [tilespmem:s30], [sflag:$0x2], $0x80, s0, s28, $0xb8;
	[tilespmem:$0x1C200] =	vst v63  }
0x77: {  	_ =	swait.ge [sflag:s26], $0x4000  }
0x78: {  	s7 =	smov.u32 s13;
	[sflag:s26] =	ssyncset.done $0x0  }
0x79: {  	s7 =	sadd.s32 s5, s24;
	[sflag:s26] =	ssyncadd.s32 $0xFFFFC000  }
0x7a: {  	[tilespmem:s29], [sflag:$0x2] =	stream.linear.gather [hbm4b:s7+s3], $0x100, $0x38;
	[tilespmem:$0x1C200] =	vst v63  }
0x7b: {  	_ =	swait.ge [sflag:s26], $0x100  }
0x7c: {  	[sflag:s26] =	ssyncset.done $0x0  }
0x7d: {  	[sflag:s26] =	ssyncadd.s32 $0xFFFFFF00  }
0x7e: {  	[tilespmem:s30], [sflag:$0x1] =	stream.indirect.gather [hbm4b:s4+s28], $0x80, s29, s28, $0xb8;
	[tilespmem:$0x1C200] =	vst v63  }
0x7f: {  	_ =	swait.ge [sflag:s31], $0x4000  }
0x80: {  	[sflag:s31] =	ssyncset.done $0x0  }
0x81: {  	[sflag:s31] =	ssyncadd.s32 $0xFFFFC000  }
0x82: {  	[spmem:s2] =	stream.indirect.scatter.add.f32 [tilespmem:s25], [sflag:$0x2], $0x80, s28, s28, $0xb8;
	[tilespmem:$0x1C200] =	vst v63  }
0x83: {  	_ =	swait.ge [sflag:s26], $0x4000  }
0x84: {  	[sflag:s26] =	ssyncset.done $0x0  }
0x85: {  	s13 =	sadd.s32 s5, s23;
	[sflag:s26] =	ssyncadd.s32 $0xFFFFC000  }
0x86: {  	[tilespmem:s3], [sflag:$0x2] =	stream.linear.gather [hbm4b:s13+s3], $0x100, $0x38;
	[tilespmem:$0x1C200] =	vst v63  }
0x87: {  	_ =	swait.ge [sflag:s26], $0x100  }
0x88: {  	[sflag:s26] =	ssyncset.done $0x0  }
0x89: {  	[sflag:s26] =	ssyncadd.s32 $0xFFFFFF00  }
0x8a: {  	[tilespmem:s25], [sflag:$0x1] =	stream.indirect.gather [hbm4b:s4+s28], $0x80, s3, s28, $0xb8;
	[tilespmem:$0x1C200] =	vst v63  }
0x8b: {  	_ =	swait.ge [sflag:s31], $0x4000  }
0x8c: {  	[sflag:s31] =	ssyncset.done $0x0  }
0x8d: {  	[sflag:s31] =	ssyncadd.s32 $0xFFFFC000  }
0x8e: {  	[spmem:s2] =	stream.indirect.scatter.add.f32 [tilespmem:s30], [sflag:$0x2], $0x80, s0, s28, $0xb8;
	[tilespmem:$0x1C200] =	vst v63  }
0x8f: {  	_ =	swait.ge [sflag:s26], $0x4000  }
0x90: {  	[sflag:s26] =	ssyncset.done $0x0  }
0x91: {  	[sflag:s26] =	ssyncadd.s32 $0xFFFFC000  }
0x92: {  	[tilespmem:s29], [sflag:$0x2] =	stream.linear.gather [hbm4b:s22+s3], $0x100, $0x38;
	[tilespmem:$0x1C200] =	vst v63  }
0x93: {  	_ =	swait.ge [sflag:s26], $0x100  }
0x94: {  	[sflag:s26] =	ssyncset.done $0x0  }
0x95: {  	[sflag:s26] =	ssyncadd.s32 $0xFFFFFF00  }
0x96: {  	[tilespmem:s30], [sflag:$0x1] =	stream.indirect.gather [hbm4b:s4+s28], $0x80, s29, s28, $0xb8;
	[tilespmem:$0x1C200] =	vst v63  }
0x97: {  	_ =	swait.ge [sflag:s31], $0x4000  }
0x98: {  	[sflag:s31] =	ssyncset.done $0x0  }
0x99: {  	[sflag:s31] =	ssyncadd.s32 $0xFFFFC000  }
0x9a: {  	[spmem:s2] =	stream.indirect.scatter.add.f32 [tilespmem:s25], [sflag:$0x2], $0x80, s28, s28, $0xb8;
	[tilespmem:$0x1C200] =	vst v63  }
0x9b: {  	_ =	swait.ge [sflag:s26], $0x4000  }
0x9c: {  	[sflag:s26] =	ssyncset.done $0x0  }
0x9d: {  	[sflag:s26] =	ssyncadd.s32 $0xFFFFC000  }
0x9e: {  	_ =	swait.ge [sflag:s31], $0x4000  }
0x9f: {  	[sflag:s31] =	ssyncset.done $0x0  }
0xa0: {  	[sflag:s31] =	ssyncadd.s32 $0xFFFFC000  }
0xa1: {  	[spmem:s2] =	stream.indirect.scatter.add.f32 [tilespmem:s30], [sflag:$0x2], $0x80, s0, s28, $0xb8;
	[tilespmem:$0x1C200] =	vst v63  }
0xa2: {  	_ =	swait.ge [sflag:s26], $0x4000  }
0xa3: {  	[sflag:s26] =	ssyncset.done $0x0  }
0xa4: {  	[sflag:s26] =	ssyncadd.s32 $0xFFFFC000  }
0xa5: {  	[bflag:$0x0] =	sbarrier.arrive $0xFFFF  }
0xa6: {  	[tilespmem:s25], [sflag:$0x2] =	stream.linear.gather [spmem:s6], $0x4000, $0x38;
	[tilespmem:$0x1C200] =	vst v63  }
0xa7: {  	_ =	swait.ge [sflag:s26], $0x4000  }
0xa8: {  	[sflag:s26] =	ssyncset.done $0x0  }
0xa9: {  	[sflag:s26] =	ssyncadd.s32 $0xFFFFC000  }
0xaa: {  	[hbm4b:s16+s3] =	stream.linear.scatter [tilespmem:s25], [sflag:$0x2], $0x4000, $0x38;
	[tilespmem:$0x1C200] =	vst v63  }
0xab: {  	_ =	swait.ge [sflag:s26], $0x4000  }
0xac: {  	[sflag:s26] =	ssyncset.done $0x0  }
0xad: {  	[sflag:s26] =	ssyncadd.s32 $0xFFFFC000  }
0xae: {  	[tilespmem:s25], [sflag:$0x2] =	stream.linear.gather [spmem:s8], $0x4000, $0x38;
	[tilespmem:$0x1C200] =	vst v63  }
0xaf: {  	_ =	swait.ge [sflag:s26], $0x4000  }
0xb0: {  	[sflag:s26] =	ssyncset.done $0x0  }
0xb1: {  	[sflag:s26] =	ssyncadd.s32 $0xFFFFC000  }
0xb2: {  	[hbm4b:s17+s3] =	stream.linear.scatter [tilespmem:s25], [sflag:$0x2], $0x4000, $0x38;
	[tilespmem:$0x1C200] =	vst v63  }
0xb3: {  	_ =	swait.ge [sflag:s26], $0x4000  }
0xb4: {  	[sflag:s26] =	ssyncset.done $0x0  }
0xb5: {  	[sflag:s26] =	ssyncadd.s32 $0xFFFFC000  }
0xb6: {  	[tilespmem:s25], [sflag:$0x2] =	stream.linear.gather [spmem:s10], $0x4000, $0x38;
	[tilespmem:$0x1C200] =	vst v63  }
0xb7: {  	_ =	swait.ge [sflag:s26], $0x4000  }
0xb8: {  	[sflag:s26] =	ssyncset.done $0x0  }
0xb9: {  	[sflag:s26] =	ssyncadd.s32 $0xFFFFC000  }
0xba: {  	[hbm4b:s18+s3] =	stream.linear.scatter [tilespmem:s25], [sflag:$0x2], $0x4000, $0x38;
	[tilespmem:$0x1C200] =	vst v63  }
0xbb: {  	_ =	swait.ge [sflag:s26], $0x4000  }
0xbc: {  	[sflag:s26] =	ssyncset.done $0x0  }
0xbd: {  	[sflag:s26] =	ssyncadd.s32 $0xFFFFC000  }
0xbe: {  	[tilespmem:s25], [sflag:$0x2] =	stream.linear.gather [spmem:s12], $0x4000, $0x38;
	[tilespmem:$0x1C200] =	vst v63  }
0xbf: {  	_ =	swait.ge [sflag:s26], $0x4000  }
0xc0: {  	[sflag:s26] =	ssyncset.done $0x0  }
0xc1: {  	[sflag:s26] =	ssyncadd.s32 $0xFFFFC000  }
0xc2: {  	[hbm4b:s19+s3] =	stream.linear.scatter [tilespmem:s25], [sflag:$0x2], $0x4000, $0x38;
	[tilespmem:$0x1C200] =	vst v63  }
0xc3: {  	_ =	swait.ge [sflag:s26], $0x4000  }
0xc4: {  	[sflag:s26] =	ssyncset.done $0x0  }
0xc5: {  	[sflag:s26] =	ssyncadd.s32 $0xFFFFC000  }
0xc6: {  	[tilespmem:s25], [sflag:$0x2] =	stream.linear.gather [spmem:s14], $0x4000, $0x38;
	[tilespmem:$0x1C200] =	vst v63  }
0xc7: {  	s1 =	sadd.s32 $0x1, s1;
	_ =	swait.ge [sflag:s26], $0x4000  }
0xc8: {  	p0 =	sne.s32 s1, s21;
	[sflag:s26] =	ssyncset.done $0x0  }
.Ltmp1:
0xc9: {  	[sflag:s26] =	ssyncadd.s32 $0xFFFFC000;
	(pc) =	sbr.rel @p0 .LBB2_1-.Ltmp1, $4  }
0xca: {  	[hbm4b:s20+s3] =	stream.linear.scatter [tilespmem:s25], [sflag:$0x2], $0x4000, $0x38;
	[tilespmem:$0x1C200] =	vst v63  }
0xcb: {  	_ =	swait.ge [sflag:s26], $0x4000  }
0xcc: {  	[sflag:s26] =	ssyncset.done $0x0  }
0xcd: {  	[sflag:s26] =	ssyncadd.s32 $0xFFFFC000  }
0xce: {  	_ =	sfence.sel $0x180000  }
0xcf: {  	[bflag:$0x0] =	sbarrier.arrive $0xFFFF  }
0xd0: {  	_ =	strace $0x90000047  }
0xd1: {  	s0 =	stileid.u32;
	[bflag:$0x2] =	sbarrier.arrive $0xFFFF  }
0xd2: {  	p0 =	sne.s32 s0, $0x0;
	s0 =	rddreg [dreg:$0x3]  }
0xd3: {  	s0 =	sadd.s32 @!p0 $0x100000, s0  }
0xd4: {  	[sflag:s0] =	ssyncadd.tile.s32 @!p0 $0x1;
	_ =	shalt  }
.Lfunc_end2:
_tile_overlayer_lowered:
.L_overlay_start_2:
0xd5: {  	(tag) =	ssettag $0x2  }
0xd6: {  	s0 =	rddreg [dreg:$0x0];
	s2 =	stileid.u32  }
0xd7: {  	s1 =	rddreg [dreg:$0x1];
	p0 =	sne.s32 s2, $0x0  }
0xd8: {  	s3 =	rddreg [dreg:$0x2];
	[bflag:$0x3] =	sbarrier.arrive $0xFFFF;
	s2 =	simm.s32 @!p0 $0x1C02  }
0xd9: {  	[timem:s3], [sflag:s2] =	dma.local @!p0 [hbm:s0], s1  }
0xda: {  	s0 =	simm.s32 @!p0 $0x2  }
0xdb: {  	_ =	swait.ge @!p0 [sflag:s0], s1  }
0xdc: {  	s1 =	ssub.s32 @!p0 $0x0, s1;
	[sflag:s0] =	ssyncset.done @!p0 $0x0  }
0xdd: {  	[sflag:s0] =	ssyncadd.s32 @!p0 s1  }
0xde: {  	[bflag:$0x3] =	sbarrier.arrive $0xFFFF  }
0xdf: {  	_ =	shalt  }

// kernel: kernel.8.cloned.1.call-start
scs
__scs_entry_jumppad:
0x0: {  	(pc) =	sbr.rel $0x88, $3  }
0x1: {  	(tag) =	ssettag $0x0;
	lr =	simm.s32 $0x1  }
0x2: {  	[smem:$0x3F9D] =	sst lr;
	_ =	strace $0xD0000000  }
0x3: {  	_ = 	snop  }
0x4: {  	_ = 	snop  }
0x5: {  	_ = 	snop  }
0x6: {  	_ = 	snop  }
0x7: {  	_ = 	snop  }
__scs_overlays_trampoline_lowered:
0x8: {  	[smem:$0x3FAC] =	sst s0  }
0x9: {  	[smem:$0x3FAD] =	sst s1  }
0xa: {  	[smem:$0x3FAE] =	sst s2  }
0xb: {  	[smem:$0x3FAF] =	sst s3  }
0xc: {  	[smem:$0x3FB0] =	sst s4  }
0xd: {  	[smem:$0x3FB1] =	sst s5  }
0xe: {  	[smem:$0x3FB2] =	sst s6  }
0xf: {  	[smem:$0x3FB3] =	sst s7  }
0x10: {  	[smem:$0x3FB4] =	sst s8  }
0x11: {  	[smem:$0x3FB5] =	sst s9;
	s0 =	simm.s32 @!p0 $0x0  }
0x12: {  	s1 =	sld [smem:$0x3F9B];
	s0 =	simm.s32 @p0 $0x1  }
0x13: {  	[smem:$0x3FB6] =	sst s0;
	s0 =	simm.s32 @!p1 $0x0  }
0x14: {  	s2 =	sld [smem:$0x3F9A];
	s0 =	simm.s32 @p1 $0x1  }
0x15: {  	[smem:$0x3FB7] =	sst s0;
	s0 =	simm.s32 @!p2 $0x0  }
0x16: {  	s3 =	sld [smem:$0x3FDB];
	s0 =	simm.s32 @p2 $0x1  }
0x17: {  	s4 =	simm.s32 $0x1BF5;
	[smem:$0x3FB9] =	sst s0  }
0x18: {  	s0 =	sld [smem:$0x3F9C];
	_ =	swait.ge [sflag:s4], $0x0  }
0x19: {  	s7 =	sld [smem:$0x3F9D]  }
0x1a: {  	s8 =	sadd.s32 $0xFFFFE003, lr  }
0x1b: {  	s9 =	sadd.s32 $0xFFFFFEF7, lr;
	s5 =	simm.s32 $0xFFFFFFFF;
	p2 =	slt.u32 s8, $0xFFFFF086  }
0x1c: {  	p1 =	slt.u32 s9, $0xF7A;
	s5 =	simm.s32 @!p2 $0x0  }
0x1d: {  	s5 =	simm.s32 @p1 $0x1;
	p0 =	seq.s32 s7, s2  }
0x1e: {  	s7 =	smul.u32 @!p0 $0xF7A, s2;
	p2 =	seq.s32 @!p0 s5, $0x0  }
0x1f: {  	s9 =	smul.u32 $0xF7A, s1;
	s8 =	simm.s32 @!p0 $0x1BF5;
	p2 =	por !p2, p0  }
0x20: {  	[sflag:s8] =	ssyncset.s32 @!p0 $0xFFFFF086;
	s6 =	sadd.s32 @!p0 s3, s7;
	s7 =	simm.s32 @!p0 $0x108  }
0x21: {  	s3 =	sadd.s32 s3, s9;
	s6 =	sadd.s32 @!p0 $0x88, s6;
	s7 =	simm.s32 @p2 $0x1082  }
0x22: {  	[simem:s7], [sflag:s8] =	dma.local @!p0 [hbm:s6], $0xF7A  }
0x23: {  	s9 =	sor.u32 $0xD0000000, s2;
	s6 =	simm.s32 $0x108;
	_ =	swait.ge @!p0 [sflag:s8], $0x0  }
0x24: {  	s3 =	sadd.s32 $0x88, s3;
	s6 =	simm.s32 @!p1 $0x1082;
	[sflag:s4] =	ssyncset.s32 $0xFFFFF086  }
0x25: {  	[simem:s6], [sflag:s4] =	dma.local [hbm:s3], $0xF7A  }
0x26: {  	[smem:$0x3F9D] =	sst s1;
	(tag) =	ssettag s2;
	_ =	strace s9  }
0x27: {  	s1 =	sld [smem:$0x3FAD]  }
0x28: {  	s2 =	sld [smem:$0x3FAE]  }
0x29: {  	s4 =	sld [smem:$0x3FB0]  }
0x2a: {  	p0 =	seq.s32 s5, $0x0;
	s5 =	sld [smem:$0x3FB1]  }
0x2b: {  	s6 =	sld [smem:$0x3FB2]  }
0x2c: {  	s7 =	sld [smem:$0x3FB3]  }
0x2d: {  	s3 =	simm.s32 $0x108;
	s8 =	sld [smem:$0x3FB4]  }
0x2e: {  	s3 =	simm.s32 @!p0 $0x1082;
	s9 =	sld [smem:$0x3FB5]  }
0x2f: {  	lr =	sadd.s32 s0, s3;
	s0 =	sld [smem:$0x3FAC]  }
0x30: {  	s3 =	sld [smem:$0x3FAF]  }
0x31: {  	[smem:$0x3FB8] =	sst s10  }
0x32: {  	s10 =	sld [smem:$0x3FB6];
	_ =	sdelay $0x3  }
0x33: {  	p0 =	seq.s32 s10, $0x1;
	s10 =	sld [smem:$0x3FB8];
	_ =	sdelay $0x3  }
0x34: {  	[smem:$0x3FB8] =	sst s10  }
0x35: {  	s10 =	sld [smem:$0x3FB7];
	_ =	sdelay $0x3  }
0x36: {  	p1 =	seq.s32 s10, $0x1;
	s10 =	sld [smem:$0x3FB8];
	_ =	sdelay $0x3  }
0x37: {  	[smem:$0x3FB8] =	sst s10  }
0x38: {  	s10 =	sld [smem:$0x3FB9]  }
0x39: {  	_ = 	snop;
	(pc) =	sbr.ind lr, $3  }
0x3a: {  	_ = 	snop  }
0x3b: {  	_ = 	snop  }
0x3c: {  	p2 =	seq.s32 s10, $0x1;
	s10 =	sld [smem:$0x3FB8]  }
0x3d: {  	_ =	shalt  }
0x3e: {  	_ =	shalt  }
0x3f: {  	_ =	shalt  }
0x40: {  	_ =	shalt  }
0x41: {  	_ =	shalt  }
0x42: {  	_ =	shalt  }
0x43: {  	_ =	shalt  }
0x44: {  	_ =	shalt  }
0x45: {  	_ =	shalt  }
0x46: {  	_ =	shalt  }
0x47: {  	_ =	shalt  }
0x48: {  	_ =	shalt  }
0x49: {  	_ =	shalt  }
0x4a: {  	_ =	shalt  }
0x4b: {  	_ =	shalt  }
0x4c: {  	_ =	shalt  }
0x4d: {  	_ =	shalt  }
0x4e: {  	_ =	shalt  }
0x4f: {  	_ =	shalt  }
0x50: {  	_ =	shalt  }
0x51: {  	_ =	shalt  }
0x52: {  	_ =	shalt  }
0x53: {  	_ =	shalt  }
0x54: {  	_ =	shalt  }
0x55: {  	_ =	shalt  }
0x56: {  	_ =	shalt  }
0x57: {  	_ =	shalt  }
0x58: {  	_ =	shalt  }
0x59: {  	_ =	shalt  }
0x5a: {  	_ =	shalt  }
0x5b: {  	_ =	shalt  }
0x5c: {  	_ =	shalt  }
0x5d: {  	_ =	shalt  }
0x5e: {  	_ =	shalt  }
0x5f: {  	_ =	shalt  }
0x60: {  	_ =	shalt  }
0x61: {  	_ =	shalt  }
0x62: {  	_ =	shalt  }
0x63: {  	_ =	shalt  }
0x64: {  	_ =	shalt  }
0x65: {  	_ =	shalt  }
0x66: {  	_ =	shalt  }
0x67: {  	_ =	shalt  }
0x68: {  	_ =	shalt  }
0x69: {  	_ =	shalt  }
0x6a: {  	_ =	shalt  }
0x6b: {  	_ =	shalt  }
0x6c: {  	_ =	shalt  }
0x6d: {  	_ =	shalt  }
0x6e: {  	_ =	shalt  }
0x6f: {  	_ =	shalt  }
0x70: {  	_ =	shalt  }
0x71: {  	_ =	shalt  }
0x72: {  	_ =	shalt  }
0x73: {  	_ =	shalt  }
0x74: {  	_ =	shalt  }
0x75: {  	_ =	shalt  }
0x76: {  	_ =	shalt  }
0x77: {  	_ =	shalt  }
0x78: {  	_ =	shalt  }
0x79: {  	_ =	shalt  }
0x7a: {  	_ =	shalt  }
0x7b: {  	_ =	shalt  }
0x7c: {  	_ =	shalt  }
0x7d: {  	_ =	shalt  }
0x7e: {  	_ =	shalt  }
0x7f: {  	_ =	shalt  }
0x80: {  	_ =	shalt  }
0x81: {  	_ =	shalt  }
0x82: {  	_ =	shalt  }
0x83: {  	_ =	shalt  }
0x84: {  	_ =	shalt  }
0x85: {  	_ =	shalt  }
0x86: {  	_ =	shalt  }
0x87: {  	_ =	shalt  }
.Lfunc_end0:
.L_simem_size_0:
called_computation.1_lowered:
.L_overlay_start_0:
0x88: {  	s2 =	sld [smem:$0x3FD9]  }
0x89: {  	s3 =	sld [smem:$0x3FFE];
	_ =	sdelay $0x1  }
0x8a: {  	s1 =	srdreg.scid  }
0x8b: {  	s0 =	sand.u32 $0x1, s1  }
0x8c: {  	s17 =	sshll.u32 s0, $0xA;
	s2 =	sadd.s32 s3, s2  }
0x8d: {  	s2 =	sadd.s32 s2, s17  }
0x8e: {  	[smem:$0x3FC4] =	sst s2  }
0x8f: {  	_ = 	snop  }
0x90: {  	s2 =	sld [smem:$0x3FD0];
	(tm) =	ssettm $0x1  }
0x91: {  	s18 =	sld [smem:$0x3FFB];
	_ =	sdelay $0x3  }
0x92: {  	_ =	strace s18  }
0x93: {  	s3 =	sld [smem:$0x3FFC];
	_ =	sdelay $0x3  }
0x94: {  	_ =	strace s3  }
0x95: {  	s3 =	sld [smem:$0x3FFD];
	_ =	sdelay $0x3  }
0x96: {  	_ =	strace s3  }
0x97: {  	_ =	strace $0x8FFFFFFF  }
0x98: {  	s19 =	sld [smem:$0x3FDB];
	_ =	sdelay $0x1  }
0x99: {  	s4 =	simm.s32 $_scs_section_size  }
0x9a: {  	s5 =	simm.s32 $_size__tile_overlayer_lowered;
	s6 =	simm.s32 $_tile_overlayer_lowered  }
0x9b: {  	s22 =	simm.s32 $0x1BFF;
	s21 =	sshll.u32 s6, $0x1;
	s3 =	sadd.s32 s4, s19  }
0x9c: {  	s7 =	simm.s32 $0x0;
	s20 =	sshll.u32 s5, $0x1;
	s5 =	sadd.s32 s21, s3  }
0x9d: {  	[timem:s7], [sflag:s22] =	dma.local [hbm:s5], s20  }
0x9e: {  	_ =	swait.ge [sflag:s22], s20  }
0x9f: {  	s4 =	ssub.s32 $0x0, s20;
	[sflag:s22] =	ssyncset.done $0x0  }
0xa0: {  	[sflag:s22] =	ssyncadd.s32 s4;
	_ =	sdelay $0x1  }
0xa1: {  	s23 =	simm.s32 $0x1B8B  }
0xa2: {  	_ =	swait.ge [sflag:s23], $0x1  }
0xa3: {  	[sflag:s23] =	ssyncset.done $0x0  }
0xa4: {  	s25 =	simm.s32 $0x1B8E;
	s24 =	sld [smem:$0x3FFE];
	[sflag:s23] =	ssyncadd.s32 $0xFFFFFFFF  }
0xa5: {  	s26 =	simm.s32 $execute0_lowered;
	[smem:$0x3FD2] =	sst s25  }
0xa6: {  	s5 =	sshll.u32 s26, $0x1;
	_ =	strace $0x80000049;
	[dreg:$0x1] =	wrdreg $0xFFFFFFFF  }
0xa7: {  	s28 =	simm.s32 $_size_execute0_lowered;
	s3 =	sadd.s32 s3, s5;
	[dreg:$0x0] =	wrdreg $0x0  }
0xa8: {  	s5 =	sshll.u32 s28, $0x1;
	[dreg:$0x2] =	wrdreg s3  }
0xa9: {  	[dreg:$0x3] =	wrdreg s5  }
0xaa: {  	[dreg:$0x4] =	wrdreg $0xC0  }
0xab: {  	_ =	task [dreg:s7], $0x5FFFF  }
0xac: {  	[dreg:$0x1] =	wrdreg $0xFFFFFFFF  }
0xad: {  	[dreg:$0x0] =	wrdreg $0x60  }
0xae: {  	[dreg:$0x2] =	wrdreg s24  }
0xaf: {  	[dreg:$0x3] =	wrdreg s2  }
0xb0: {  	[dreg:$0x4] =	wrdreg $0x42000  }
0xb1: {  	[dreg:$0x5] =	wrdreg $0x9  }
0xb2: {  	_ =	task.clear_ibuf [dreg:s7], $0x6FFFF;
	_ =	strace $0x90000049  }
0xb3: {  	s29 =	simm.s32 $0x9;
	_ =	strace $0x8000004B  }
0xb4: {  	_ =	swait.ge [sflag:s29], $0x1  }
0xb5: {  	[sflag:s29] =	ssyncadd.s32 $0xFFFFFFFF  }
0xb6: {  	_ =	strace $0x9000004B  }
0xb7: {  	_ =	sfence  }
0xb8: {  	s30 =	sld [smem:$0x0];
	_ =	sdelay $0x2  }
0xb9: {  	s31 =	sshll.u32 s1, $0xD;
	s1 =	sshrl.u32 s1, $0x2  }
0xba: {  	s3 =	sand.u32 $0x4000, s31;
	s1 =	sadd.s32 s1, s30  }
0xbb: {  	s0 =	sor.u32 s3, s0;
	s1 =	sshll.u32 s1, $0x11  }
0xbc: {  	s0 =	sor.u32 s1, s0  }
0xbd: {  	s0 =	sadd.s32 $0x8F2B, s0  }
0xbe: {  	[sflag:s0] =	ssyncadd.remote.s32 $0x1  }
0xbf: {  	_ =	sfence.sel $0xFFFF  }
0xc0: {  	[dreg:$0x0] =	wrdreg $0xFFFFFFFF;
	(pc) =	sbr.abs _section_cstart, $3  }
0xc1: {  	[dreg:$0x1] =	wrdreg $0xFFFFFFFF  }
0xc2: {  	_ =	task.clear_ibuf [dreg:s7], $0x2FFFF;
	_ =	strace $0x9FFFFFFF  }
0xc3: {  	(tm) =	ssettm $0x7FFFFFFF  }
tec
execute0_lowered:
.L_overlay_start_1:
0x0: {  	(tag) =	ssettag $0x1  }
0x1: {  	s0 =	rddreg [dreg:$0x0]  }
0x2: {  	s1 =	rddreg [dreg:$0x1]  }
0x3: {  	s2 =	rddreg [dreg:$0x2]  }
0x4: {  	s4 =	srdreg.scid;
	s11 =	stileid.u32;
	s3 =	simm.s32 $0x0  }
0x5: {  	s28 =	simm.s32 $0x80;
	s29 =	simm.s32 $0x100;
	s30 =	simm.s32 $0x2200  }
0x6: {  	s31 =	simm.s32 $0x1;
	s5 =	sand.u32 $0x1, s4;
	s6 =	smul.u32 $0x280, s11  }
0x7: {  	[smem:$0x7FF] =	sst s3;
	s4 =	sadd.s32 $0x29800, s0;
	s24 =	smul.u32 $0x28000, s11  }
0x8: {  	s13 =	sadd.s32 $0x1800, s0;
	s0 =	sadd.s32 $0x51800, s0;
	s17 =	smul.u32 $0x50, s11  }
0x9: {  	s7 =	smul.u32 $0x2800, s5;
	_ =	strace $0x8000004A;
	s8 =	ssub.s32 $0x2, s5  }
0xa: {  	s20 =	sshll.u32 s5, $0x4;
	s5 =	smul.u32 $0x500, s5;
	s9 =	sshrl.u32 s8, $0x1  }
0xb: {  	s25 =	sshrl.u32 s24, $0x2;
	s10 =	sor.u32 s11, s20;
	s6 =	sadd.s32 s6, s7  }
0xc: {  	s21 =	ssub.s32 s8, s9;
	s15 =	smul.u32 $0xA00, s10;
	s5 =	sadd.s32 s17, s5  }
0xd: {  	s16 =	sshll.u32 s6, $0x3;
	s5 =	sshll.u32 s5, $0x5;
	s21 =	smax.u32 s21, $0x1  }
0xe: {  	s6 =	sadd.s32 s13, s16;
	s26 =	sadd.s32 $0x400, s16;
	s18 =	sadd.s32 $0x800, s16  }
0xf: {  	s19 =	sadd.s32 $0xC00, s16;
	s20 =	sadd.s32 $0x1000, s16;
	s15 =	sadd.s32 s1, s15  }
0x10: {  	s16 =	sadd.s32 s0, s16;
	[dreg:$0x4] =	wrdreg s6;
	s6 =	sadd.s32 s25, s2  }
0x11: {  	s22 =	sadd.s32 s13, s26;
	s23 =	sadd.s32 s13, s18;
	s24 =	sadd.s32 s13, s19  }
0x12: {  	s25 =	sadd.s32 s13, s20;
	s17 =	sadd.s32 s0, s26;
	s18 =	sadd.s32 s0, s18  }
0x13: {  	s19 =	sadd.s32 s0, s19;
	s20 =	sadd.s32 s0, s20;
	[dreg:$0x5] =	wrdreg s22  }
0x14: {  	s26 =	sadd.s32 s5, s1;
	s0 =	simm.s32 $0x180;
	[dreg:$0x6] =	wrdreg s23  }
0x15: {  	s1 =	simm.s32 $0x0;
	s8 =	sadd.s32 $0x2000, s6;
	[dreg:$0x7] =	wrdreg s24  }
0x16: {  	s10 =	sadd.s32 $0x4000, s6;
	s12 =	sadd.s32 $0x6000, s6;
	[dreg:$0x8] =	wrdreg s25  }
0x17: {  	s14 =	sadd.s32 $0x8000, s6;
	s22 =	sadd.s32 $0x9E0, s15;
	s23 =	sadd.s32 $0x40, s26  }
0x18: {  	s24 =	sadd.s32 $0x20, s26;
	s25 =	simm.s32 $0x200;
	s26 =	simm.s32 $0x2  }
.LBB2_1:
0x19: {  	s5 =	rddreg [dreg:$0x4]  }
0x1a: {  	[tilespmem:s25], [sflag:$0x2] =	stream.linear.gather [hbm4b:s5+s3], $0x2000, $0x38;
	[tilespmem:$0xE200] =	vst v63  }
0x1b: {  	_ =	swait.ge [sflag:s26], $0x2000  }
0x1c: {  	[sflag:s26] =	ssyncset.done $0x0  }
0x1d: {  	[sflag:s26] =	ssyncadd.s32 $0xFFFFE000  }
0x1e: {  	[spmem:s6] =	stream.linear.scatter [tilespmem:s25], [sflag:$0x2], $0x2000, $0x38;
	[tilespmem:$0xE200] =	vst v63  }
0x1f: {  	_ =	swait.ge [sflag:s26], $0x2000  }
0x20: {  	[sflag:s26] =	ssyncset.done $0x0  }
0x21: {  	s11 =	rddreg [dreg:$0x5];
	[sflag:s26] =	ssyncadd.s32 $0xFFFFE000  }
0x22: {  	[tilespmem:s25], [sflag:$0x2] =	stream.linear.gather [hbm4b:s11+s3], $0x2000, $0x38;
	[tilespmem:$0xE200] =	vst v63  }
0x23: {  	_ =	swait.ge [sflag:s26], $0x2000  }
0x24: {  	[sflag:s26] =	ssyncset.done $0x0  }
0x25: {  	[sflag:s26] =	ssyncadd.s32 $0xFFFFE000  }
0x26: {  	[spmem:s8] =	stream.linear.scatter [tilespmem:s25], [sflag:$0x2], $0x2000, $0x38;
	[tilespmem:$0xE200] =	vst v63  }
0x27: {  	_ =	swait.ge [sflag:s26], $0x2000  }
0x28: {  	[sflag:s26] =	ssyncset.done $0x0  }
0x29: {  	s13 =	rddreg [dreg:$0x6];
	[sflag:s26] =	ssyncadd.s32 $0xFFFFE000  }
0x2a: {  	[tilespmem:s25], [sflag:$0x2] =	stream.linear.gather [hbm4b:s13+s3], $0x2000, $0x38;
	[tilespmem:$0xE200] =	vst v63  }
0x2b: {  	_ =	swait.ge [sflag:s26], $0x2000  }
0x2c: {  	[sflag:s26] =	ssyncset.done $0x0  }
0x2d: {  	[sflag:s26] =	ssyncadd.s32 $0xFFFFE000  }
0x2e: {  	[spmem:s10] =	stream.linear.scatter [tilespmem:s25], [sflag:$0x2], $0x2000, $0x38;
	[tilespmem:$0xE200] =	vst v63  }
0x2f: {  	_ =	swait.ge [sflag:s26], $0x2000  }
0x30: {  	[sflag:s26] =	ssyncset.done $0x0  }
0x31: {  	s7 =	rddreg [dreg:$0x7];
	[sflag:s26] =	ssyncadd.s32 $0xFFFFE000  }
0x32: {  	[tilespmem:s25], [sflag:$0x2] =	stream.linear.gather [hbm4b:s7+s3], $0x2000, $0x38;
	[tilespmem:$0xE200] =	vst v63  }
0x33: {  	_ =	swait.ge [sflag:s26], $0x2000  }
0x34: {  	[sflag:s26] =	ssyncset.done $0x0  }
0x35: {  	[sflag:s26] =	ssyncadd.s32 $0xFFFFE000  }
0x36: {  	[spmem:s12] =	stream.linear.scatter [tilespmem:s25], [sflag:$0x2], $0x2000, $0x38;
	[tilespmem:$0xE200] =	vst v63  }
0x37: {  	_ =	swait.ge [sflag:s26], $0x2000  }
0x38: {  	[sflag:s26] =	ssyncset.done $0x0  }
0x39: {  	s9 =	rddreg [dreg:$0x8];
	[sflag:s26] =	ssyncadd.s32 $0xFFFFE000  }
0x3a: {  	[tilespmem:s25], [sflag:$0x2] =	stream.linear.gather [hbm4b:s9+s3], $0x2000, $0x38;
	[tilespmem:$0xE200] =	vst v63  }
0x3b: {  	_ =	swait.ge [sflag:s26], $0x2000  }
0x3c: {  	[sflag:s26] =	ssyncset.done $0x0  }
0x3d: {  	[sflag:s26] =	ssyncadd.s32 $0xFFFFE000  }
0x3e: {  	[spmem:s14] =	stream.linear.scatter [tilespmem:s25], [sflag:$0x2], $0x2000, $0x38;
	[tilespmem:$0xE200] =	vst v63  }
0x3f: {  	_ =	swait.ge [sflag:s26], $0x2000  }
0x40: {  	[sflag:s26] =	ssyncset.done $0x0  }
0x41: {  	[sflag:s26] =	ssyncadd.s32 $0xFFFFE000  }
0x42: {  	[bflag:$0x0] =	sbarrier.arrive $0xFFFF  }
0x43: {  	[tilespmem:s3], [sflag:$0x2] =	stream.linear.gather [hbm4b:s15+s3], $0x100, $0x38;
	[tilespmem:$0xE200] =	vst v63  }
0x44: {  	_ =	swait.ge [sflag:s26], $0x100  }
0x45: {  	[sflag:s26] =	ssyncset.done $0x0  }
0x46: {  	[sflag:s26] =	ssyncadd.s32 $0xFFFFFF00  }
0x47: {  	[tilespmem:s25], [sflag:$0x1] =	stream.indirect.gather [hbm4b:s4+s28], $0x40, s3, s28, $0xb8;
	[tilespmem:$0xE200] =	vst v63  }
0x48: {  	s11 =	sadd.s32 $0x0, s24  }
0x49: {  	[tilespmem:s29], [sflag:$0x2] =	stream.linear.gather [hbm4b:s11+s3], $0x100, $0x38;
	[tilespmem:$0xE200] =	vst v63  }
0x4a: {  	_ =	swait.ge [sflag:s26], $0x100  }
0x4b: {  	[sflag:s26] =	ssyncset.done $0x0  }
0x4c: {  	[sflag:s26] =	ssyncadd.s32 $0xFFFFFF00  }
0x4d: {  	[tilespmem:s30], [sflag:$0x1] =	stream.indirect.gather [hbm4b:s4+s28], $0x40, s29, s28, $0xb8;
	[tilespmem:$0xE200] =	vst v63  }
0x4e: {  	_ =	swait.ge [sflag:s31], $0x2000  }
0x4f: {  	[sflag:s31] =	ssyncset.done $0x0  }
0x50: {  	[sflag:s31] =	ssyncadd.s32 $0xFFFFE000  }
0x51: {  	[spmem:s2] =	stream.indirect.scatter.add.f32 [tilespmem:s25], [sflag:$0x2], $0x40, s28, s28, $0xb8;
	[tilespmem:$0xE200] =	vst v63  }
0x52: {  	_ =	swait.ge [sflag:s26], $0x2000  }
0x53: {  	[sflag:s26] =	ssyncset.done $0x0  }
0x54: {  	s13 =	sadd.s32 $0x0, s23;
	[sflag:s26] =	ssyncadd.s32 $0xFFFFE000  }
0x55: {  	[tilespmem:s3], [sflag:$0x2] =	stream.linear.gather [hbm4b:s13+s3], $0x100, $0x38;
	[tilespmem:$0xE200] =	vst v63  }
0x56: {  	_ =	swait.ge [sflag:s26], $0x100  }
0x57: {  	[sflag:s26] =	ssyncset.done $0x0  }
0x58: {  	[sflag:s26] =	ssyncadd.s32 $0xFFFFFF00  }
0x59: {  	[tilespmem:s25], [sflag:$0x1] =	stream.indirect.gather [hbm4b:s4+s28], $0x40, s3, s28, $0xb8;
	[tilespmem:$0xE200] =	vst v63  }
0x5a: {  	_ =	swait.ge [sflag:s31], $0x2000  }
0x5b: {  	[sflag:s31] =	ssyncset.done $0x0  }
0x5c: {  	[sflag:s31] =	ssyncadd.s32 $0xFFFFE000  }
0x5d: {  	[spmem:s2] =	stream.indirect.scatter.add.f32 [tilespmem:s30], [sflag:$0x2], $0x40, s0, s28, $0xb8;
	[tilespmem:$0xE200] =	vst v63  }
0x5e: {  	_ =	swait.ge [sflag:s26], $0x2000  }
0x5f: {  	s5 =	simm.s32 $0x40;
	s7 =	simm.s32 $0x80;
	[sflag:s26] =	ssyncset.done $0x0  }
.LBB2_2:
0x60: {  	s9 =	sadd.s32 s5, s24  }
0x61: {  	[sflag:s26] =	ssyncadd.s32 $0xFFFFE000;
	s11 =	smov.u32 s7;
	s13 =	sadd.s32 $0x40, s7  }
0x62: {  	[tilespmem:s29], [sflag:$0x2] =	stream.linear.gather [hbm4b:s9+s3], $0x100, $0x38;
	[tilespmem:$0xE200] =	vst v63  }
0x63: {  	p0 =	sne.s32 s7, $0x980;
	_ =	swait.ge [sflag:s26], $0x100  }
0x64: {  	[sflag:s26] =	ssyncset.done $0x0  }
0x65: {  	[sflag:s26] =	ssyncadd.s32 $0xFFFFFF00  }
0x66: {  	[tilespmem:s30], [sflag:$0x1] =	stream.indirect.gather [hbm4b:s4+s28], $0x40, s29, s28, $0xb8;
	[tilespmem:$0xE200] =	vst v63  }
0x67: {  	_ =	swait.ge [sflag:s31], $0x2000  }
0x68: {  	[sflag:s31] =	ssyncset.done $0x0  }
0x69: {  	[sflag:s31] =	ssyncadd.s32 $0xFFFFE000  }
0x6a: {  	[spmem:s2] =	stream.indirect.scatter.add.f32 [tilespmem:s25], [sflag:$0x2], $0x40, s28, s28, $0xb8;
	[tilespmem:$0xE200] =	vst v63  }
0x6b: {  	_ =	swait.ge [sflag:s26], $0x2000  }
0x6c: {  	[sflag:s26] =	ssyncset.done $0x0  }
0x6d: {  	s7 =	sadd.s32 s5, s23;
	s5 =	smov.u32 s11;
	[sflag:s26] =	ssyncadd.s32 $0xFFFFE000  }
0x6e: {  	[tilespmem:s3], [sflag:$0x2] =	stream.linear.gather [hbm4b:s7+s3], $0x100, $0x38;
	[tilespmem:$0xE200] =	vst v63  }
0x6f: {  	_ =	swait.ge [sflag:s26], $0x100  }
0x70: {  	[sflag:s26] =	ssyncset.done $0x0  }
0x71: {  	[sflag:s26] =	ssyncadd.s32 $0xFFFFFF00  }
0x72: {  	[tilespmem:s25], [sflag:$0x1] =	stream.indirect.gather [hbm4b:s4+s28], $0x40, s3, s28, $0xb8;
	[tilespmem:$0xE200] =	vst v63  }
0x73: {  	_ =	swait.ge [sflag:s31], $0x2000  }
.Ltmp0:
0x74: {  	[sflag:s31] =	ssyncset.done $0x0;
	(pc) =	sbr.rel @p0 .LBB2_2-.Ltmp0, $4  }
0x75: {  	[sflag:s31] =	ssyncadd.s32 $0xFFFFE000  }
0x76: {  	[spmem:s2] =	stream.indirect.scatter.add.f32 [tilespmem:s30], [sflag:$0x2], $0x40, s0, s28, $0xb8;
	[tilespmem:$0xE200] =	vst v63  }
0x77: {  	_ =	swait.ge [sflag:s26], $0x2000  }
0x78: {  	s7 =	smov.u32 s13;
	[sflag:s26] =	ssyncset.done $0x0  }
0x79: {  	s7 =	sadd.s32 s5, s24;
	[sflag:s26] =	ssyncadd.s32 $0xFFFFE000  }
0x7a: {  	[tilespmem:s29], [sflag:$0x2] =	stream.linear.gather [hbm4b:s7+s3], $0x100, $0x38;
	[tilespmem:$0xE200] =	vst v63  }
0x7b: {  	_ =	swait.ge [sflag:s26], $0x100  }
0x7c: {  	[sflag:s26] =	ssyncset.done $0x0  }
0x7d: {  	[sflag:s26] =	ssyncadd.s32 $0xFFFFFF00  }
0x7e: {  	[tilespmem:s30], [sflag:$0x1] =	stream.indirect.gather [hbm4b:s4+s28], $0x40, s29, s28, $0xb8;
	[tilespmem:$0xE200] =	vst v63  }
0x7f: {  	_ =	swait.ge [sflag:s31], $0x2000  }
0x80: {  	[sflag:s31] =	ssyncset.done $0x0  }
0x81: {  	[sflag:s31] =	ssyncadd.s32 $0xFFFFE000  }
0x82: {  	[spmem:s2] =	stream.indirect.scatter.add.f32 [tilespmem:s25], [sflag:$0x2], $0x40, s28, s28, $0xb8;
	[tilespmem:$0xE200] =	vst v63  }
0x83: {  	_ =	swait.ge [sflag:s26], $0x2000  }
0x84: {  	[sflag:s26] =	ssyncset.done $0x0  }
0x85: {  	s13 =	sadd.s32 s5, s23;
	[sflag:s26] =	ssyncadd.s32 $0xFFFFE000  }
0x86: {  	[tilespmem:s3], [sflag:$0x2] =	stream.linear.gather [hbm4b:s13+s3], $0x100, $0x38;
	[tilespmem:$0xE200] =	vst v63  }
0x87: {  	_ =	swait.ge [sflag:s26], $0x100  }
0x88: {  	[sflag:s26] =	ssyncset.done $0x0  }
0x89: {  	[sflag:s26] =	ssyncadd.s32 $0xFFFFFF00  }
0x8a: {  	[tilespmem:s25], [sflag:$0x1] =	stream.indirect.gather [hbm4b:s4+s28], $0x40, s3, s28, $0xb8;
	[tilespmem:$0xE200] =	vst v63  }
0x8b: {  	_ =	swait.ge [sflag:s31], $0x2000  }
0x8c: {  	[sflag:s31] =	ssyncset.done $0x0  }
0x8d: {  	[sflag:s31] =	ssyncadd.s32 $0xFFFFE000  }
0x8e: {  	[spmem:s2] =	stream.indirect.scatter.add.f32 [tilespmem:s30], [sflag:$0x2], $0x40, s0, s28, $0xb8;
	[tilespmem:$0xE200] =	vst v63  }
0x8f: {  	_ =	swait.ge [sflag:s26], $0x2000  }
0x90: {  	[sflag:s26] =	ssyncset.done $0x0  }
0x91: {  	[sflag:s26] =	ssyncadd.s32 $0xFFFFE000  }
0x92: {  	[tilespmem:s29], [sflag:$0x2] =	stream.linear.gather [hbm4b:s22+s3], $0x100, $0x38;
	[tilespmem:$0xE200] =	vst v63  }
0x93: {  	_ =	swait.ge [sflag:s26], $0x100  }
0x94: {  	[sflag:s26] =	ssyncset.done $0x0  }
0x95: {  	[sflag:s26] =	ssyncadd.s32 $0xFFFFFF00  }
0x96: {  	[tilespmem:s30], [sflag:$0x1] =	stream.indirect.gather [hbm4b:s4+s28], $0x40, s29, s28, $0xb8;
	[tilespmem:$0xE200] =	vst v63  }
0x97: {  	_ =	swait.ge [sflag:s31], $0x2000  }
0x98: {  	[sflag:s31] =	ssyncset.done $0x0  }
0x99: {  	[sflag:s31] =	ssyncadd.s32 $0xFFFFE000  }
0x9a: {  	[spmem:s2] =	stream.indirect.scatter.add.f32 [tilespmem:s25], [sflag:$0x2], $0x40, s28, s28, $0xb8;
	[tilespmem:$0xE200] =	vst v63  }
0x9b: {  	_ =	swait.ge [sflag:s26], $0x2000  }
0x9c: {  	[sflag:s26] =	ssyncset.done $0x0  }
0x9d: {  	[sflag:s26] =	ssyncadd.s32 $0xFFFFE000  }
0x9e: {  	_ =	swait.ge [sflag:s31], $0x2000  }
0x9f: {  	[sflag:s31] =	ssyncset.done $0x0  }
0xa0: {  	[sflag:s31] =	ssyncadd.s32 $0xFFFFE000  }
0xa1: {  	[spmem:s2] =	stream.indirect.scatter.add.f32 [tilespmem:s30], [sflag:$0x2], $0x40, s0, s28, $0xb8;
	[tilespmem:$0xE200] =	vst v63  }
0xa2: {  	_ =	swait.ge [sflag:s26], $0x2000  }
0xa3: {  	[sflag:s26] =	ssyncset.done $0x0  }
0xa4: {  	[sflag:s26] =	ssyncadd.s32 $0xFFFFE000  }
0xa5: {  	[bflag:$0x0] =	sbarrier.arrive $0xFFFF  }
0xa6: {  	[tilespmem:s25], [sflag:$0x2] =	stream.linear.gather [spmem:s6], $0x2000, $0x38;
	[tilespmem:$0xE200] =	vst v63  }
0xa7: {  	_ =	swait.ge [sflag:s26], $0x2000  }
0xa8: {  	[sflag:s26] =	ssyncset.done $0x0  }
0xa9: {  	[sflag:s26] =	ssyncadd.s32 $0xFFFFE000  }
0xaa: {  	[hbm4b:s16+s3] =	stream.linear.scatter [tilespmem:s25], [sflag:$0x2], $0x2000, $0x38;
	[tilespmem:$0xE200] =	vst v63  }
0xab: {  	_ =	swait.ge [sflag:s26], $0x2000  }
0xac: {  	[sflag:s26] =	ssyncset.done $0x0  }
0xad: {  	[sflag:s26] =	ssyncadd.s32 $0xFFFFE000  }
0xae: {  	[tilespmem:s25], [sflag:$0x2] =	stream.linear.gather [spmem:s8], $0x2000, $0x38;
	[tilespmem:$0xE200] =	vst v63  }
0xaf: {  	_ =	swait.ge [sflag:s26], $0x2000  }
0xb0: {  	[sflag:s26] =	ssyncset.done $0x0  }
0xb1: {  	[sflag:s26] =	ssyncadd.s32 $0xFFFFE000  }
0xb2: {  	[hbm4b:s17+s3] =	stream.linear.scatter [tilespmem:s25], [sflag:$0x2], $0x2000, $0x38;
	[tilespmem:$0xE200] =	vst v63  }
0xb3: {  	_ =	swait.ge [sflag:s26], $0x2000  }
0xb4: {  	[sflag:s26] =	ssyncset.done $0x0  }
0xb5: {  	[sflag:s26] =	ssyncadd.s32 $0xFFFFE000  }
0xb6: {  	[tilespmem:s25], [sflag:$0x2] =	stream.linear.gather [spmem:s10], $0x2000, $0x38;
	[tilespmem:$0xE200] =	vst v63  }
0xb7: {  	_ =	swait.ge [sflag:s26], $0x2000  }
0xb8: {  	[sflag:s26] =	ssyncset.done $0x0  }
0xb9: {  	[sflag:s26] =	ssyncadd.s32 $0xFFFFE000  }
0xba: {  	[hbm4b:s18+s3] =	stream.linear.scatter [tilespmem:s25], [sflag:$0x2], $0x2000, $0x38;
	[tilespmem:$0xE200] =	vst v63  }
0xbb: {  	_ =	swait.ge [sflag:s26], $0x2000  }
0xbc: {  	[sflag:s26] =	ssyncset.done $0x0  }
0xbd: {  	[sflag:s26] =	ssyncadd.s32 $0xFFFFE000  }
0xbe: {  	[tilespmem:s25], [sflag:$0x2] =	stream.linear.gather [spmem:s12], $0x2000, $0x38;
	[tilespmem:$0xE200] =	vst v63  }
0xbf: {  	_ =	swait.ge [sflag:s26], $0x2000  }
0xc0: {  	[sflag:s26] =	ssyncset.done $0x0  }
0xc1: {  	[sflag:s26] =	ssyncadd.s32 $0xFFFFE000  }
0xc2: {  	[hbm4b:s19+s3] =	stream.linear.scatter [tilespmem:s25], [sflag:$0x2], $0x2000, $0x38;
	[tilespmem:$0xE200] =	vst v63  }
0xc3: {  	_ =	swait.ge [sflag:s26], $0x2000  }
0xc4: {  	[sflag:s26] =	ssyncset.done $0x0  }
0xc5: {  	[sflag:s26] =	ssyncadd.s32 $0xFFFFE000  }
0xc6: {  	[tilespmem:s25], [sflag:$0x2] =	stream.linear.gather [spmem:s14], $0x2000, $0x38;
	[tilespmem:$0xE200] =	vst v63  }
0xc7: {  	s1 =	sadd.s32 $0x1, s1;
	_ =	swait.ge [sflag:s26], $0x2000  }
0xc8: {  	p0 =	sne.s32 s1, s21;
	[sflag:s26] =	ssyncset.done $0x0  }
.Ltmp1:
0xc9: {  	[sflag:s26] =	ssyncadd.s32 $0xFFFFE000;
	(pc) =	sbr.rel @p0 .LBB2_1-.Ltmp1, $4  }
0xca: {  	[hbm4b:s20+s3] =	stream.linear.scatter [tilespmem:s25], [sflag:$0x2], $0x2000, $0x38;
	[tilespmem:$0xE200] =	vst v63  }
0xcb: {  	_ =	swait.ge [sflag:s26], $0x2000  }
0xcc: {  	[sflag:s26] =	ssyncset.done $0x0  }
0xcd: {  	[sflag:s26] =	ssyncadd.s32 $0xFFFFE000  }
0xce: {  	_ =	sfence.sel $0x180000  }
0xcf: {  	[bflag:$0x0] =	sbarrier.arrive $0xFFFF  }
0xd0: {  	_ =	strace $0x9000004A  }
0xd1: {  	s0 =	stileid.u32;
	[bflag:$0x2] =	sbarrier.arrive $0xFFFF  }
0xd2: {  	p0 =	sne.s32 s0, $0x0;
	s0 =	rddreg [dreg:$0x3]  }
0xd3: {  	s0 =	sadd.s32 @!p0 $0x100000, s0  }
0xd4: {  	[sflag:s0] =	ssyncadd.tile.s32 @!p0 $0x1;
	_ =	shalt  }
.Lfunc_end2:
_tile_overlayer_lowered:
.L_overlay_start_2:
0xd5: {  	(tag) =	ssettag $0x2  }
0xd6: {  	s0 =	rddreg [dreg:$0x0];
	s2 =	stileid.u32  }
0xd7: {  	s1 =	rddreg [dreg:$0x1];
	p0 =	sne.s32 s2, $0x0  }
0xd8: {  	s3 =	rddreg [dreg:$0x2];
	[bflag:$0x3] =	sbarrier.arrive $0xFFFF;
	s2 =	simm.s32 @!p0 $0x1C02  }
0xd9: {  	[timem:s3], [sflag:s2] =	dma.local @!p0 [hbm:s0], s1  }
0xda: {  	s0 =	simm.s32 @!p0 $0x2  }
0xdb: {  	_ =	swait.ge @!p0 [sflag:s0], s1  }
0xdc: {  	s1 =	ssub.s32 @!p0 $0x0, s1;
	[sflag:s0] =	ssyncset.done @!p0 $0x0  }
0xdd: {  	[sflag:s0] =	ssyncadd.s32 @!p0 s1  }
0xde: {  	[bflag:$0x3] =	sbarrier.arrive $0xFFFF  }
0xdf: {  	_ =	shalt  }

</sc_bundles>
